<compile_context>
chip_gen: v7x
topology: tpu7x:2x2x1
jax: 0.10.2.dev20260603
libtpu: 0.0.44.dev20260713+nightly
codegen_flags: <defaults>
</compile_context>

<pallas_src>
import functools

import jax
import jax.numpy as jnp
from jax import lax
from jax.experimental import pallas as pl
from jax.experimental.pallas import tpu as pltpu
from jax.experimental.pallas import tpu_sc as plsc

N = 10000
E = 320000
D = 128
G = 64
NC = 2
NS = 16
NW = NC * NS
EPW = E // NW
CH = 125
NCHUNK = EPW // CH
SEC = 20
NSEC = NCHUNK // SEC
NPAD = 10112
RPT = NPAD // NS

_mesh = plsc.VectorSubcoreMesh(core_axis_name="c", subcore_axis_name="s")


@functools.partial(
    pl.kernel,
    out_type=jax.ShapeDtypeStruct((NC, NPAD, 16), jnp.float32),
    mesh=_mesh,
    scratch_types=[
        pltpu.VMEM((NCHUNK, CH), jnp.int32),
        pltpu.VMEM((CH, 16), jnp.float32),
        pltpu.VMEM_SHARED((NPAD, 16), jnp.float32),
        pltpu.SemaphoreType.DMA,
    ],
)
def _deg_kernel(dst_hbm, zeros_hbm, out_hbm, didx, ones_v, acc, sem):
    c = lax.axis_index("c")
    s = lax.axis_index("s")
    wid = s * NC + c

    def set_ones(i, carry):
        ones_v[i, :] = jnp.ones((16,), jnp.float32)
        return carry

    lax.fori_loop(0, CH, set_ones, 0)
    pltpu.sync_copy(dst_hbm.at[wid], didx)
    pltpu.sync_copy(zeros_hbm.at[pl.ds(s * RPT, RPT)], acc.at[pl.ds(s * RPT, RPT)])
    plsc.subcore_barrier()

    def body(i, carry):
        pltpu.sync_copy(ones_v, acc.at[didx.at[i]], add=True)
        return carry

    lax.fori_loop(0, NCHUNK, body, 0)
    plsc.subcore_barrier()
    pltpu.sync_copy(acc.at[pl.ds(s * RPT, RPT)], out_hbm.at[c, pl.ds(s * RPT, RPT)])


@functools.partial(
    pl.kernel,
    out_type=jax.ShapeDtypeStruct((NC, NPAD, D), jnp.float32),
    mesh=_mesh,
    scratch_types=[
        pltpu.VMEM((2, SEC, CH), jnp.int32),
        pltpu.VMEM((2, SEC, CH), jnp.int32),
        pltpu.VMEM((2, CH, D), jnp.float32),
        pltpu.VMEM_SHARED((NPAD, D), jnp.float32),
        pltpu.SemaphoreType.DMA,
        pltpu.SemaphoreType.DMA,
        pltpu.SemaphoreType.DMA,
        pltpu.SemaphoreType.DMA,
    ],
)
def _agg_kernel(src_hbm, dst_hbm, g_hbm, zeros_hbm, out_hbm,
                sidx, didx, rows, acc, sem0, sem1, isems, isemd):
    c = lax.axis_index("c")
    s = lax.axis_index("s")
    wid = s * NC + c
    pltpu.sync_copy(src_hbm.at[wid, 0], sidx.at[0])
    pltpu.sync_copy(dst_hbm.at[wid, 0], didx.at[0])
    pltpu.sync_copy(zeros_hbm.at[pl.ds(s * RPT, RPT)], acc.at[pl.ds(s * RPT, RPT)])
    plsc.subcore_barrier()

    pltpu.async_copy(g_hbm.at[sidx.at[0, 0]], rows.at[0], sem0)

    def gather(i, buf, sem):
        sec = i // SEC
        pltpu.async_copy(g_hbm.at[sidx.at[sec % 2, i % SEC]], rows.at[buf], sem)

    def gwait(i, buf, sem):
        sec = i // SEC
        pltpu.make_async_copy(
            g_hbm.at[sidx.at[sec % 2, i % SEC]], rows.at[buf], sem).wait()

    def scatter(i, buf):
        sec = i // SEC
        pltpu.sync_copy(rows.at[buf], acc.at[didx.at[sec % 2, i % SEC]],
                        add=True)

    def body(j, carry):
        i0 = 2 * j
        i1 = i0 + 1
        i2 = i0 + 2
        sec0 = i0 // SEC

        @pl.when((i0 % SEC == 0) & (sec0 + 1 < NSEC))
        def _():
            nxt = sec0 + 1
            pltpu.async_copy(src_hbm.at[wid, nxt], sidx.at[nxt % 2], isems)
            pltpu.async_copy(dst_hbm.at[wid, nxt], didx.at[nxt % 2], isemd)

        @pl.when((i2 < NCHUNK) & (i2 % SEC == 0))
        def _():
            nxt = i2 // SEC
            pltpu.make_async_copy(src_hbm.at[wid, nxt], sidx.at[nxt % 2],
                                  isems).wait()
            pltpu.make_async_copy(dst_hbm.at[wid, nxt], didx.at[nxt % 2],
                                  isemd).wait()

        @pl.when(i1 < NCHUNK)
        def _():
            gather(i1, 1, sem1)

        gwait(i0, 0, sem0)
        scatter(i0, 0)

        @pl.when(i2 < NCHUNK)
        def _():
            gather(i2, 0, sem0)

        @pl.when(i1 < NCHUNK)
        def _():
            gwait(i1, 1, sem1)
            scatter(i1, 1)

        return carry

    lax.fori_loop(0, (NCHUNK + 1) // 2, body, 0)
    plsc.subcore_barrier()
    pltpu.sync_copy(acc.at[pl.ds(s * RPT, RPT)], out_hbm.at[c, pl.ds(s * RPT, RPT)])


def _tc0_body(x_ref, w1_ref, h1_ref):
    h1_ref[:, :] = jnp.dot(x_ref[:, :], w1_ref[:, :],
                           preferred_element_type=jnp.float32)


def _tc1_body(h1_ref, d0_ref, d1_ref, g1_ref, dis_ref):
    deg = 1.0 + d0_ref[:, 0:1] + d1_ref[:, 0:1]
    dis = jnp.broadcast_to(lax.rsqrt(deg), (N, D))
    g1_ref[:, :] = dis * h1_ref[:, :]
    dis_ref[:, :] = dis


def _tc2_body(a0_ref, a1_ref, dis_ref, h1_ref, b1_ref, w2_ref, h2_ref, g2_ref):
    d = dis_ref[:, :]
    h1o = jnp.maximum(
        d * (a0_ref[:, :] + a1_ref[:, :]) + d * d * h1_ref[:, :] + b1_ref[:, :],
        0.0)
    h2 = jnp.dot(h1o, w2_ref[:, :], preferred_element_type=jnp.float32)
    h2_ref[:, :] = h2
    g2_ref[:, :] = d * h2


def _tc3_body(a0_ref, a1_ref, dis_ref, h2_ref, b2_ref, batch_ref, wfc_ref,
              bfc_ref, out_ref):
    d = dis_ref[:, :]
    h2o = jnp.maximum(
        d * (a0_ref[:, :] + a1_ref[:, :]) + d * d * h2_ref[:, :] + b2_ref[:, :],
        0.0)
    gids = lax.broadcasted_iota(jnp.int32, (G, N), 0)
    onehot_t = (gids == batch_ref[:, :]).astype(jnp.float32)
    sums = jnp.dot(onehot_t, h2o, preferred_element_type=jnp.float32)
    cnts = jnp.sum(onehot_t, axis=1, keepdims=True)
    emb = sums / jnp.maximum(cnts, 1.0)
    out_ref[:, :] = (
        jnp.dot(emb, wfc_ref[:, :], preferred_element_type=jnp.float32)
        + bfc_ref[:, :])


_tc0 = pl.pallas_call(
    _tc0_body,
    out_shape=jax.ShapeDtypeStruct((N, D), jnp.float32),
)

_tc1 = pl.pallas_call(
    _tc1_body,
    out_shape=[
        jax.ShapeDtypeStruct((N, D), jnp.float32),
        jax.ShapeDtypeStruct((N, D), jnp.float32),
    ],
)

_tc2 = pl.pallas_call(
    _tc2_body,
    out_shape=[
        jax.ShapeDtypeStruct((N, D), jnp.float32),
        jax.ShapeDtypeStruct((N, D), jnp.float32),
    ],
)

_tc3 = pl.pallas_call(
    _tc3_body,
    out_shape=jax.ShapeDtypeStruct((G, D), jnp.float32),
)


def kernel(x, edge_index, batch, W1, b1, W2, b2, Wfc, bfc):
    src = edge_index[0].reshape(NW, NSEC, SEC, CH)
    dst = edge_index[1].reshape(NW, NSEC, SEC, CH)
    dst_flat = edge_index[1].reshape(NW, NCHUNK, CH)
    zeros16 = jnp.zeros((NPAD, 16), jnp.float32)
    zeros128 = jnp.zeros((NPAD, D), jnp.float32)

    h1 = _tc0(x, W1)
    degp = _deg_kernel(dst_flat, zeros16)
    g1, dis_b = _tc1(h1, degp[0, :N], degp[1, :N])

    accp1 = _agg_kernel(src, dst, g1, zeros128)
    h2, g2 = _tc2(accp1[0, :N], accp1[1, :N], dis_b, h1,
                  b1.reshape(1, D), W2)

    accp2 = _agg_kernel(src, dst, g2, zeros128)
    out = _tc3(accp2[0, :N], accp2[1, :N], dis_b, h2,
               b2.reshape(1, D), batch.reshape(1, N), Wfc,
               bfc.reshape(1, D))
    return out

# --- scband reference (transcript-rebuilt; emitter-appended) ---
"""Pipeline reference for scband-graph-encoder-15968688406922 (READ-ONLY COPY).

The authoritative reference and input builder live on the scoring server;
editing this copy changes nothing except your own understanding.
"""

import jax, jax.numpy as jnp
import numpy as np

N_NODES = 10000
N_EDGES = 320000
D_IN = 128
D_HID = 128
D_OUT = 128
N_GRAPHS = 64


def setup_inputs(seed: int = 0) -> dict:
    key = jax.random.key(seed)
    ks = jax.random.split(key, 10)
    x = jax.random.normal(ks[0], (N_NODES, D_IN), dtype=jnp.float32)
    edge_index = jax.random.randint(ks[1], (2, N_EDGES), 0, N_NODES, dtype=jnp.int32)
    batch = jnp.sort(jax.random.randint(ks[2], (N_NODES,), 0, N_GRAPHS, dtype=jnp.int32))
    s1 = 1.0 / np.sqrt(D_IN)
    s2 = 1.0 / np.sqrt(D_HID)
    W1 = jax.random.uniform(ks[3], (D_IN, D_HID), dtype=jnp.float32, minval=-s1, maxval=s1)
    b1 = jnp.zeros((D_HID,), dtype=jnp.float32)
    W2 = jax.random.uniform(ks[4], (D_HID, D_HID), dtype=jnp.float32, minval=-s2, maxval=s2)
    b2 = jnp.zeros((D_HID,), dtype=jnp.float32)
    Wfc = jax.random.uniform(ks[5], (D_HID, D_OUT), dtype=jnp.float32, minval=-s2, maxval=s2)
    bfc = jax.random.uniform(ks[6], (D_OUT,), dtype=jnp.float32, minval=-s2, maxval=s2)
    return {"x": x, "edge_index": edge_index, "batch": batch,
            "W1": W1, "b1": b1, "W2": W2, "b2": b2, "Wfc": Wfc, "bfc": bfc}


def _gcn_conv(x, src, dst, edge_weight, W, b):
    # PyG GCNConv: symmetric normalization with self-loops (fill_value=1)
    n = x.shape[0]
    loop = jnp.arange(n, dtype=src.dtype)
    src2 = jnp.concatenate([src, loop])
    dst2 = jnp.concatenate([dst, loop])
    ew = jnp.concatenate([edge_weight, jnp.ones((n,), dtype=x.dtype)])
    deg = jax.ops.segment_sum(ew, dst2, num_segments=n)
    dis = jnp.where(deg > 0, jax.lax.rsqrt(jnp.where(deg > 0, deg, 1.0)), 0.0)
    norm = dis[src2] * dis[dst2] * ew
    h = x @ W
    msg = h[src2] * norm[:, None]
    out = jax.ops.segment_sum(msg, dst2, num_segments=n)
    return out + b


def reference(x, edge_index, batch, W1, b1, W2, b2, Wfc, bfc):
    n = x.shape[0]
    src = edge_index[0]
    dst = edge_index[1]
    # mask = (edge_index[0] < N) & (edge_index[1] < N); implemented as edge weights
    mask = (src < n) & (dst < n)
    ew = mask.astype(x.dtype)
    src = jnp.clip(src, 0, n - 1)
    dst = jnp.clip(dst, 0, n - 1)
    h = _gcn_conv(x, src, dst, ew, W1, b1)
    h = jax.nn.relu(h)
    h = _gcn_conv(h, src, dst, ew, W2, b2)
    h = jax.nn.relu(h)
    # global_mean_pool
    b = batch.reshape(-1)
    sums = jax.ops.segment_sum(h, b, num_segments=N_GRAPHS)
    cnts = jax.ops.segment_sum(jnp.ones((n,), dtype=h.dtype), b, num_segments=N_GRAPHS)
    graph_emb = sums / jnp.clip(cnts, 1.0, None)[:, None]
    return graph_emb @ Wfc + bfc

if __name__ == "__main__":
    import jax
    _d = setup_inputs()
    print(jax.jit(kernel)(*tuple(_d.values())))

</pallas_src>

<mosaic_0001>
#map = affine_map<(d0, d1) -> (0, 0, 0, 0)>
#map1 = affine_map<(d0, d1) -> (0, 0)>
#map2 = affine_map<(d0, d1) -> (0, 0, 0)>
module attributes {stable_mosaic.version = 14 : i64} {
  func.func @_agg_kernel(%arg0: i32, %arg1: i32, %arg2: memref<32x4x20x125xi32, #tpu.memory_space<hbm>>, %arg3: memref<32x4x20x125xi32, #tpu.memory_space<hbm>>, %arg4: memref<10000x128xf32, #tpu.memory_space<hbm>>, %arg5: memref<10112x128xf32, #tpu.memory_space<hbm>>, %arg6: memref<2x10112x128xf32, #tpu.memory_space<hbm>>, %arg7: memref<2x20x125xi32, #tpu.memory_space<vmem>>, %arg8: memref<2x20x125xi32, #tpu.memory_space<vmem>>, %arg9: memref<2x125x128xf32, #tpu.memory_space<vmem>>, %arg10: memref<10112x128xf32, #tpu.memory_space<vmem_shared>>, %arg11: memref<!tpu.dma_semaphore, #tpu.memory_space<semaphore_mem>>, %arg12: memref<!tpu.dma_semaphore, #tpu.memory_space<semaphore_mem>>, %arg13: memref<!tpu.dma_semaphore, #tpu.memory_space<semaphore_mem>>, %arg14: memref<!tpu.dma_semaphore, #tpu.memory_space<semaphore_mem>>) attributes {dimension_semantics = [#tpu.dimension_semantics<core_parallel>, #tpu.dimension_semantics<subcore_parallel>], iteration_bounds = array<i64: 2, 16>, scalar_prefetch = 0 : i64, scratch_operands = 8 : i64, tpu.core_type = #tpu.core_type<sc_vector_subcore>, window_params = [{transform_indices = #map}, {transform_indices = #map}, {transform_indices = #map1}, {transform_indices = #map1}, {transform_indices = #map2}]} {
    %mul3A = arith.constant 2 : i32
    %mul3A_0 = arith.muli %arg1, %mul3A : i32
    %add3A = arith.addi %mul3A_0, %arg0 : i32
    %run_scoped3A = arith.constant 0 : i32
    %run_scoped3A_1 = arith.constant 0 : i32
    "tpu.region"() ({
      %run_scoped3A_30 = tpu.sem_alloc : memref<!tpu.dma_semaphore, #tpu.memory_space<semaphore_mem>>
      %dma_start3A_31 = arith.constant 0 : i32
      %dma_start3A_32 = arith.constant 0 : i32
      %dma_start3A_33 = tpu.memref_slice %arg7[%run_scoped3A_1, %dma_start3A_31, %dma_start3A_32] : memref<2x20x125xi32, #tpu.memory_space<vmem>> -> memref<1x20x125xi32, #tpu.memory_space<vmem>>
      %dma_start3A_34 = tpu.memref_squeeze %dma_start3A_33 : memref<1x20x125xi32, #tpu.memory_space<vmem>> -> memref<20x125xi32, #tpu.memory_space<vmem>>
      %dma_start3A_35 = arith.constant 0 : i32
      %dma_start3A_36 = arith.constant 0 : i32
      %dma_start3A_37 = tpu.memref_slice %arg2[%add3A, %run_scoped3A, %dma_start3A_35, %dma_start3A_36] : memref<32x4x20x125xi32, #tpu.memory_space<hbm>> -> memref<1x1x20x125xi32, #tpu.memory_space<hbm>>
      %dma_start3A_38 = tpu.memref_squeeze %dma_start3A_37 : memref<1x1x20x125xi32, #tpu.memory_space<hbm>> -> memref<20x125xi32, #tpu.memory_space<hbm>>
      %dma_start3A_39 = arith.constant 0 : i32
      %dma_start3A_40 = arith.constant 0 : i32
      %dma_start3A_41 = tpu.memref_slice %arg7[%run_scoped3A_1, %dma_start3A_39, %dma_start3A_40] : memref<2x20x125xi32, #tpu.memory_space<vmem>> -> memref<1x20x125xi32, #tpu.memory_space<vmem>>
      %dma_start3A_42 = tpu.memref_squeeze %dma_start3A_41 : memref<1x20x125xi32, #tpu.memory_space<vmem>> -> memref<20x125xi32, #tpu.memory_space<vmem>>
      %dma_start3A_43 = arith.constant 0 : i32
      %dma_start3A_44 = arith.constant 0 : i32
      %dma_start3A_45 = tpu.memref_slice %arg2[%add3A, %run_scoped3A, %dma_start3A_43, %dma_start3A_44] : memref<32x4x20x125xi32, #tpu.memory_space<hbm>> -> memref<1x1x20x125xi32, #tpu.memory_space<hbm>>
      %dma_start3A_46 = tpu.memref_squeeze %dma_start3A_45 : memref<1x1x20x125xi32, #tpu.memory_space<hbm>> -> memref<20x125xi32, #tpu.memory_space<hbm>>
      tpu.enqueue_dma source(%dma_start3A_46 : memref<20x125xi32, #tpu.memory_space<hbm>>) target(%dma_start3A_42 : memref<20x125xi32, #tpu.memory_space<vmem>>) target_semaphore(%run_scoped3A_30 : memref<!tpu.dma_semaphore, #tpu.memory_space<semaphore_mem>>)
      %dma_wait3A = arith.constant 0 : i32
      %dma_wait3A_47 = arith.constant 0 : i32
      %dma_wait3A_48 = tpu.memref_slice %arg7[%run_scoped3A_1, %dma_wait3A, %dma_wait3A_47] : memref<2x20x125xi32, #tpu.memory_space<vmem>> -> memref<1x20x125xi32, #tpu.memory_space<vmem>>
      %dma_wait3A_49 = tpu.memref_squeeze %dma_wait3A_48 : memref<1x20x125xi32, #tpu.memory_space<vmem>> -> memref<20x125xi32, #tpu.memory_space<vmem>>
      %dma_wait3A_50 = arith.constant 0 : i32
      %dma_wait3A_51 = arith.constant 0 : i32
      %dma_wait3A_52 = tpu.memref_slice %arg2[%add3A, %run_scoped3A, %dma_wait3A_50, %dma_wait3A_51] : memref<32x4x20x125xi32, #tpu.memory_space<hbm>> -> memref<1x1x20x125xi32, #tpu.memory_space<hbm>>
      %dma_wait3A_53 = tpu.memref_squeeze %dma_wait3A_52 : memref<1x1x20x125xi32, #tpu.memory_space<hbm>> -> memref<20x125xi32, #tpu.memory_space<hbm>>
      %dma_wait3A_54 = arith.constant 0 : i32
      %dma_wait3A_55 = arith.constant 0 : i32
      %dma_wait3A_56 = tpu.memref_slice %arg7[%run_scoped3A_1, %dma_wait3A_54, %dma_wait3A_55] : memref<2x20x125xi32, #tpu.memory_space<vmem>> -> memref<1x20x125xi32, #tpu.memory_space<vmem>>
      %dma_wait3A_57 = tpu.memref_squeeze %dma_wait3A_56 : memref<1x20x125xi32, #tpu.memory_space<vmem>> -> memref<20x125xi32, #tpu.memory_space<vmem>>
      %dma_wait3A_58 = arith.constant 0 : i32
      %dma_wait3A_59 = arith.constant 0 : i32
      %dma_wait3A_60 = tpu.memref_slice %arg2[%add3A, %run_scoped3A, %dma_wait3A_58, %dma_wait3A_59] : memref<32x4x20x125xi32, #tpu.memory_space<hbm>> -> memref<1x1x20x125xi32, #tpu.memory_space<hbm>>
      %dma_wait3A_61 = tpu.memref_squeeze %dma_wait3A_60 : memref<1x1x20x125xi32, #tpu.memory_space<hbm>> -> memref<20x125xi32, #tpu.memory_space<hbm>>
      tpu.wait_dma2 semaphore(%run_scoped3A_30 : memref<!tpu.dma_semaphore, #tpu.memory_space<semaphore_mem>>) src(%dma_wait3A_61 : memref<20x125xi32, #tpu.memory_space<hbm>>) dst(%dma_wait3A_57 : memref<20x125xi32, #tpu.memory_space<vmem>>)
      tpu.yield
    }) : () -> ()
    %run_scoped3A_2 = arith.constant 0 : i32
    %run_scoped3A_3 = arith.constant 0 : i32
    "tpu.region"() ({
      %run_scoped3A_30 = tpu.sem_alloc : memref<!tpu.dma_semaphore, #tpu.memory_space<semaphore_mem>>
      %dma_start3A_31 = arith.constant 0 : i32
      %dma_start3A_32 = arith.constant 0 : i32
      %dma_start3A_33 = tpu.memref_slice %arg8[%run_scoped3A_3, %dma_start3A_31, %dma_start3A_32] : memref<2x20x125xi32, #tpu.memory_space<vmem>> -> memref<1x20x125xi32, #tpu.memory_space<vmem>>
      %dma_start3A_34 = tpu.memref_squeeze %dma_start3A_33 : memref<1x20x125xi32, #tpu.memory_space<vmem>> -> memref<20x125xi32, #tpu.memory_space<vmem>>
      %dma_start3A_35 = arith.constant 0 : i32
      %dma_start3A_36 = arith.constant 0 : i32
      %dma_start3A_37 = tpu.memref_slice %arg3[%add3A, %run_scoped3A_2, %dma_start3A_35, %dma_start3A_36] : memref<32x4x20x125xi32, #tpu.memory_space<hbm>> -> memref<1x1x20x125xi32, #tpu.memory_space<hbm>>
      %dma_start3A_38 = tpu.memref_squeeze %dma_start3A_37 : memref<1x1x20x125xi32, #tpu.memory_space<hbm>> -> memref<20x125xi32, #tpu.memory_space<hbm>>
      %dma_start3A_39 = arith.constant 0 : i32
      %dma_start3A_40 = arith.constant 0 : i32
      %dma_start3A_41 = tpu.memref_slice %arg8[%run_scoped3A_3, %dma_start3A_39, %dma_start3A_40] : memref<2x20x125xi32, #tpu.memory_space<vmem>> -> memref<1x20x125xi32, #tpu.memory_space<vmem>>
      %dma_start3A_42 = tpu.memref_squeeze %dma_start3A_41 : memref<1x20x125xi32, #tpu.memory_space<vmem>> -> memref<20x125xi32, #tpu.memory_space<vmem>>
      %dma_start3A_43 = arith.constant 0 : i32
      %dma_start3A_44 = arith.constant 0 : i32
      %dma_start3A_45 = tpu.memref_slice %arg3[%add3A, %run_scoped3A_2, %dma_start3A_43, %dma_start3A_44] : memref<32x4x20x125xi32, #tpu.memory_space<hbm>> -> memref<1x1x20x125xi32, #tpu.memory_space<hbm>>
      %dma_start3A_46 = tpu.memref_squeeze %dma_start3A_45 : memref<1x1x20x125xi32, #tpu.memory_space<hbm>> -> memref<20x125xi32, #tpu.memory_space<hbm>>
      tpu.enqueue_dma source(%dma_start3A_46 : memref<20x125xi32, #tpu.memory_space<hbm>>) target(%dma_start3A_42 : memref<20x125xi32, #tpu.memory_space<vmem>>) target_semaphore(%run_scoped3A_30 : memref<!tpu.dma_semaphore, #tpu.memory_space<semaphore_mem>>)
      %dma_wait3A = arith.constant 0 : i32
      %dma_wait3A_47 = arith.constant 0 : i32
      %dma_wait3A_48 = tpu.memref_slice %arg8[%run_scoped3A_3, %dma_wait3A, %dma_wait3A_47] : memref<2x20x125xi32, #tpu.memory_space<vmem>> -> memref<1x20x125xi32, #tpu.memory_space<vmem>>
      %dma_wait3A_49 = tpu.memref_squeeze %dma_wait3A_48 : memref<1x20x125xi32, #tpu.memory_space<vmem>> -> memref<20x125xi32, #tpu.memory_space<vmem>>
      %dma_wait3A_50 = arith.constant 0 : i32
      %dma_wait3A_51 = arith.constant 0 : i32
      %dma_wait3A_52 = tpu.memref_slice %arg3[%add3A, %run_scoped3A_2, %dma_wait3A_50, %dma_wait3A_51] : memref<32x4x20x125xi32, #tpu.memory_space<hbm>> -> memref<1x1x20x125xi32, #tpu.memory_space<hbm>>
      %dma_wait3A_53 = tpu.memref_squeeze %dma_wait3A_52 : memref<1x1x20x125xi32, #tpu.memory_space<hbm>> -> memref<20x125xi32, #tpu.memory_space<hbm>>
      %dma_wait3A_54 = arith.constant 0 : i32
      %dma_wait3A_55 = arith.constant 0 : i32
      %dma_wait3A_56 = tpu.memref_slice %arg8[%run_scoped3A_3, %dma_wait3A_54, %dma_wait3A_55] : memref<2x20x125xi32, #tpu.memory_space<vmem>> -> memref<1x20x125xi32, #tpu.memory_space<vmem>>
      %dma_wait3A_57 = tpu.memref_squeeze %dma_wait3A_56 : memref<1x20x125xi32, #tpu.memory_space<vmem>> -> memref<20x125xi32, #tpu.memory_space<vmem>>
      %dma_wait3A_58 = arith.constant 0 : i32
      %dma_wait3A_59 = arith.constant 0 : i32
      %dma_wait3A_60 = tpu.memref_slice %arg3[%add3A, %run_scoped3A_2, %dma_wait3A_58, %dma_wait3A_59] : memref<32x4x20x125xi32, #tpu.memory_space<hbm>> -> memref<1x1x20x125xi32, #tpu.memory_space<hbm>>
      %dma_wait3A_61 = tpu.memref_squeeze %dma_wait3A_60 : memref<1x1x20x125xi32, #tpu.memory_space<hbm>> -> memref<20x125xi32, #tpu.memory_space<hbm>>
      tpu.wait_dma2 semaphore(%run_scoped3A_30 : memref<!tpu.dma_semaphore, #tpu.memory_space<semaphore_mem>>) src(%dma_wait3A_61 : memref<20x125xi32, #tpu.memory_space<hbm>>) dst(%dma_wait3A_57 : memref<20x125xi32, #tpu.memory_space<vmem>>)
      tpu.yield
    }) : () -> ()
    %mul3A_4 = arith.constant 632 : i32
    %mul3A_5 = arith.muli %arg1, %mul3A_4 : i32
    %mul3A_6 = arith.constant 632 : i32
    %mul3A_7 = arith.muli %arg1, %mul3A_6 : i32
    "tpu.region"() ({
      %run_scoped3A_30 = tpu.sem_alloc : memref<!tpu.dma_semaphore, #tpu.memory_space<semaphore_mem>>
      %dma_start3A_31 = arith.constant 0 : i32
      %dma_start3A_32 = tpu.memref_slice %arg10[%mul3A_7, %dma_start3A_31] : memref<10112x128xf32, #tpu.memory_space<vmem_shared>> -> memref<632x128xf32, #tpu.memory_space<vmem_shared>>
      %dma_start3A_33 = arith.constant 0 : i32
      %dma_start3A_34 = tpu.memref_slice %arg5[%mul3A_5, %dma_start3A_33] : memref<10112x128xf32, #tpu.memory_space<hbm>> -> memref<632x128xf32, #tpu.memory_space<hbm>>
      tpu.enqueue_dma source(%dma_start3A_34 : memref<632x128xf32, #tpu.memory_space<hbm>>) target(%dma_start3A_32 : memref<632x128xf32, #tpu.memory_space<vmem_shared>>) target_semaphore(%run_scoped3A_30 : memref<!tpu.dma_semaphore, #tpu.memory_space<semaphore_mem>>)
      %dma_wait3A = arith.constant 0 : i32
      %dma_wait3A_35 = tpu.memref_slice %arg10[%mul3A_7, %dma_wait3A] : memref<10112x128xf32, #tpu.memory_space<vmem_shared>> -> memref<632x128xf32, #tpu.memory_space<vmem_shared>>
      %dma_wait3A_36 = arith.constant 0 : i32
      %dma_wait3A_37 = tpu.memref_slice %arg5[%mul3A_5, %dma_wait3A_36] : memref<10112x128xf32, #tpu.memory_space<hbm>> -> memref<632x128xf32, #tpu.memory_space<hbm>>
      tpu.wait_dma2 semaphore(%run_scoped3A_30 : memref<!tpu.dma_semaphore, #tpu.memory_space<semaphore_mem>>) src(%dma_wait3A_37 : memref<632x128xf32, #tpu.memory_space<hbm>>) dst(%dma_wait3A_35 : memref<632x128xf32, #tpu.memory_space<vmem_shared>>)
      tpu.yield
    }) : () -> ()
    %barrier3A = arith.constant 0 : index
    tpu.barrier barrier_id(%barrier3A)
    %dma_start3A = arith.constant 0 : i32
    %dma_start3A_8 = arith.constant 0 : i32
    %dma_start3A_9 = arith.constant 0 : i32
    %dma_start3A_10 = arith.constant 0 : i32
    %dma_start3A_11 = arith.constant 0 : i32
    %dma_start3A_12 = tpu.memref_slice %arg9[%dma_start3A_9, %dma_start3A_10, %dma_start3A_11] : memref<2x125x128xf32, #tpu.memory_space<vmem>> -> memref<1x125x128xf32, #tpu.memory_space<vmem>>
    %dma_start3A_13 = tpu.memref_squeeze %dma_start3A_12 : memref<1x125x128xf32, #tpu.memory_space<vmem>> -> memref<125x128xf32, #tpu.memory_space<vmem>>
    %dma_start3A_14 = arith.constant 0 : i32
    %dma_start3A_15 = tpu.memref_slice %arg7[%dma_start3A, %dma_start3A_8, %dma_start3A_14] : memref<2x20x125xi32, #tpu.memory_space<vmem>> -> memref<1x1x125xi32, #tpu.memory_space<vmem>>
    %dma_start3A_16 = tpu.memref_squeeze %dma_start3A_15 : memref<1x1x125xi32, #tpu.memory_space<vmem>> -> memref<125xi32, #tpu.memory_space<vmem>>
    %dma_start3A_17 = arith.constant 0 : i32
    %dma_start3A_18 = arith.constant 0 : i32
    %dma_start3A_19 = tpu.memref_slice %arg4[%dma_start3A_17, %dma_start3A_18] : memref<10000x128xf32, #tpu.memory_space<hbm>> -> memref<10000x128xf32, #tpu.memory_space<hbm>>
    tpu.enqueue_indirect_dma source(%dma_start3A_19 : memref<10000x128xf32, #tpu.memory_space<hbm>>) target(%dma_start3A_13 : memref<125x128xf32, #tpu.memory_space<vmem>>) offsets(%dma_start3A_16 : memref<125xi32, #tpu.memory_space<vmem>>) semaphore(%arg11 : memref<!tpu.dma_semaphore, #tpu.memory_space<semaphore_mem>>)
    %scan3A = arith.constant 0 : i32
    %scan3A_20 = arith.constant 0 : i32
    %scan3A_21 = arith.constant 40 : i32
    %scan3A_22 = arith.addi %scan3A_20, %scan3A_21 : i32
    %scan3A_23 = arith.constant 1 : i32
    scf.for %scan3A_30 = %scan3A_20 to %scan3A_22 step %scan3A_23  : i32 {
      %mul3A_31 = arith.constant 2 : i32
      %mul3A_32 = arith.muli %mul3A_31, %scan3A_30 : i32
      %add3A_33 = arith.constant 1 : i32
      %add3A_34 = arith.addi %mul3A_32, %add3A_33 : i32
      %add3A_35 = arith.constant 2 : i32
      %add3A_36 = arith.addi %mul3A_32, %add3A_35 : i32
      %jit3A = arith.constant 20 : i32
      %div3A = arith.divsi %mul3A_32, %jit3A : i32
      %sign3A = arith.constant 0 : i32
      %sign3A_37 = arith.cmpi sgt, %mul3A_32, %sign3A : i32
      %sign3A_38 = arith.extui %sign3A_37 : i1 to i32
      %sign3A_39 = arith.constant 0 : i32
      %sign3A_40 = arith.cmpi slt, %mul3A_32, %sign3A_39 : i32
      %sign3A_41 = arith.extui %sign3A_40 : i1 to i32
      %sign3A_42 = arith.subi %sign3A_38, %sign3A_41 : i32
      %sign3A_43 = arith.constant 0 : i32
      %sign3A_44 = arith.cmpi sgt, %jit3A, %sign3A_43 : i32
      %sign3A_45 = arith.extui %sign3A_44 : i1 to i32
      %sign3A_46 = arith.constant 0 : i32
      %sign3A_47 = arith.cmpi slt, %jit3A, %sign3A_46 : i32
      %sign3A_48 = arith.extui %sign3A_47 : i1 to i32
      %sign3A_49 = arith.subi %sign3A_45, %sign3A_48 : i32
      %ne3A = arith.cmpi ne, %sign3A_42, %sign3A_49 : i32
      %rem3A = arith.remsi %mul3A_32, %jit3A : i32
      %ne3A_50 = arith.constant 0 : i32
      %ne3A_51 = arith.cmpi ne, %rem3A, %ne3A_50 : i32
      %and3A = arith.andi %ne3A, %ne3A_51 : i1
      %sub3A = arith.constant 1 : i32
      %sub3A_52 = arith.subi %div3A, %sub3A : i32
      %select_n3A = arith.select %and3A, %sub3A_52, %div3A : i32
      %jit3A_53 = arith.constant 20 : i32
      %eq3A = arith.constant 0 : i32
      %eq3A_54 = arith.cmpi eq, %jit3A_53, %eq3A : i32
      %jit3A_55 = arith.constant 1 : i32
      %select_n3A_56 = arith.select %eq3A_54, %jit3A_55, %jit3A_53 : i32
      %rem3A_57 = arith.remsi %mul3A_32, %select_n3A_56 : i32
      %ne3A_58 = arith.constant 0 : i32
      %ne3A_59 = arith.cmpi ne, %rem3A_57, %ne3A_58 : i32
      %lt3A = arith.constant 0 : i32
      %lt3A_60 = arith.cmpi slt, %rem3A_57, %lt3A : i32
      %lt3A_61 = arith.constant 0 : i32
      %lt3A_62 = arith.cmpi slt, %select_n3A_56, %lt3A_61 : i32
      %ne3A_63 = arith.xori %lt3A_60, %lt3A_62 : i1
      %and3A_64 = arith.andi %ne3A_63, %ne3A_59 : i1
      %add3A_65 = arith.addi %rem3A_57, %select_n3A_56 : i32
      %select_n3A_66 = arith.select %and3A_64, %add3A_65, %rem3A_57 : i32
      %eq3A_67 = arith.constant 0 : i32
      %eq3A_68 = arith.cmpi eq, %select_n3A_66, %eq3A_67 : i32
      %add3A_69 = arith.constant 1 : i32
      %add3A_70 = arith.addi %select_n3A, %add3A_69 : i32
      %lt3A_71 = arith.constant 4 : i32
      %lt3A_72 = arith.cmpi slt, %add3A_70, %lt3A_71 : i32
      %and3A_73 = arith.andi %eq3A_68, %lt3A_72 : i1
      %convert_element_type3A = arith.extui %and3A_73 : i1 to i32
      %cond3A = arith.constant 0 : i32
      %cond3A_74 = arith.cmpi ne, %convert_element_type3A, %cond3A : i32
      scf.if %cond3A_74 {
        %add3A_237 = arith.constant 1 : i32
        %add3A_238 = arith.addi %select_n3A, %add3A_237 : i32
        %jit3A_239 = arith.constant 2 : i32
        %eq3A_240 = arith.constant 0 : i32
        %eq3A_241 = arith.cmpi eq, %jit3A_239, %eq3A_240 : i32
        %jit3A_242 = arith.constant 1 : i32
        %select_n3A_243 = arith.select %eq3A_241, %jit3A_242, %jit3A_239 : i32
        %rem3A_244 = arith.remsi %add3A_238, %select_n3A_243 : i32
        %ne3A_245 = arith.constant 0 : i32
        %ne3A_246 = arith.cmpi ne, %rem3A_244, %ne3A_245 : i32
        %lt3A_247 = arith.constant 0 : i32
        %lt3A_248 = arith.cmpi slt, %rem3A_244, %lt3A_247 : i32
        %lt3A_249 = arith.constant 0 : i32
        %lt3A_250 = arith.cmpi slt, %select_n3A_243, %lt3A_249 : i32
        %ne3A_251 = arith.xori %lt3A_248, %lt3A_250 : i1
        %and3A_252 = arith.andi %ne3A_251, %ne3A_246 : i1
        %add3A_253 = arith.addi %rem3A_244, %select_n3A_243 : i32
        %select_n3A_254 = arith.select %and3A_252, %add3A_253, %rem3A_244 : i32
        %dma_start3A_255 = arith.constant 0 : i32
        %dma_start3A_256 = arith.constant 0 : i32
        %dma_start3A_257 = tpu.memref_slice %arg7[%select_n3A_254, %dma_start3A_255, %dma_start3A_256] : memref<2x20x125xi32, #tpu.memory_space<vmem>> -> memref<1x20x125xi32, #tpu.memory_space<vmem>>
        %dma_start3A_258 = tpu.memref_squeeze %dma_start3A_257 : memref<1x20x125xi32, #tpu.memory_space<vmem>> -> memref<20x125xi32, #tpu.memory_space<vmem>>
        %dma_start3A_259 = arith.constant 0 : i32
        %dma_start3A_260 = arith.constant 0 : i32
        %dma_start3A_261 = tpu.memref_slice %arg2[%add3A, %add3A_238, %dma_start3A_259, %dma_start3A_260] : memref<32x4x20x125xi32, #tpu.memory_space<hbm>> -> memref<1x1x20x125xi32, #tpu.memory_space<hbm>>
        %dma_start3A_262 = tpu.memref_squeeze %dma_start3A_261 : memref<1x1x20x125xi32, #tpu.memory_space<hbm>> -> memref<20x125xi32, #tpu.memory_space<hbm>>
        %dma_start3A_263 = arith.constant 0 : i32
        %dma_start3A_264 = arith.constant 0 : i32
        %dma_start3A_265 = tpu.memref_slice %arg7[%select_n3A_254, %dma_start3A_263, %dma_start3A_264] : memref<2x20x125xi32, #tpu.memory_space<vmem>> -> memref<1x20x125xi32, #tpu.memory_space<vmem>>
        %dma_start3A_266 = tpu.memref_squeeze %dma_start3A_265 : memref<1x20x125xi32, #tpu.memory_space<vmem>> -> memref<20x125xi32, #tpu.memory_space<vmem>>
        %dma_start3A_267 = arith.constant 0 : i32
        %dma_start3A_268 = arith.constant 0 : i32
        %dma_start3A_269 = tpu.memref_slice %arg2[%add3A, %add3A_238, %dma_start3A_267, %dma_start3A_268] : memref<32x4x20x125xi32, #tpu.memory_space<hbm>> -> memref<1x1x20x125xi32, #tpu.memory_space<hbm>>
        %dma_start3A_270 = tpu.memref_squeeze %dma_start3A_269 : memref<1x1x20x125xi32, #tpu.memory_space<hbm>> -> memref<20x125xi32, #tpu.memory_space<hbm>>
        tpu.enqueue_dma source(%dma_start3A_270 : memref<20x125xi32, #tpu.memory_space<hbm>>) target(%dma_start3A_266 : memref<20x125xi32, #tpu.memory_space<vmem>>) target_semaphore(%arg13 : memref<!tpu.dma_semaphore, #tpu.memory_space<semaphore_mem>>)
        %jit3A_271 = arith.constant 2 : i32
        %eq3A_272 = arith.constant 0 : i32
        %eq3A_273 = arith.cmpi eq, %jit3A_271, %eq3A_272 : i32
        %jit3A_274 = arith.constant 1 : i32
        %select_n3A_275 = arith.select %eq3A_273, %jit3A_274, %jit3A_271 : i32
        %rem3A_276 = arith.remsi %add3A_238, %select_n3A_275 : i32
        %ne3A_277 = arith.constant 0 : i32
        %ne3A_278 = arith.cmpi ne, %rem3A_276, %ne3A_277 : i32
        %lt3A_279 = arith.constant 0 : i32
        %lt3A_280 = arith.cmpi slt, %rem3A_276, %lt3A_279 : i32
        %lt3A_281 = arith.constant 0 : i32
        %lt3A_282 = arith.cmpi slt, %select_n3A_275, %lt3A_281 : i32
        %ne3A_283 = arith.xori %lt3A_280, %lt3A_282 : i1
        %and3A_284 = arith.andi %ne3A_283, %ne3A_278 : i1
        %add3A_285 = arith.addi %rem3A_276, %select_n3A_275 : i32
        %select_n3A_286 = arith.select %and3A_284, %add3A_285, %rem3A_276 : i32
        %dma_start3A_287 = arith.constant 0 : i32
        %dma_start3A_288 = arith.constant 0 : i32
        %dma_start3A_289 = tpu.memref_slice %arg8[%select_n3A_286, %dma_start3A_287, %dma_start3A_288] : memref<2x20x125xi32, #tpu.memory_space<vmem>> -> memref<1x20x125xi32, #tpu.memory_space<vmem>>
        %dma_start3A_290 = tpu.memref_squeeze %dma_start3A_289 : memref<1x20x125xi32, #tpu.memory_space<vmem>> -> memref<20x125xi32, #tpu.memory_space<vmem>>
        %dma_start3A_291 = arith.constant 0 : i32
        %dma_start3A_292 = arith.constant 0 : i32
        %dma_start3A_293 = tpu.memref_slice %arg3[%add3A, %add3A_238, %dma_start3A_291, %dma_start3A_292] : memref<32x4x20x125xi32, #tpu.memory_space<hbm>> -> memref<1x1x20x125xi32, #tpu.memory_space<hbm>>
        %dma_start3A_294 = tpu.memref_squeeze %dma_start3A_293 : memref<1x1x20x125xi32, #tpu.memory_space<hbm>> -> memref<20x125xi32, #tpu.memory_space<hbm>>
        %dma_start3A_295 = arith.constant 0 : i32
        %dma_start3A_296 = arith.constant 0 : i32
        %dma_start3A_297 = tpu.memref_slice %arg8[%select_n3A_286, %dma_start3A_295, %dma_start3A_296] : memref<2x20x125xi32, #tpu.memory_space<vmem>> -> memref<1x20x125xi32, #tpu.memory_space<vmem>>
        %dma_start3A_298 = tpu.memref_squeeze %dma_start3A_297 : memref<1x20x125xi32, #tpu.memory_space<vmem>> -> memref<20x125xi32, #tpu.memory_space<vmem>>
        %dma_start3A_299 = arith.constant 0 : i32
        %dma_start3A_300 = arith.constant 0 : i32
        %dma_start3A_301 = tpu.memref_slice %arg3[%add3A, %add3A_238, %dma_start3A_299, %dma_start3A_300] : memref<32x4x20x125xi32, #tpu.memory_space<hbm>> -> memref<1x1x20x125xi32, #tpu.memory_space<hbm>>
        %dma_start3A_302 = tpu.memref_squeeze %dma_start3A_301 : memref<1x1x20x125xi32, #tpu.memory_space<hbm>> -> memref<20x125xi32, #tpu.memory_space<hbm>>
        tpu.enqueue_dma source(%dma_start3A_302 : memref<20x125xi32, #tpu.memory_space<hbm>>) target(%dma_start3A_298 : memref<20x125xi32, #tpu.memory_space<vmem>>) target_semaphore(%arg14 : memref<!tpu.dma_semaphore, #tpu.memory_space<semaphore_mem>>)
      } else {
      }
      %lt3A_75 = arith.constant 80 : i32
      %lt3A_76 = arith.cmpi slt, %add3A_36, %lt3A_75 : i32
      %jit3A_77 = arith.constant 20 : i32
      %eq3A_78 = arith.constant 0 : i32
      %eq3A_79 = arith.cmpi eq, %jit3A_77, %eq3A_78 : i32
      %jit3A_80 = arith.constant 1 : i32
      %select_n3A_81 = arith.select %eq3A_79, %jit3A_80, %jit3A_77 : i32
      %rem3A_82 = arith.remsi %add3A_36, %select_n3A_81 : i32
      %ne3A_83 = arith.constant 0 : i32
      %ne3A_84 = arith.cmpi ne, %rem3A_82, %ne3A_83 : i32
      %lt3A_85 = arith.constant 0 : i32
      %lt3A_86 = arith.cmpi slt, %rem3A_82, %lt3A_85 : i32
      %lt3A_87 = arith.constant 0 : i32
      %lt3A_88 = arith.cmpi slt, %select_n3A_81, %lt3A_87 : i32
      %ne3A_89 = arith.xori %lt3A_86, %lt3A_88 : i1
      %and3A_90 = arith.andi %ne3A_89, %ne3A_84 : i1
      %add3A_91 = arith.addi %rem3A_82, %select_n3A_81 : i32
      %select_n3A_92 = arith.select %and3A_90, %add3A_91, %rem3A_82 : i32
      %eq3A_93 = arith.constant 0 : i32
      %eq3A_94 = arith.cmpi eq, %select_n3A_92, %eq3A_93 : i32
      %and3A_95 = arith.andi %lt3A_76, %eq3A_94 : i1
      %convert_element_type3A_96 = arith.extui %and3A_95 : i1 to i32
      %cond3A_97 = arith.constant 0 : i32
      %cond3A_98 = arith.cmpi ne, %convert_element_type3A_96, %cond3A_97 : i32
      scf.if %cond3A_98 {
        %jit3A_237 = arith.constant 20 : i32
        %div3A_238 = arith.divsi %add3A_36, %jit3A_237 : i32
        %sign3A_239 = arith.constant 0 : i32
        %sign3A_240 = arith.cmpi sgt, %add3A_36, %sign3A_239 : i32
        %sign3A_241 = arith.extui %sign3A_240 : i1 to i32
        %sign3A_242 = arith.constant 0 : i32
        %sign3A_243 = arith.cmpi slt, %add3A_36, %sign3A_242 : i32
        %sign3A_244 = arith.extui %sign3A_243 : i1 to i32
        %sign3A_245 = arith.subi %sign3A_241, %sign3A_244 : i32
        %sign3A_246 = arith.constant 0 : i32
        %sign3A_247 = arith.cmpi sgt, %jit3A_237, %sign3A_246 : i32
        %sign3A_248 = arith.extui %sign3A_247 : i1 to i32
        %sign3A_249 = arith.constant 0 : i32
        %sign3A_250 = arith.cmpi slt, %jit3A_237, %sign3A_249 : i32
        %sign3A_251 = arith.extui %sign3A_250 : i1 to i32
        %sign3A_252 = arith.subi %sign3A_248, %sign3A_251 : i32
        %ne3A_253 = arith.cmpi ne, %sign3A_245, %sign3A_252 : i32
        %rem3A_254 = arith.remsi %add3A_36, %jit3A_237 : i32
        %ne3A_255 = arith.constant 0 : i32
        %ne3A_256 = arith.cmpi ne, %rem3A_254, %ne3A_255 : i32
        %and3A_257 = arith.andi %ne3A_253, %ne3A_256 : i1
        %sub3A_258 = arith.constant 1 : i32
        %sub3A_259 = arith.subi %div3A_238, %sub3A_258 : i32
        %select_n3A_260 = arith.select %and3A_257, %sub3A_259, %div3A_238 : i32
        %jit3A_261 = arith.constant 2 : i32
        %eq3A_262 = arith.constant 0 : i32
        %eq3A_263 = arith.cmpi eq, %jit3A_261, %eq3A_262 : i32
        %jit3A_264 = arith.constant 1 : i32
        %select_n3A_265 = arith.select %eq3A_263, %jit3A_264, %jit3A_261 : i32
        %rem3A_266 = arith.remsi %select_n3A_260, %select_n3A_265 : i32
        %ne3A_267 = arith.constant 0 : i32
        %ne3A_268 = arith.cmpi ne, %rem3A_266, %ne3A_267 : i32
        %lt3A_269 = arith.constant 0 : i32
        %lt3A_270 = arith.cmpi slt, %rem3A_266, %lt3A_269 : i32
        %lt3A_271 = arith.constant 0 : i32
        %lt3A_272 = arith.cmpi slt, %select_n3A_265, %lt3A_271 : i32
        %ne3A_273 = arith.xori %lt3A_270, %lt3A_272 : i1
        %and3A_274 = arith.andi %ne3A_273, %ne3A_268 : i1
        %add3A_275 = arith.addi %rem3A_266, %select_n3A_265 : i32
        %select_n3A_276 = arith.select %and3A_274, %add3A_275, %rem3A_266 : i32
        %dma_wait3A_277 = arith.constant 0 : i32
        %dma_wait3A_278 = arith.constant 0 : i32
        %dma_wait3A_279 = tpu.memref_slice %arg7[%select_n3A_276, %dma_wait3A_277, %dma_wait3A_278] : memref<2x20x125xi32, #tpu.memory_space<vmem>> -> memref<1x20x125xi32, #tpu.memory_space<vmem>>
        %dma_wait3A_280 = tpu.memref_squeeze %dma_wait3A_279 : memref<1x20x125xi32, #tpu.memory_space<vmem>> -> memref<20x125xi32, #tpu.memory_space<vmem>>
        %dma_wait3A_281 = arith.constant 0 : i32
        %dma_wait3A_282 = arith.constant 0 : i32
        %dma_wait3A_283 = tpu.memref_slice %arg2[%add3A, %select_n3A_260, %dma_wait3A_281, %dma_wait3A_282] : memref<32x4x20x125xi32, #tpu.memory_space<hbm>> -> memref<1x1x20x125xi32, #tpu.memory_space<hbm>>
        %dma_wait3A_284 = tpu.memref_squeeze %dma_wait3A_283 : memref<1x1x20x125xi32, #tpu.memory_space<hbm>> -> memref<20x125xi32, #tpu.memory_space<hbm>>
        %dma_wait3A_285 = arith.constant 0 : i32
        %dma_wait3A_286 = arith.constant 0 : i32
        %dma_wait3A_287 = tpu.memref_slice %arg7[%select_n3A_276, %dma_wait3A_285, %dma_wait3A_286] : memref<2x20x125xi32, #tpu.memory_space<vmem>> -> memref<1x20x125xi32, #tpu.memory_space<vmem>>
        %dma_wait3A_288 = tpu.memref_squeeze %dma_wait3A_287 : memref<1x20x125xi32, #tpu.memory_space<vmem>> -> memref<20x125xi32, #tpu.memory_space<vmem>>
        %dma_wait3A_289 = arith.constant 0 : i32
        %dma_wait3A_290 = arith.constant 0 : i32
        %dma_wait3A_291 = tpu.memref_slice %arg2[%add3A, %select_n3A_260, %dma_wait3A_289, %dma_wait3A_290] : memref<32x4x20x125xi32, #tpu.memory_space<hbm>> -> memref<1x1x20x125xi32, #tpu.memory_space<hbm>>
        %dma_wait3A_292 = tpu.memref_squeeze %dma_wait3A_291 : memref<1x1x20x125xi32, #tpu.memory_space<hbm>> -> memref<20x125xi32, #tpu.memory_space<hbm>>
        tpu.wait_dma2 semaphore(%arg13 : memref<!tpu.dma_semaphore, #tpu.memory_space<semaphore_mem>>) src(%dma_wait3A_292 : memref<20x125xi32, #tpu.memory_space<hbm>>) dst(%dma_wait3A_288 : memref<20x125xi32, #tpu.memory_space<vmem>>)
        %jit3A_293 = arith.constant 2 : i32
        %eq3A_294 = arith.constant 0 : i32
        %eq3A_295 = arith.cmpi eq, %jit3A_293, %eq3A_294 : i32
        %jit3A_296 = arith.constant 1 : i32
        %select_n3A_297 = arith.select %eq3A_295, %jit3A_296, %jit3A_293 : i32
        %rem3A_298 = arith.remsi %select_n3A_260, %select_n3A_297 : i32
        %ne3A_299 = arith.constant 0 : i32
        %ne3A_300 = arith.cmpi ne, %rem3A_298, %ne3A_299 : i32
        %lt3A_301 = arith.constant 0 : i32
        %lt3A_302 = arith.cmpi slt, %rem3A_298, %lt3A_301 : i32
        %lt3A_303 = arith.constant 0 : i32
        %lt3A_304 = arith.cmpi slt, %select_n3A_297, %lt3A_303 : i32
        %ne3A_305 = arith.xori %lt3A_302, %lt3A_304 : i1
        %and3A_306 = arith.andi %ne3A_305, %ne3A_300 : i1
        %add3A_307 = arith.addi %rem3A_298, %select_n3A_297 : i32
        %select_n3A_308 = arith.select %and3A_306, %add3A_307, %rem3A_298 : i32
        %dma_wait3A_309 = arith.constant 0 : i32
        %dma_wait3A_310 = arith.constant 0 : i32
        %dma_wait3A_311 = tpu.memref_slice %arg8[%select_n3A_308, %dma_wait3A_309, %dma_wait3A_310] : memref<2x20x125xi32, #tpu.memory_space<vmem>> -> memref<1x20x125xi32, #tpu.memory_space<vmem>>
        %dma_wait3A_312 = tpu.memref_squeeze %dma_wait3A_311 : memref<1x20x125xi32, #tpu.memory_space<vmem>> -> memref<20x125xi32, #tpu.memory_space<vmem>>
        %dma_wait3A_313 = arith.constant 0 : i32
        %dma_wait3A_314 = arith.constant 0 : i32
        %dma_wait3A_315 = tpu.memref_slice %arg3[%add3A, %select_n3A_260, %dma_wait3A_313, %dma_wait3A_314] : memref<32x4x20x125xi32, #tpu.memory_space<hbm>> -> memref<1x1x20x125xi32, #tpu.memory_space<hbm>>
        %dma_wait3A_316 = tpu.memref_squeeze %dma_wait3A_315 : memref<1x1x20x125xi32, #tpu.memory_space<hbm>> -> memref<20x125xi32, #tpu.memory_space<hbm>>
        %dma_wait3A_317 = arith.constant 0 : i32
        %dma_wait3A_318 = arith.constant 0 : i32
        %dma_wait3A_319 = tpu.memref_slice %arg8[%select_n3A_308, %dma_wait3A_317, %dma_wait3A_318] : memref<2x20x125xi32, #tpu.memory_space<vmem>> -> memref<1x20x125xi32, #tpu.memory_space<vmem>>
        %dma_wait3A_320 = tpu.memref_squeeze %dma_wait3A_319 : memref<1x20x125xi32, #tpu.memory_space<vmem>> -> memref<20x125xi32, #tpu.memory_space<vmem>>
        %dma_wait3A_321 = arith.constant 0 : i32
        %dma_wait3A_322 = arith.constant 0 : i32
        %dma_wait3A_323 = tpu.memref_slice %arg3[%add3A, %select_n3A_260, %dma_wait3A_321, %dma_wait3A_322] : memref<32x4x20x125xi32, #tpu.memory_space<hbm>> -> memref<1x1x20x125xi32, #tpu.memory_space<hbm>>
        %dma_wait3A_324 = tpu.memref_squeeze %dma_wait3A_323 : memref<1x1x20x125xi32, #tpu.memory_space<hbm>> -> memref<20x125xi32, #tpu.memory_space<hbm>>
        tpu.wait_dma2 semaphore(%arg14 : memref<!tpu.dma_semaphore, #tpu.memory_space<semaphore_mem>>) src(%dma_wait3A_324 : memref<20x125xi32, #tpu.memory_space<hbm>>) dst(%dma_wait3A_320 : memref<20x125xi32, #tpu.memory_space<vmem>>)
      } else {
      }
      %lt3A_99 = arith.constant 80 : i32
      %lt3A_100 = arith.cmpi slt, %add3A_34, %lt3A_99 : i32
      %convert_element_type3A_101 = arith.extui %lt3A_100 : i1 to i32
      %cond3A_102 = arith.constant 0 : i32
      %cond3A_103 = arith.cmpi ne, %convert_element_type3A_101, %cond3A_102 : i32
      scf.if %cond3A_103 {
        %jit3A_237 = arith.constant 20 : i32
        %div3A_238 = arith.divsi %add3A_34, %jit3A_237 : i32
        %sign3A_239 = arith.constant 0 : i32
        %sign3A_240 = arith.cmpi sgt, %add3A_34, %sign3A_239 : i32
        %sign3A_241 = arith.extui %sign3A_240 : i1 to i32
        %sign3A_242 = arith.constant 0 : i32
        %sign3A_243 = arith.cmpi slt, %add3A_34, %sign3A_242 : i32
        %sign3A_244 = arith.extui %sign3A_243 : i1 to i32
        %sign3A_245 = arith.subi %sign3A_241, %sign3A_244 : i32
        %sign3A_246 = arith.constant 0 : i32
        %sign3A_247 = arith.cmpi sgt, %jit3A_237, %sign3A_246 : i32
        %sign3A_248 = arith.extui %sign3A_247 : i1 to i32
        %sign3A_249 = arith.constant 0 : i32
        %sign3A_250 = arith.cmpi slt, %jit3A_237, %sign3A_249 : i32
        %sign3A_251 = arith.extui %sign3A_250 : i1 to i32
        %sign3A_252 = arith.subi %sign3A_248, %sign3A_251 : i32
        %ne3A_253 = arith.cmpi ne, %sign3A_245, %sign3A_252 : i32
        %rem3A_254 = arith.remsi %add3A_34, %jit3A_237 : i32
        %ne3A_255 = arith.constant 0 : i32
        %ne3A_256 = arith.cmpi ne, %rem3A_254, %ne3A_255 : i32
        %and3A_257 = arith.andi %ne3A_253, %ne3A_256 : i1
        %sub3A_258 = arith.constant 1 : i32
        %sub3A_259 = arith.subi %div3A_238, %sub3A_258 : i32
        %select_n3A_260 = arith.select %and3A_257, %sub3A_259, %div3A_238 : i32
        %jit3A_261 = arith.constant 2 : i32
        %eq3A_262 = arith.constant 0 : i32
        %eq3A_263 = arith.cmpi eq, %jit3A_261, %eq3A_262 : i32
        %jit3A_264 = arith.constant 1 : i32
        %select_n3A_265 = arith.select %eq3A_263, %jit3A_264, %jit3A_261 : i32
        %rem3A_266 = arith.remsi %select_n3A_260, %select_n3A_265 : i32
        %ne3A_267 = arith.constant 0 : i32
        %ne3A_268 = arith.cmpi ne, %rem3A_266, %ne3A_267 : i32
        %lt3A_269 = arith.constant 0 : i32
        %lt3A_270 = arith.cmpi slt, %rem3A_266, %lt3A_269 : i32
        %lt3A_271 = arith.constant 0 : i32
        %lt3A_272 = arith.cmpi slt, %select_n3A_265, %lt3A_271 : i32
        %ne3A_273 = arith.xori %lt3A_270, %lt3A_272 : i1
        %and3A_274 = arith.andi %ne3A_273, %ne3A_268 : i1
        %add3A_275 = arith.addi %rem3A_266, %select_n3A_265 : i32
        %select_n3A_276 = arith.select %and3A_274, %add3A_275, %rem3A_266 : i32
        %jit3A_277 = arith.constant 20 : i32
        %eq3A_278 = arith.constant 0 : i32
        %eq3A_279 = arith.cmpi eq, %jit3A_277, %eq3A_278 : i32
        %jit3A_280 = arith.constant 1 : i32
        %select_n3A_281 = arith.select %eq3A_279, %jit3A_280, %jit3A_277 : i32
        %rem3A_282 = arith.remsi %add3A_34, %select_n3A_281 : i32
        %ne3A_283 = arith.constant 0 : i32
        %ne3A_284 = arith.cmpi ne, %rem3A_282, %ne3A_283 : i32
        %lt3A_285 = arith.constant 0 : i32
        %lt3A_286 = arith.cmpi slt, %rem3A_282, %lt3A_285 : i32
        %lt3A_287 = arith.constant 0 : i32
        %lt3A_288 = arith.cmpi slt, %select_n3A_281, %lt3A_287 : i32
        %ne3A_289 = arith.xori %lt3A_286, %lt3A_288 : i1
        %and3A_290 = arith.andi %ne3A_289, %ne3A_284 : i1
        %add3A_291 = arith.addi %rem3A_282, %select_n3A_281 : i32
        %select_n3A_292 = arith.select %and3A_290, %add3A_291, %rem3A_282 : i32
        %dma_start3A_293 = arith.constant 1 : i32
        %dma_start3A_294 = arith.constant 0 : i32
        %dma_start3A_295 = arith.constant 0 : i32
        %dma_start3A_296 = tpu.memref_slice %arg9[%dma_start3A_293, %dma_start3A_294, %dma_start3A_295] : memref<2x125x128xf32, #tpu.memory_space<vmem>> -> memref<1x125x128xf32, #tpu.memory_space<vmem>>
        %dma_start3A_297 = tpu.memref_squeeze %dma_start3A_296 : memref<1x125x128xf32, #tpu.memory_space<vmem>> -> memref<125x128xf32, #tpu.memory_space<vmem>>
        %dma_start3A_298 = arith.constant 0 : i32
        %dma_start3A_299 = tpu.memref_slice %arg7[%select_n3A_276, %select_n3A_292, %dma_start3A_298] : memref<2x20x125xi32, #tpu.memory_space<vmem>> -> memref<1x1x125xi32, #tpu.memory_space<vmem>>
        %dma_start3A_300 = tpu.memref_squeeze %dma_start3A_299 : memref<1x1x125xi32, #tpu.memory_space<vmem>> -> memref<125xi32, #tpu.memory_space<vmem>>
        %dma_start3A_301 = arith.constant 0 : i32
        %dma_start3A_302 = arith.constant 0 : i32
        %dma_start3A_303 = tpu.memref_slice %arg4[%dma_start3A_301, %dma_start3A_302] : memref<10000x128xf32, #tpu.memory_space<hbm>> -> memref<10000x128xf32, #tpu.memory_space<hbm>>
        tpu.enqueue_indirect_dma source(%dma_start3A_303 : memref<10000x128xf32, #tpu.memory_space<hbm>>) target(%dma_start3A_297 : memref<125x128xf32, #tpu.memory_space<vmem>>) offsets(%dma_start3A_300 : memref<125xi32, #tpu.memory_space<vmem>>) semaphore(%arg12 : memref<!tpu.dma_semaphore, #tpu.memory_space<semaphore_mem>>)
      } else {
      }
      %jit3A_104 = arith.constant 20 : i32
      %div3A_105 = arith.divsi %mul3A_32, %jit3A_104 : i32
      %sign3A_106 = arith.constant 0 : i32
      %sign3A_107 = arith.cmpi sgt, %mul3A_32, %sign3A_106 : i32
      %sign3A_108 = arith.extui %sign3A_107 : i1 to i32
      %sign3A_109 = arith.constant 0 : i32
      %sign3A_110 = arith.cmpi slt, %mul3A_32, %sign3A_109 : i32
      %sign3A_111 = arith.extui %sign3A_110 : i1 to i32
      %sign3A_112 = arith.subi %sign3A_108, %sign3A_111 : i32
      %sign3A_113 = arith.constant 0 : i32
      %sign3A_114 = arith.cmpi sgt, %jit3A_104, %sign3A_113 : i32
      %sign3A_115 = arith.extui %sign3A_114 : i1 to i32
      %sign3A_116 = arith.constant 0 : i32
      %sign3A_117 = arith.cmpi slt, %jit3A_104, %sign3A_116 : i32
      %sign3A_118 = arith.extui %sign3A_117 : i1 to i32
      %sign3A_119 = arith.subi %sign3A_115, %sign3A_118 : i32
      %ne3A_120 = arith.cmpi ne, %sign3A_112, %sign3A_119 : i32
      %rem3A_121 = arith.remsi %mul3A_32, %jit3A_104 : i32
      %ne3A_122 = arith.constant 0 : i32
      %ne3A_123 = arith.cmpi ne, %rem3A_121, %ne3A_122 : i32
      %and3A_124 = arith.andi %ne3A_120, %ne3A_123 : i1
      %sub3A_125 = arith.constant 1 : i32
      %sub3A_126 = arith.subi %div3A_105, %sub3A_125 : i32
      %select_n3A_127 = arith.select %and3A_124, %sub3A_126, %div3A_105 : i32
      %jit3A_128 = arith.constant 2 : i32
      %eq3A_129 = arith.constant 0 : i32
      %eq3A_130 = arith.cmpi eq, %jit3A_128, %eq3A_129 : i32
      %jit3A_131 = arith.constant 1 : i32
      %select_n3A_132 = arith.select %eq3A_130, %jit3A_131, %jit3A_128 : i32
      %rem3A_133 = arith.remsi %select_n3A_127, %select_n3A_132 : i32
      %ne3A_134 = arith.constant 0 : i32
      %ne3A_135 = arith.cmpi ne, %rem3A_133, %ne3A_134 : i32
      %lt3A_136 = arith.constant 0 : i32
      %lt3A_137 = arith.cmpi slt, %rem3A_133, %lt3A_136 : i32
      %lt3A_138 = arith.constant 0 : i32
      %lt3A_139 = arith.cmpi slt, %select_n3A_132, %lt3A_138 : i32
      %ne3A_140 = arith.xori %lt3A_137, %lt3A_139 : i1
      %and3A_141 = arith.andi %ne3A_140, %ne3A_135 : i1
      %add3A_142 = arith.addi %rem3A_133, %select_n3A_132 : i32
      %select_n3A_143 = arith.select %and3A_141, %add3A_142, %rem3A_133 : i32
      %jit3A_144 = arith.constant 20 : i32
      %eq3A_145 = arith.constant 0 : i32
      %eq3A_146 = arith.cmpi eq, %jit3A_144, %eq3A_145 : i32
      %jit3A_147 = arith.constant 1 : i32
      %select_n3A_148 = arith.select %eq3A_146, %jit3A_147, %jit3A_144 : i32
      %rem3A_149 = arith.remsi %mul3A_32, %select_n3A_148 : i32
      %ne3A_150 = arith.constant 0 : i32
      %ne3A_151 = arith.cmpi ne, %rem3A_149, %ne3A_150 : i32
      %lt3A_152 = arith.constant 0 : i32
      %lt3A_153 = arith.cmpi slt, %rem3A_149, %lt3A_152 : i32
      %lt3A_154 = arith.constant 0 : i32
      %lt3A_155 = arith.cmpi slt, %select_n3A_148, %lt3A_154 : i32
      %ne3A_156 = arith.xori %lt3A_153, %lt3A_155 : i1
      %and3A_157 = arith.andi %ne3A_156, %ne3A_151 : i1
      %add3A_158 = arith.addi %rem3A_149, %select_n3A_148 : i32
      %select_n3A_159 = arith.select %and3A_157, %add3A_158, %rem3A_149 : i32
      %dma_wait3A = arith.constant 0 : i32
      %dma_wait3A_160 = arith.constant 0 : i32
      %dma_wait3A_161 = arith.constant 0 : i32
      %dma_wait3A_162 = tpu.memref_slice %arg9[%dma_wait3A, %dma_wait3A_160, %dma_wait3A_161] : memref<2x125x128xf32, #tpu.memory_space<vmem>> -> memref<1x125x128xf32, #tpu.memory_space<vmem>>
      %dma_wait3A_163 = tpu.memref_squeeze %dma_wait3A_162 : memref<1x125x128xf32, #tpu.memory_space<vmem>> -> memref<125x128xf32, #tpu.memory_space<vmem>>
      %dma_wait3A_164 = arith.constant 0 : i32
      %dma_wait3A_165 = tpu.memref_slice %arg7[%select_n3A_143, %select_n3A_159, %dma_wait3A_164] : memref<2x20x125xi32, #tpu.memory_space<vmem>> -> memref<1x1x125xi32, #tpu.memory_space<vmem>>
      %dma_wait3A_166 = tpu.memref_squeeze %dma_wait3A_165 : memref<1x1x125xi32, #tpu.memory_space<vmem>> -> memref<125xi32, #tpu.memory_space<vmem>>
      %dma_wait3A_167 = arith.constant 0 : i32
      %dma_wait3A_168 = arith.constant 0 : i32
      %dma_wait3A_169 = tpu.memref_slice %arg4[%dma_wait3A_167, %dma_wait3A_168] : memref<10000x128xf32, #tpu.memory_space<hbm>> -> memref<10000x128xf32, #tpu.memory_space<hbm>>
      tpu.wait_indirect_dma semaphore(%arg11 : memref<!tpu.dma_semaphore, #tpu.memory_space<semaphore_mem>>) src(%dma_wait3A_169 : memref<10000x128xf32, #tpu.memory_space<hbm>>) dst(%dma_wait3A_163 : memref<125x128xf32, #tpu.memory_space<vmem>>)
      %jit3A_170 = arith.constant 20 : i32
      %div3A_171 = arith.divsi %mul3A_32, %jit3A_170 : i32
      %sign3A_172 = arith.constant 0 : i32
      %sign3A_173 = arith.cmpi sgt, %mul3A_32, %sign3A_172 : i32
      %sign3A_174 = arith.extui %sign3A_173 : i1 to i32
      %sign3A_175 = arith.constant 0 : i32
      %sign3A_176 = arith.cmpi slt, %mul3A_32, %sign3A_175 : i32
      %sign3A_177 = arith.extui %sign3A_176 : i1 to i32
      %sign3A_178 = arith.subi %sign3A_174, %sign3A_177 : i32
      %sign3A_179 = arith.constant 0 : i32
      %sign3A_180 = arith.cmpi sgt, %jit3A_170, %sign3A_179 : i32
      %sign3A_181 = arith.extui %sign3A_180 : i1 to i32
      %sign3A_182 = arith.constant 0 : i32
      %sign3A_183 = arith.cmpi slt, %jit3A_170, %sign3A_182 : i32
      %sign3A_184 = arith.extui %sign3A_183 : i1 to i32
      %sign3A_185 = arith.subi %sign3A_181, %sign3A_184 : i32
      %ne3A_186 = arith.cmpi ne, %sign3A_178, %sign3A_185 : i32
      %rem3A_187 = arith.remsi %mul3A_32, %jit3A_170 : i32
      %ne3A_188 = arith.constant 0 : i32
      %ne3A_189 = arith.cmpi ne, %rem3A_187, %ne3A_188 : i32
      %and3A_190 = arith.andi %ne3A_186, %ne3A_189 : i1
      %sub3A_191 = arith.constant 1 : i32
      %sub3A_192 = arith.subi %div3A_171, %sub3A_191 : i32
      %select_n3A_193 = arith.select %and3A_190, %sub3A_192, %div3A_171 : i32
      %jit3A_194 = arith.constant 2 : i32
      %eq3A_195 = arith.constant 0 : i32
      %eq3A_196 = arith.cmpi eq, %jit3A_194, %eq3A_195 : i32
      %jit3A_197 = arith.constant 1 : i32
      %select_n3A_198 = arith.select %eq3A_196, %jit3A_197, %jit3A_194 : i32
      %rem3A_199 = arith.remsi %select_n3A_193, %select_n3A_198 : i32
      %ne3A_200 = arith.constant 0 : i32
      %ne3A_201 = arith.cmpi ne, %rem3A_199, %ne3A_200 : i32
      %lt3A_202 = arith.constant 0 : i32
      %lt3A_203 = arith.cmpi slt, %rem3A_199, %lt3A_202 : i32
      %lt3A_204 = arith.constant 0 : i32
      %lt3A_205 = arith.cmpi slt, %select_n3A_198, %lt3A_204 : i32
      %ne3A_206 = arith.xori %lt3A_203, %lt3A_205 : i1
      %and3A_207 = arith.andi %ne3A_206, %ne3A_201 : i1
      %add3A_208 = arith.addi %rem3A_199, %select_n3A_198 : i32
      %select_n3A_209 = arith.select %and3A_207, %add3A_208, %rem3A_199 : i32
      %jit3A_210 = arith.constant 20 : i32
      %eq3A_211 = arith.constant 0 : i32
      %eq3A_212 = arith.cmpi eq, %jit3A_210, %eq3A_211 : i32
      %jit3A_213 = arith.constant 1 : i32
      %select_n3A_214 = arith.select %eq3A_212, %jit3A_213, %jit3A_210 : i32
      %rem3A_215 = arith.remsi %mul3A_32, %select_n3A_214 : i32
      %ne3A_216 = arith.constant 0 : i32
      %ne3A_217 = arith.cmpi ne, %rem3A_215, %ne3A_216 : i32
      %lt3A_218 = arith.constant 0 : i32
      %lt3A_219 = arith.cmpi slt, %rem3A_215, %lt3A_218 : i32
      %lt3A_220 = arith.constant 0 : i32
      %lt3A_221 = arith.cmpi slt, %select_n3A_214, %lt3A_220 : i32
      %ne3A_222 = arith.xori %lt3A_219, %lt3A_221 : i1
      %and3A_223 = arith.andi %ne3A_222, %ne3A_217 : i1
      %add3A_224 = arith.addi %rem3A_215, %select_n3A_214 : i32
      %select_n3A_225 = arith.select %and3A_223, %add3A_224, %rem3A_215 : i32
      %run_scoped3A_226 = arith.constant 0 : i32
      "tpu.region"() ({
        %run_scoped3A_237 = tpu.sem_alloc : memref<!tpu.dma_semaphore, #tpu.memory_space<semaphore_mem>>
        %dma_start3A_238 = arith.constant 0 : i32
        %dma_start3A_239 = arith.constant 0 : i32
        %dma_start3A_240 = tpu.memref_slice %arg9[%run_scoped3A_226, %dma_start3A_238, %dma_start3A_239] : memref<2x125x128xf32, #tpu.memory_space<vmem>> -> memref<1x125x128xf32, #tpu.memory_space<vmem>>
        %dma_start3A_241 = tpu.memref_squeeze %dma_start3A_240 : memref<1x125x128xf32, #tpu.memory_space<vmem>> -> memref<125x128xf32, #tpu.memory_space<vmem>>
        %dma_start3A_242 = arith.constant 0 : i32
        %dma_start3A_243 = tpu.memref_slice %arg8[%select_n3A_209, %select_n3A_225, %dma_start3A_242] : memref<2x20x125xi32, #tpu.memory_space<vmem>> -> memref<1x1x125xi32, #tpu.memory_space<vmem>>
        %dma_start3A_244 = tpu.memref_squeeze %dma_start3A_243 : memref<1x1x125xi32, #tpu.memory_space<vmem>> -> memref<125xi32, #tpu.memory_space<vmem>>
        %dma_start3A_245 = arith.constant 0 : i32
        %dma_start3A_246 = arith.constant 0 : i32
        %dma_start3A_247 = tpu.memref_slice %arg10[%dma_start3A_245, %dma_start3A_246] : memref<10112x128xf32, #tpu.memory_space<vmem_shared>> -> memref<10112x128xf32, #tpu.memory_space<vmem_shared>>
        tpu.enqueue_indirect_dma source(%dma_start3A_241 : memref<125x128xf32, #tpu.memory_space<vmem>>) target(%dma_start3A_247 : memref<10112x128xf32, #tpu.memory_space<vmem_shared>>) offsets(%dma_start3A_244 : memref<125xi32, #tpu.memory_space<vmem>>) semaphore(%run_scoped3A_237 : memref<!tpu.dma_semaphore, #tpu.memory_space<semaphore_mem>>) {add = true}
        %dma_wait3A_248 = arith.constant 0 : i32
        %dma_wait3A_249 = arith.constant 0 : i32
        %dma_wait3A_250 = tpu.memref_slice %arg9[%run_scoped3A_226, %dma_wait3A_248, %dma_wait3A_249] : memref<2x125x128xf32, #tpu.memory_space<vmem>> -> memref<1x125x128xf32, #tpu.memory_space<vmem>>
        %dma_wait3A_251 = tpu.memref_squeeze %dma_wait3A_250 : memref<1x125x128xf32, #tpu.memory_space<vmem>> -> memref<125x128xf32, #tpu.memory_space<vmem>>
        %dma_wait3A_252 = arith.constant 0 : i32
        %dma_wait3A_253 = tpu.memref_slice %arg8[%select_n3A_209, %select_n3A_225, %dma_wait3A_252] : memref<2x20x125xi32, #tpu.memory_space<vmem>> -> memref<1x1x125xi32, #tpu.memory_space<vmem>>
        %dma_wait3A_254 = tpu.memref_squeeze %dma_wait3A_253 : memref<1x1x125xi32, #tpu.memory_space<vmem>> -> memref<125xi32, #tpu.memory_space<vmem>>
        %dma_wait3A_255 = arith.constant 0 : i32
        %dma_wait3A_256 = arith.constant 0 : i32
        %dma_wait3A_257 = tpu.memref_slice %arg10[%dma_wait3A_255, %dma_wait3A_256] : memref<10112x128xf32, #tpu.memory_space<vmem_shared>> -> memref<10112x128xf32, #tpu.memory_space<vmem_shared>>
        tpu.wait_indirect_dma semaphore(%run_scoped3A_237 : memref<!tpu.dma_semaphore, #tpu.memory_space<semaphore_mem>>) src(%dma_wait3A_251 : memref<125x128xf32, #tpu.memory_space<vmem>>) dst(%dma_wait3A_257 : memref<10112x128xf32, #tpu.memory_space<vmem_shared>>)
        tpu.yield
      }) : () -> ()
      %lt3A_227 = arith.constant 80 : i32
      %lt3A_228 = arith.cmpi slt, %add3A_36, %lt3A_227 : i32
      %convert_element_type3A_229 = arith.extui %lt3A_228 : i1 to i32
      %cond3A_230 = arith.constant 0 : i32
      %cond3A_231 = arith.cmpi ne, %convert_element_type3A_229, %cond3A_230 : i32
      scf.if %cond3A_231 {
        %jit3A_237 = arith.constant 20 : i32
        %div3A_238 = arith.divsi %add3A_36, %jit3A_237 : i32
        %sign3A_239 = arith.constant 0 : i32
        %sign3A_240 = arith.cmpi sgt, %add3A_36, %sign3A_239 : i32
        %sign3A_241 = arith.extui %sign3A_240 : i1 to i32
        %sign3A_242 = arith.constant 0 : i32
        %sign3A_243 = arith.cmpi slt, %add3A_36, %sign3A_242 : i32
        %sign3A_244 = arith.extui %sign3A_243 : i1 to i32
        %sign3A_245 = arith.subi %sign3A_241, %sign3A_244 : i32
        %sign3A_246 = arith.constant 0 : i32
        %sign3A_247 = arith.cmpi sgt, %jit3A_237, %sign3A_246 : i32
        %sign3A_248 = arith.extui %sign3A_247 : i1 to i32
        %sign3A_249 = arith.constant 0 : i32
        %sign3A_250 = arith.cmpi slt, %jit3A_237, %sign3A_249 : i32
        %sign3A_251 = arith.extui %sign3A_250 : i1 to i32
        %sign3A_252 = arith.subi %sign3A_248, %sign3A_251 : i32
        %ne3A_253 = arith.cmpi ne, %sign3A_245, %sign3A_252 : i32
        %rem3A_254 = arith.remsi %add3A_36, %jit3A_237 : i32
        %ne3A_255 = arith.constant 0 : i32
        %ne3A_256 = arith.cmpi ne, %rem3A_254, %ne3A_255 : i32
        %and3A_257 = arith.andi %ne3A_253, %ne3A_256 : i1
        %sub3A_258 = arith.constant 1 : i32
        %sub3A_259 = arith.subi %div3A_238, %sub3A_258 : i32
        %select_n3A_260 = arith.select %and3A_257, %sub3A_259, %div3A_238 : i32
        %jit3A_261 = arith.constant 2 : i32
        %eq3A_262 = arith.constant 0 : i32
        %eq3A_263 = arith.cmpi eq, %jit3A_261, %eq3A_262 : i32
        %jit3A_264 = arith.constant 1 : i32
        %select_n3A_265 = arith.select %eq3A_263, %jit3A_264, %jit3A_261 : i32
        %rem3A_266 = arith.remsi %select_n3A_260, %select_n3A_265 : i32
        %ne3A_267 = arith.constant 0 : i32
        %ne3A_268 = arith.cmpi ne, %rem3A_266, %ne3A_267 : i32
        %lt3A_269 = arith.constant 0 : i32
        %lt3A_270 = arith.cmpi slt, %rem3A_266, %lt3A_269 : i32
        %lt3A_271 = arith.constant 0 : i32
        %lt3A_272 = arith.cmpi slt, %select_n3A_265, %lt3A_271 : i32
        %ne3A_273 = arith.xori %lt3A_270, %lt3A_272 : i1
        %and3A_274 = arith.andi %ne3A_273, %ne3A_268 : i1
        %add3A_275 = arith.addi %rem3A_266, %select_n3A_265 : i32
        %select_n3A_276 = arith.select %and3A_274, %add3A_275, %rem3A_266 : i32
        %jit3A_277 = arith.constant 20 : i32
        %eq3A_278 = arith.constant 0 : i32
        %eq3A_279 = arith.cmpi eq, %jit3A_277, %eq3A_278 : i32
        %jit3A_280 = arith.constant 1 : i32
        %select_n3A_281 = arith.select %eq3A_279, %jit3A_280, %jit3A_277 : i32
        %rem3A_282 = arith.remsi %add3A_36, %select_n3A_281 : i32
        %ne3A_283 = arith.constant 0 : i32
        %ne3A_284 = arith.cmpi ne, %rem3A_282, %ne3A_283 : i32
        %lt3A_285 = arith.constant 0 : i32
        %lt3A_286 = arith.cmpi slt, %rem3A_282, %lt3A_285 : i32
        %lt3A_287 = arith.constant 0 : i32
        %lt3A_288 = arith.cmpi slt, %select_n3A_281, %lt3A_287 : i32
        %ne3A_289 = arith.xori %lt3A_286, %lt3A_288 : i1
        %and3A_290 = arith.andi %ne3A_289, %ne3A_284 : i1
        %add3A_291 = arith.addi %rem3A_282, %select_n3A_281 : i32
        %select_n3A_292 = arith.select %and3A_290, %add3A_291, %rem3A_282 : i32
        %dma_start3A_293 = arith.constant 0 : i32
        %dma_start3A_294 = arith.constant 0 : i32
        %dma_start3A_295 = arith.constant 0 : i32
        %dma_start3A_296 = tpu.memref_slice %arg9[%dma_start3A_293, %dma_start3A_294, %dma_start3A_295] : memref<2x125x128xf32, #tpu.memory_space<vmem>> -> memref<1x125x128xf32, #tpu.memory_space<vmem>>
        %dma_start3A_297 = tpu.memref_squeeze %dma_start3A_296 : memref<1x125x128xf32, #tpu.memory_space<vmem>> -> memref<125x128xf32, #tpu.memory_space<vmem>>
        %dma_start3A_298 = arith.constant 0 : i32
        %dma_start3A_299 = tpu.memref_slice %arg7[%select_n3A_276, %select_n3A_292, %dma_start3A_298] : memref<2x20x125xi32, #tpu.memory_space<vmem>> -> memref<1x1x125xi32, #tpu.memory_space<vmem>>
        %dma_start3A_300 = tpu.memref_squeeze %dma_start3A_299 : memref<1x1x125xi32, #tpu.memory_space<vmem>> -> memref<125xi32, #tpu.memory_space<vmem>>
        %dma_start3A_301 = arith.constant 0 : i32
        %dma_start3A_302 = arith.constant 0 : i32
        %dma_start3A_303 = tpu.memref_slice %arg4[%dma_start3A_301, %dma_start3A_302] : memref<10000x128xf32, #tpu.memory_space<hbm>> -> memref<10000x128xf32, #tpu.memory_space<hbm>>
        tpu.enqueue_indirect_dma source(%dma_start3A_303 : memref<10000x128xf32, #tpu.memory_space<hbm>>) target(%dma_start3A_297 : memref<125x128xf32, #tpu.memory_space<vmem>>) offsets(%dma_start3A_300 : memref<125xi32, #tpu.memory_space<vmem>>) semaphore(%arg11 : memref<!tpu.dma_semaphore, #tpu.memory_space<semaphore_mem>>)
      } else {
      }
      %lt3A_232 = arith.constant 80 : i32
      %lt3A_233 = arith.cmpi slt, %add3A_34, %lt3A_232 : i32
      %convert_element_type3A_234 = arith.extui %lt3A_233 : i1 to i32
      %cond3A_235 = arith.constant 0 : i32
      %cond3A_236 = arith.cmpi ne, %convert_element_type3A_234, %cond3A_235 : i32
      scf.if %cond3A_236 {
        %jit3A_237 = arith.constant 20 : i32
        %div3A_238 = arith.divsi %add3A_34, %jit3A_237 : i32
        %sign3A_239 = arith.constant 0 : i32
        %sign3A_240 = arith.cmpi sgt, %add3A_34, %sign3A_239 : i32
        %sign3A_241 = arith.extui %sign3A_240 : i1 to i32
        %sign3A_242 = arith.constant 0 : i32
        %sign3A_243 = arith.cmpi slt, %add3A_34, %sign3A_242 : i32
        %sign3A_244 = arith.extui %sign3A_243 : i1 to i32
        %sign3A_245 = arith.subi %sign3A_241, %sign3A_244 : i32
        %sign3A_246 = arith.constant 0 : i32
        %sign3A_247 = arith.cmpi sgt, %jit3A_237, %sign3A_246 : i32
        %sign3A_248 = arith.extui %sign3A_247 : i1 to i32
        %sign3A_249 = arith.constant 0 : i32
        %sign3A_250 = arith.cmpi slt, %jit3A_237, %sign3A_249 : i32
        %sign3A_251 = arith.extui %sign3A_250 : i1 to i32
        %sign3A_252 = arith.subi %sign3A_248, %sign3A_251 : i32
        %ne3A_253 = arith.cmpi ne, %sign3A_245, %sign3A_252 : i32
        %rem3A_254 = arith.remsi %add3A_34, %jit3A_237 : i32
        %ne3A_255 = arith.constant 0 : i32
        %ne3A_256 = arith.cmpi ne, %rem3A_254, %ne3A_255 : i32
        %and3A_257 = arith.andi %ne3A_253, %ne3A_256 : i1
        %sub3A_258 = arith.constant 1 : i32
        %sub3A_259 = arith.subi %div3A_238, %sub3A_258 : i32
        %select_n3A_260 = arith.select %and3A_257, %sub3A_259, %div3A_238 : i32
        %jit3A_261 = arith.constant 2 : i32
        %eq3A_262 = arith.constant 0 : i32
        %eq3A_263 = arith.cmpi eq, %jit3A_261, %eq3A_262 : i32
        %jit3A_264 = arith.constant 1 : i32
        %select_n3A_265 = arith.select %eq3A_263, %jit3A_264, %jit3A_261 : i32
        %rem3A_266 = arith.remsi %select_n3A_260, %select_n3A_265 : i32
        %ne3A_267 = arith.constant 0 : i32
        %ne3A_268 = arith.cmpi ne, %rem3A_266, %ne3A_267 : i32
        %lt3A_269 = arith.constant 0 : i32
        %lt3A_270 = arith.cmpi slt, %rem3A_266, %lt3A_269 : i32
        %lt3A_271 = arith.constant 0 : i32
        %lt3A_272 = arith.cmpi slt, %select_n3A_265, %lt3A_271 : i32
        %ne3A_273 = arith.xori %lt3A_270, %lt3A_272 : i1
        %and3A_274 = arith.andi %ne3A_273, %ne3A_268 : i1
        %add3A_275 = arith.addi %rem3A_266, %select_n3A_265 : i32
        %select_n3A_276 = arith.select %and3A_274, %add3A_275, %rem3A_266 : i32
        %jit3A_277 = arith.constant 20 : i32
        %eq3A_278 = arith.constant 0 : i32
        %eq3A_279 = arith.cmpi eq, %jit3A_277, %eq3A_278 : i32
        %jit3A_280 = arith.constant 1 : i32
        %select_n3A_281 = arith.select %eq3A_279, %jit3A_280, %jit3A_277 : i32
        %rem3A_282 = arith.remsi %add3A_34, %select_n3A_281 : i32
        %ne3A_283 = arith.constant 0 : i32
        %ne3A_284 = arith.cmpi ne, %rem3A_282, %ne3A_283 : i32
        %lt3A_285 = arith.constant 0 : i32
        %lt3A_286 = arith.cmpi slt, %rem3A_282, %lt3A_285 : i32
        %lt3A_287 = arith.constant 0 : i32
        %lt3A_288 = arith.cmpi slt, %select_n3A_281, %lt3A_287 : i32
        %ne3A_289 = arith.xori %lt3A_286, %lt3A_288 : i1
        %and3A_290 = arith.andi %ne3A_289, %ne3A_284 : i1
        %add3A_291 = arith.addi %rem3A_282, %select_n3A_281 : i32
        %select_n3A_292 = arith.select %and3A_290, %add3A_291, %rem3A_282 : i32
        %dma_wait3A_293 = arith.constant 1 : i32
        %dma_wait3A_294 = arith.constant 0 : i32
        %dma_wait3A_295 = arith.constant 0 : i32
        %dma_wait3A_296 = tpu.memref_slice %arg9[%dma_wait3A_293, %dma_wait3A_294, %dma_wait3A_295] : memref<2x125x128xf32, #tpu.memory_space<vmem>> -> memref<1x125x128xf32, #tpu.memory_space<vmem>>
        %dma_wait3A_297 = tpu.memref_squeeze %dma_wait3A_296 : memref<1x125x128xf32, #tpu.memory_space<vmem>> -> memref<125x128xf32, #tpu.memory_space<vmem>>
        %dma_wait3A_298 = arith.constant 0 : i32
        %dma_wait3A_299 = tpu.memref_slice %arg7[%select_n3A_276, %select_n3A_292, %dma_wait3A_298] : memref<2x20x125xi32, #tpu.memory_space<vmem>> -> memref<1x1x125xi32, #tpu.memory_space<vmem>>
        %dma_wait3A_300 = tpu.memref_squeeze %dma_wait3A_299 : memref<1x1x125xi32, #tpu.memory_space<vmem>> -> memref<125xi32, #tpu.memory_space<vmem>>
        %dma_wait3A_301 = arith.constant 0 : i32
        %dma_wait3A_302 = arith.constant 0 : i32
        %dma_wait3A_303 = tpu.memref_slice %arg4[%dma_wait3A_301, %dma_wait3A_302] : memref<10000x128xf32, #tpu.memory_space<hbm>> -> memref<10000x128xf32, #tpu.memory_space<hbm>>
        tpu.wait_indirect_dma semaphore(%arg12 : memref<!tpu.dma_semaphore, #tpu.memory_space<semaphore_mem>>) src(%dma_wait3A_303 : memref<10000x128xf32, #tpu.memory_space<hbm>>) dst(%dma_wait3A_297 : memref<125x128xf32, #tpu.memory_space<vmem>>)
        %jit3A_304 = arith.constant 20 : i32
        %div3A_305 = arith.divsi %add3A_34, %jit3A_304 : i32
        %sign3A_306 = arith.constant 0 : i32
        %sign3A_307 = arith.cmpi sgt, %add3A_34, %sign3A_306 : i32
        %sign3A_308 = arith.extui %sign3A_307 : i1 to i32
        %sign3A_309 = arith.constant 0 : i32
        %sign3A_310 = arith.cmpi slt, %add3A_34, %sign3A_309 : i32
        %sign3A_311 = arith.extui %sign3A_310 : i1 to i32
        %sign3A_312 = arith.subi %sign3A_308, %sign3A_311 : i32
        %sign3A_313 = arith.constant 0 : i32
        %sign3A_314 = arith.cmpi sgt, %jit3A_304, %sign3A_313 : i32
        %sign3A_315 = arith.extui %sign3A_314 : i1 to i32
        %sign3A_316 = arith.constant 0 : i32
        %sign3A_317 = arith.cmpi slt, %jit3A_304, %sign3A_316 : i32
        %sign3A_318 = arith.extui %sign3A_317 : i1 to i32
        %sign3A_319 = arith.subi %sign3A_315, %sign3A_318 : i32
        %ne3A_320 = arith.cmpi ne, %sign3A_312, %sign3A_319 : i32
        %rem3A_321 = arith.remsi %add3A_34, %jit3A_304 : i32
        %ne3A_322 = arith.constant 0 : i32
        %ne3A_323 = arith.cmpi ne, %rem3A_321, %ne3A_322 : i32
        %and3A_324 = arith.andi %ne3A_320, %ne3A_323 : i1
        %sub3A_325 = arith.constant 1 : i32
        %sub3A_326 = arith.subi %div3A_305, %sub3A_325 : i32
        %select_n3A_327 = arith.select %and3A_324, %sub3A_326, %div3A_305 : i32
        %jit3A_328 = arith.constant 2 : i32
        %eq3A_329 = arith.constant 0 : i32
        %eq3A_330 = arith.cmpi eq, %jit3A_328, %eq3A_329 : i32
        %jit3A_331 = arith.constant 1 : i32
        %select_n3A_332 = arith.select %eq3A_330, %jit3A_331, %jit3A_328 : i32
        %rem3A_333 = arith.remsi %select_n3A_327, %select_n3A_332 : i32
        %ne3A_334 = arith.constant 0 : i32
        %ne3A_335 = arith.cmpi ne, %rem3A_333, %ne3A_334 : i32
        %lt3A_336 = arith.constant 0 : i32
        %lt3A_337 = arith.cmpi slt, %rem3A_333, %lt3A_336 : i32
        %lt3A_338 = arith.constant 0 : i32
        %lt3A_339 = arith.cmpi slt, %select_n3A_332, %lt3A_338 : i32
        %ne3A_340 = arith.xori %lt3A_337, %lt3A_339 : i1
        %and3A_341 = arith.andi %ne3A_340, %ne3A_335 : i1
        %add3A_342 = arith.addi %rem3A_333, %select_n3A_332 : i32
        %select_n3A_343 = arith.select %and3A_341, %add3A_342, %rem3A_333 : i32
        %jit3A_344 = arith.constant 20 : i32
        %eq3A_345 = arith.constant 0 : i32
        %eq3A_346 = arith.cmpi eq, %jit3A_344, %eq3A_345 : i32
        %jit3A_347 = arith.constant 1 : i32
        %select_n3A_348 = arith.select %eq3A_346, %jit3A_347, %jit3A_344 : i32
        %rem3A_349 = arith.remsi %add3A_34, %select_n3A_348 : i32
        %ne3A_350 = arith.constant 0 : i32
        %ne3A_351 = arith.cmpi ne, %rem3A_349, %ne3A_350 : i32
        %lt3A_352 = arith.constant 0 : i32
        %lt3A_353 = arith.cmpi slt, %rem3A_349, %lt3A_352 : i32
        %lt3A_354 = arith.constant 0 : i32
        %lt3A_355 = arith.cmpi slt, %select_n3A_348, %lt3A_354 : i32
        %ne3A_356 = arith.xori %lt3A_353, %lt3A_355 : i1
        %and3A_357 = arith.andi %ne3A_356, %ne3A_351 : i1
        %add3A_358 = arith.addi %rem3A_349, %select_n3A_348 : i32
        %select_n3A_359 = arith.select %and3A_357, %add3A_358, %rem3A_349 : i32
        %run_scoped3A_360 = arith.constant 1 : i32
        "tpu.region"() ({
          %run_scoped3A_361 = tpu.sem_alloc : memref<!tpu.dma_semaphore, #tpu.memory_space<semaphore_mem>>
          %dma_start3A_362 = arith.constant 0 : i32
          %dma_start3A_363 = arith.constant 0 : i32
          %dma_start3A_364 = tpu.memref_slice %arg9[%run_scoped3A_360, %dma_start3A_362, %dma_start3A_363] : memref<2x125x128xf32, #tpu.memory_space<vmem>> -> memref<1x125x128xf32, #tpu.memory_space<vmem>>
          %dma_start3A_365 = tpu.memref_squeeze %dma_start3A_364 : memref<1x125x128xf32, #tpu.memory_space<vmem>> -> memref<125x128xf32, #tpu.memory_space<vmem>>
          %dma_start3A_366 = arith.constant 0 : i32
          %dma_start3A_367 = tpu.memref_slice %arg8[%select_n3A_343, %select_n3A_359, %dma_start3A_366] : memref<2x20x125xi32, #tpu.memory_space<vmem>> -> memref<1x1x125xi32, #tpu.memory_space<vmem>>
          %dma_start3A_368 = tpu.memref_squeeze %dma_start3A_367 : memref<1x1x125xi32, #tpu.memory_space<vmem>> -> memref<125xi32, #tpu.memory_space<vmem>>
          %dma_start3A_369 = arith.constant 0 : i32
          %dma_start3A_370 = arith.constant 0 : i32
          %dma_start3A_371 = tpu.memref_slice %arg10[%dma_start3A_369, %dma_start3A_370] : memref<10112x128xf32, #tpu.memory_space<vmem_shared>> -> memref<10112x128xf32, #tpu.memory_space<vmem_shared>>
          tpu.enqueue_indirect_dma source(%dma_start3A_365 : memref<125x128xf32, #tpu.memory_space<vmem>>) target(%dma_start3A_371 : memref<10112x128xf32, #tpu.memory_space<vmem_shared>>) offsets(%dma_start3A_368 : memref<125xi32, #tpu.memory_space<vmem>>) semaphore(%run_scoped3A_361 : memref<!tpu.dma_semaphore, #tpu.memory_space<semaphore_mem>>) {add = true}
          %dma_wait3A_372 = arith.constant 0 : i32
          %dma_wait3A_373 = arith.constant 0 : i32
          %dma_wait3A_374 = tpu.memref_slice %arg9[%run_scoped3A_360, %dma_wait3A_372, %dma_wait3A_373] : memref<2x125x128xf32, #tpu.memory_space<vmem>> -> memref<1x125x128xf32, #tpu.memory_space<vmem>>
          %dma_wait3A_375 = tpu.memref_squeeze %dma_wait3A_374 : memref<1x125x128xf32, #tpu.memory_space<vmem>> -> memref<125x128xf32, #tpu.memory_space<vmem>>
          %dma_wait3A_376 = arith.constant 0 : i32
          %dma_wait3A_377 = tpu.memref_slice %arg8[%select_n3A_343, %select_n3A_359, %dma_wait3A_376] : memref<2x20x125xi32, #tpu.memory_space<vmem>> -> memref<1x1x125xi32, #tpu.memory_space<vmem>>
          %dma_wait3A_378 = tpu.memref_squeeze %dma_wait3A_377 : memref<1x1x125xi32, #tpu.memory_space<vmem>> -> memref<125xi32, #tpu.memory_space<vmem>>
          %dma_wait3A_379 = arith.constant 0 : i32
          %dma_wait3A_380 = arith.constant 0 : i32
          %dma_wait3A_381 = tpu.memref_slice %arg10[%dma_wait3A_379, %dma_wait3A_380] : memref<10112x128xf32, #tpu.memory_space<vmem_shared>> -> memref<10112x128xf32, #tpu.memory_space<vmem_shared>>
          tpu.wait_indirect_dma semaphore(%run_scoped3A_361 : memref<!tpu.dma_semaphore, #tpu.memory_space<semaphore_mem>>) src(%dma_wait3A_375 : memref<125x128xf32, #tpu.memory_space<vmem>>) dst(%dma_wait3A_381 : memref<10112x128xf32, #tpu.memory_space<vmem_shared>>)
          tpu.yield
        }) : () -> ()
      } else {
      }
    }
    %scan3A_24 = arith.constant 40 : i32
    %barrier3A_25 = arith.constant 0 : index
    tpu.barrier barrier_id(%barrier3A_25)
    %mul3A_26 = arith.constant 632 : i32
    %mul3A_27 = arith.muli %arg1, %mul3A_26 : i32
    %mul3A_28 = arith.constant 632 : i32
    %mul3A_29 = arith.muli %arg1, %mul3A_28 : i32
    "tpu.region"() ({
      %run_scoped3A_30 = tpu.sem_alloc : memref<!tpu.dma_semaphore, #tpu.memory_space<semaphore_mem>>
      %dma_start3A_31 = arith.constant 0 : i32
      %dma_start3A_32 = tpu.memref_slice %arg6[%arg0, %mul3A_29, %dma_start3A_31] : memref<2x10112x128xf32, #tpu.memory_space<hbm>> -> memref<1x632x128xf32, #tpu.memory_space<hbm>>
      %dma_start3A_33 = tpu.memref_squeeze %dma_start3A_32 : memref<1x632x128xf32, #tpu.memory_space<hbm>> -> memref<632x128xf32, #tpu.memory_space<hbm>>
      %dma_start3A_34 = arith.constant 0 : i32
      %dma_start3A_35 = tpu.memref_slice %arg10[%mul3A_27, %dma_start3A_34] : memref<10112x128xf32, #tpu.memory_space<vmem_shared>> -> memref<632x128xf32, #tpu.memory_space<vmem_shared>>
      tpu.enqueue_dma source(%dma_start3A_35 : memref<632x128xf32, #tpu.memory_space<vmem_shared>>) target(%dma_start3A_33 : memref<632x128xf32, #tpu.memory_space<hbm>>) target_semaphore(%run_scoped3A_30 : memref<!tpu.dma_semaphore, #tpu.memory_space<semaphore_mem>>)
      %dma_wait3A = arith.constant 0 : i32
      %dma_wait3A_36 = tpu.memref_slice %arg6[%arg0, %mul3A_29, %dma_wait3A] : memref<2x10112x128xf32, #tpu.memory_space<hbm>> -> memref<1x632x128xf32, #tpu.memory_space<hbm>>
      %dma_wait3A_37 = tpu.memref_squeeze %dma_wait3A_36 : memref<1x632x128xf32, #tpu.memory_space<hbm>> -> memref<632x128xf32, #tpu.memory_space<hbm>>
      %dma_wait3A_38 = arith.constant 0 : i32
      %dma_wait3A_39 = tpu.memref_slice %arg10[%mul3A_27, %dma_wait3A_38] : memref<10112x128xf32, #tpu.memory_space<vmem_shared>> -> memref<632x128xf32, #tpu.memory_space<vmem_shared>>
      tpu.wait_dma2 semaphore(%run_scoped3A_30 : memref<!tpu.dma_semaphore, #tpu.memory_space<semaphore_mem>>) src(%dma_wait3A_39 : memref<632x128xf32, #tpu.memory_space<vmem_shared>>) dst(%dma_wait3A_37 : memref<632x128xf32, #tpu.memory_space<hbm>>)
      tpu.yield
    }) : () -> ()
    return
  }
}

#map = affine_map<(d0, d1) -> (0, 0, 0)>
#map1 = affine_map<(d0, d1) -> (0, 0)>
module attributes {stable_mosaic.version = 14 : i64} {
  func.func @_deg_kernel(%arg0: i32, %arg1: i32, %arg2: memref<32x80x125xi32, #tpu.memory_space<hbm>>, %arg3: memref<10112x16xf32, #tpu.memory_space<hbm>>, %arg4: memref<2x10112x16xf32, #tpu.memory_space<hbm>>, %arg5: memref<80x125xi32, #tpu.memory_space<vmem>>, %arg6: memref<125x16xf32, #tpu.memory_space<vmem>>, %arg7: memref<10112x16xf32, #tpu.memory_space<vmem_shared>>, %arg8: memref<!tpu.dma_semaphore, #tpu.memory_space<semaphore_mem>>) attributes {dimension_semantics = [#tpu.dimension_semantics<core_parallel>, #tpu.dimension_semantics<subcore_parallel>], iteration_bounds = array<i64: 2, 16>, scalar_prefetch = 0 : i64, scratch_operands = 4 : i64, tpu.core_type = #tpu.core_type<sc_vector_subcore>, window_params = [{transform_indices = #map}, {transform_indices = #map1}, {transform_indices = #map}]} {
    %mul3A = arith.constant 2 : i32
    %mul3A_0 = arith.muli %arg1, %mul3A : i32
    %add3A = arith.addi %mul3A_0, %arg0 : i32
    %scan3A = arith.constant 0 : i32
    %scan3A_1 = arith.constant 0 : i32
    %scan3A_2 = arith.constant 125 : i32
    %scan3A_3 = arith.addi %scan3A_1, %scan3A_2 : i32
    %scan3A_4 = arith.constant 1 : i32
    scf.for %scan3A_21 = %scan3A_1 to %scan3A_3 step %scan3A_4  : i32 {
      %broadcast_in_dim3A = arith.constant 1.000000e+00 : f32
      %broadcast_in_dim3A_22 = vector.broadcast %broadcast_in_dim3A : f32 to vector<16xf32>
      %swap3A = arith.index_cast %scan3A_21 : i32 to index
      %swap3A_23 = arith.constant 0 : index
      %swap3A_24 = tpu.vector_load %arg6[%swap3A, %swap3A_23] {strides = array<i32>} : memref<125x16xf32, #tpu.memory_space<vmem>>, vector<1x16xf32>,
      %swap3A_25 = vector.shape_cast %swap3A_24 : vector<1x16xf32> to vector<16xf32>
      %swap3A_26 = vector.shape_cast %broadcast_in_dim3A_22 : vector<16xf32> to vector<1x16xf32>
      tpu.vector_store %arg6[%swap3A, %swap3A_23], %swap3A_26 {strides = array<i32>} : memref<125x16xf32, #tpu.memory_space<vmem>>, vector<1x16xf32>,
    }
    %scan3A_5 = arith.constant 125 : i32
    "tpu.region"() ({
      %run_scoped3A = tpu.sem_alloc : memref<!tpu.dma_semaphore, #tpu.memory_space<semaphore_mem>>
      %dma_start3A = arith.constant 0 : i32
      %dma_start3A_21 = arith.constant 0 : i32
      %dma_start3A_22 = tpu.memref_slice %arg2[%add3A, %dma_start3A, %dma_start3A_21] : memref<32x80x125xi32, #tpu.memory_space<hbm>> -> memref<1x80x125xi32, #tpu.memory_space<hbm>>
      %dma_start3A_23 = tpu.memref_squeeze %dma_start3A_22 : memref<1x80x125xi32, #tpu.memory_space<hbm>> -> memref<80x125xi32, #tpu.memory_space<hbm>>
      %dma_start3A_24 = arith.constant 0 : i32
      %dma_start3A_25 = arith.constant 0 : i32
      %dma_start3A_26 = tpu.memref_slice %arg2[%add3A, %dma_start3A_24, %dma_start3A_25] : memref<32x80x125xi32, #tpu.memory_space<hbm>> -> memref<1x80x125xi32, #tpu.memory_space<hbm>>
      %dma_start3A_27 = tpu.memref_squeeze %dma_start3A_26 : memref<1x80x125xi32, #tpu.memory_space<hbm>> -> memref<80x125xi32, #tpu.memory_space<hbm>>
      tpu.enqueue_dma source(%dma_start3A_27 : memref<80x125xi32, #tpu.memory_space<hbm>>) target(%arg5 : memref<80x125xi32, #tpu.memory_space<vmem>>) target_semaphore(%run_scoped3A : memref<!tpu.dma_semaphore, #tpu.memory_space<semaphore_mem>>)
      %dma_wait3A = arith.constant 0 : i32
      %dma_wait3A_28 = arith.constant 0 : i32
      %dma_wait3A_29 = tpu.memref_slice %arg2[%add3A, %dma_wait3A, %dma_wait3A_28] : memref<32x80x125xi32, #tpu.memory_space<hbm>> -> memref<1x80x125xi32, #tpu.memory_space<hbm>>
      %dma_wait3A_30 = tpu.memref_squeeze %dma_wait3A_29 : memref<1x80x125xi32, #tpu.memory_space<hbm>> -> memref<80x125xi32, #tpu.memory_space<hbm>>
      %dma_wait3A_31 = arith.constant 0 : i32
      %dma_wait3A_32 = arith.constant 0 : i32
      %dma_wait3A_33 = tpu.memref_slice %arg2[%add3A, %dma_wait3A_31, %dma_wait3A_32] : memref<32x80x125xi32, #tpu.memory_space<hbm>> -> memref<1x80x125xi32, #tpu.memory_space<hbm>>
      %dma_wait3A_34 = tpu.memref_squeeze %dma_wait3A_33 : memref<1x80x125xi32, #tpu.memory_space<hbm>> -> memref<80x125xi32, #tpu.memory_space<hbm>>
      tpu.wait_dma2 semaphore(%run_scoped3A : memref<!tpu.dma_semaphore, #tpu.memory_space<semaphore_mem>>) src(%dma_wait3A_34 : memref<80x125xi32, #tpu.memory_space<hbm>>) dst(%arg5 : memref<80x125xi32, #tpu.memory_space<vmem>>)
      tpu.yield
    }) : () -> ()
    %mul3A_6 = arith.constant 632 : i32
    %mul3A_7 = arith.muli %arg1, %mul3A_6 : i32
    %mul3A_8 = arith.constant 632 : i32
    %mul3A_9 = arith.muli %arg1, %mul3A_8 : i32
    "tpu.region"() ({
      %run_scoped3A = tpu.sem_alloc : memref<!tpu.dma_semaphore, #tpu.memory_space<semaphore_mem>>
      %dma_start3A = arith.constant 0 : i32
      %dma_start3A_21 = tpu.memref_slice %arg7[%mul3A_9, %dma_start3A] : memref<10112x16xf32, #tpu.memory_space<vmem_shared>> -> memref<632x16xf32, #tpu.memory_space<vmem_shared>>
      %dma_start3A_22 = arith.constant 0 : i32
      %dma_start3A_23 = tpu.memref_slice %arg3[%mul3A_7, %dma_start3A_22] : memref<10112x16xf32, #tpu.memory_space<hbm>> -> memref<632x16xf32, #tpu.memory_space<hbm>>
      tpu.enqueue_dma source(%dma_start3A_23 : memref<632x16xf32, #tpu.memory_space<hbm>>) target(%dma_start3A_21 : memref<632x16xf32, #tpu.memory_space<vmem_shared>>) target_semaphore(%run_scoped3A : memref<!tpu.dma_semaphore, #tpu.memory_space<semaphore_mem>>)
      %dma_wait3A = arith.constant 0 : i32
      %dma_wait3A_24 = tpu.memref_slice %arg7[%mul3A_9, %dma_wait3A] : memref<10112x16xf32, #tpu.memory_space<vmem_shared>> -> memref<632x16xf32, #tpu.memory_space<vmem_shared>>
      %dma_wait3A_25 = arith.constant 0 : i32
      %dma_wait3A_26 = tpu.memref_slice %arg3[%mul3A_7, %dma_wait3A_25] : memref<10112x16xf32, #tpu.memory_space<hbm>> -> memref<632x16xf32, #tpu.memory_space<hbm>>
      tpu.wait_dma2 semaphore(%run_scoped3A : memref<!tpu.dma_semaphore, #tpu.memory_space<semaphore_mem>>) src(%dma_wait3A_26 : memref<632x16xf32, #tpu.memory_space<hbm>>) dst(%dma_wait3A_24 : memref<632x16xf32, #tpu.memory_space<vmem_shared>>)
      tpu.yield
    }) : () -> ()
    %barrier3A = arith.constant 0 : index
    tpu.barrier barrier_id(%barrier3A)
    %scan3A_10 = arith.constant 0 : i32
    %scan3A_11 = arith.constant 0 : i32
    %scan3A_12 = arith.constant 80 : i32
    %scan3A_13 = arith.addi %scan3A_11, %scan3A_12 : i32
    %scan3A_14 = arith.constant 1 : i32
    scf.for %scan3A_21 = %scan3A_11 to %scan3A_13 step %scan3A_14  : i32 {
      "tpu.region"() ({
        %run_scoped3A = tpu.sem_alloc : memref<!tpu.dma_semaphore, #tpu.memory_space<semaphore_mem>>
        %dma_start3A = arith.constant 0 : i32
        %dma_start3A_22 = tpu.memref_slice %arg5[%scan3A_21, %dma_start3A] : memref<80x125xi32, #tpu.memory_space<vmem>> -> memref<1x125xi32, #tpu.memory_space<vmem>>
        %dma_start3A_23 = tpu.memref_squeeze %dma_start3A_22 : memref<1x125xi32, #tpu.memory_space<vmem>> -> memref<125xi32, #tpu.memory_space<vmem>>
        %dma_start3A_24 = arith.constant 0 : i32
        %dma_start3A_25 = arith.constant 0 : i32
        %dma_start3A_26 = tpu.memref_slice %arg7[%dma_start3A_24, %dma_start3A_25] : memref<10112x16xf32, #tpu.memory_space<vmem_shared>> -> memref<10112x16xf32, #tpu.memory_space<vmem_shared>>
        tpu.enqueue_indirect_dma source(%arg6 : memref<125x16xf32, #tpu.memory_space<vmem>>) target(%dma_start3A_26 : memref<10112x16xf32, #tpu.memory_space<vmem_shared>>) offsets(%dma_start3A_23 : memref<125xi32, #tpu.memory_space<vmem>>) semaphore(%run_scoped3A : memref<!tpu.dma_semaphore, #tpu.memory_space<semaphore_mem>>) {add = true}
        %dma_wait3A = arith.constant 0 : i32
        %dma_wait3A_27 = tpu.memref_slice %arg5[%scan3A_21, %dma_wait3A] : memref<80x125xi32, #tpu.memory_space<vmem>> -> memref<1x125xi32, #tpu.memory_space<vmem>>
        %dma_wait3A_28 = tpu.memref_squeeze %dma_wait3A_27 : memref<1x125xi32, #tpu.memory_space<vmem>> -> memref<125xi32, #tpu.memory_space<vmem>>
        %dma_wait3A_29 = arith.constant 0 : i32
        %dma_wait3A_30 = arith.constant 0 : i32
        %dma_wait3A_31 = tpu.memref_slice %arg7[%dma_wait3A_29, %dma_wait3A_30] : memref<10112x16xf32, #tpu.memory_space<vmem_shared>> -> memref<10112x16xf32, #tpu.memory_space<vmem_shared>>
        tpu.wait_indirect_dma semaphore(%run_scoped3A : memref<!tpu.dma_semaphore, #tpu.memory_space<semaphore_mem>>) src(%arg6 : memref<125x16xf32, #tpu.memory_space<vmem>>) dst(%dma_wait3A_31 : memref<10112x16xf32, #tpu.memory_space<vmem_shared>>)
        tpu.yield
      }) : () -> ()
    }
    %scan3A_15 = arith.constant 80 : i32
    %barrier3A_16 = arith.constant 0 : index
    tpu.barrier barrier_id(%barrier3A_16)
    %mul3A_17 = arith.constant 632 : i32
    %mul3A_18 = arith.muli %arg1, %mul3A_17 : i32
    %mul3A_19 = arith.constant 632 : i32
    %mul3A_20 = arith.muli %arg1, %mul3A_19 : i32
    "tpu.region"() ({
      %run_scoped3A = tpu.sem_alloc : memref<!tpu.dma_semaphore, #tpu.memory_space<semaphore_mem>>
      %dma_start3A = arith.constant 0 : i32
      %dma_start3A_21 = tpu.memref_slice %arg4[%arg0, %mul3A_20, %dma_start3A] : memref<2x10112x16xf32, #tpu.memory_space<hbm>> -> memref<1x632x16xf32, #tpu.memory_space<hbm>>
      %dma_start3A_22 = tpu.memref_squeeze %dma_start3A_21 : memref<1x632x16xf32, #tpu.memory_space<hbm>> -> memref<632x16xf32, #tpu.memory_space<hbm>>
      %dma_start3A_23 = arith.constant 0 : i32
      %dma_start3A_24 = tpu.memref_slice %arg7[%mul3A_18, %dma_start3A_23] : memref<10112x16xf32, #tpu.memory_space<vmem_shared>> -> memref<632x16xf32, #tpu.memory_space<vmem_shared>>
      tpu.enqueue_dma source(%dma_start3A_24 : memref<632x16xf32, #tpu.memory_space<vmem_shared>>) target(%dma_start3A_22 : memref<632x16xf32, #tpu.memory_space<hbm>>) target_semaphore(%run_scoped3A : memref<!tpu.dma_semaphore, #tpu.memory_space<semaphore_mem>>)
      %dma_wait3A = arith.constant 0 : i32
      %dma_wait3A_25 = tpu.memref_slice %arg4[%arg0, %mul3A_20, %dma_wait3A] : memref<2x10112x16xf32, #tpu.memory_space<hbm>> -> memref<1x632x16xf32, #tpu.memory_space<hbm>>
      %dma_wait3A_26 = tpu.memref_squeeze %dma_wait3A_25 : memref<1x632x16xf32, #tpu.memory_space<hbm>> -> memref<632x16xf32, #tpu.memory_space<hbm>>
      %dma_wait3A_27 = arith.constant 0 : i32
      %dma_wait3A_28 = tpu.memref_slice %arg7[%mul3A_18, %dma_wait3A_27] : memref<10112x16xf32, #tpu.memory_space<vmem_shared>> -> memref<632x16xf32, #tpu.memory_space<vmem_shared>>
      tpu.wait_dma2 semaphore(%run_scoped3A : memref<!tpu.dma_semaphore, #tpu.memory_space<semaphore_mem>>) src(%dma_wait3A_28 : memref<632x16xf32, #tpu.memory_space<vmem_shared>>) dst(%dma_wait3A_26 : memref<632x16xf32, #tpu.memory_space<hbm>>)
      tpu.yield
    }) : () -> ()
    return
  }
}

#map = affine_map<(d0, d1) -> (0, 0, 0, 0)>
#map1 = affine_map<(d0, d1) -> (0, 0)>
#map2 = affine_map<(d0, d1) -> (0, 0, 0)>
module attributes {stable_mosaic.version = 14 : i64} {
  func.func @_agg_kernel(%arg0: i32, %arg1: i32, %arg2: memref<32x4x20x125xi32, #tpu.memory_space<hbm>>, %arg3: memref<32x4x20x125xi32, #tpu.memory_space<hbm>>, %arg4: memref<10000x128xf32, #tpu.memory_space<hbm>>, %arg5: memref<10112x128xf32, #tpu.memory_space<hbm>>, %arg6: memref<2x10112x128xf32, #tpu.memory_space<hbm>>, %arg7: memref<2x20x125xi32, #tpu.memory_space<vmem>>, %arg8: memref<2x20x125xi32, #tpu.memory_space<vmem>>, %arg9: memref<2x125x128xf32, #tpu.memory_space<vmem>>, %arg10: memref<10112x128xf32, #tpu.memory_space<vmem_shared>>, %arg11: memref<!tpu.dma_semaphore, #tpu.memory_space<semaphore_mem>>, %arg12: memref<!tpu.dma_semaphore, #tpu.memory_space<semaphore_mem>>, %arg13: memref<!tpu.dma_semaphore, #tpu.memory_space<semaphore_mem>>, %arg14: memref<!tpu.dma_semaphore, #tpu.memory_space<semaphore_mem>>) attributes {dimension_semantics = [#tpu.dimension_semantics<core_parallel>, #tpu.dimension_semantics<subcore_parallel>], iteration_bounds = array<i64: 2, 16>, scalar_prefetch = 0 : i64, scratch_operands = 8 : i64, tpu.core_type = #tpu.core_type<sc_vector_subcore>, window_params = [{transform_indices = #map}, {transform_indices = #map}, {transform_indices = #map1}, {transform_indices = #map1}, {transform_indices = #map2}]} {
    %mul3A = arith.constant 2 : i32
    %mul3A_0 = arith.muli %arg1, %mul3A : i32
    %add3A = arith.addi %mul3A_0, %arg0 : i32
    %run_scoped3A = arith.constant 0 : i32
    %run_scoped3A_1 = arith.constant 0 : i32
    "tpu.region"() ({
      %run_scoped3A_30 = tpu.sem_alloc : memref<!tpu.dma_semaphore, #tpu.memory_space<semaphore_mem>>
      %dma_start3A_31 = arith.constant 0 : i32
      %dma_start3A_32 = arith.constant 0 : i32
      %dma_start3A_33 = tpu.memref_slice %arg7[%run_scoped3A_1, %dma_start3A_31, %dma_start3A_32] : memref<2x20x125xi32, #tpu.memory_space<vmem>> -> memref<1x20x125xi32, #tpu.memory_space<vmem>>
      %dma_start3A_34 = tpu.memref_squeeze %dma_start3A_33 : memref<1x20x125xi32, #tpu.memory_space<vmem>> -> memref<20x125xi32, #tpu.memory_space<vmem>>
      %dma_start3A_35 = arith.constant 0 : i32
      %dma_start3A_36 = arith.constant 0 : i32
      %dma_start3A_37 = tpu.memref_slice %arg2[%add3A, %run_scoped3A, %dma_start3A_35, %dma_start3A_36] : memref<32x4x20x125xi32, #tpu.memory_space<hbm>> -> memref<1x1x20x125xi32, #tpu.memory_space<hbm>>
      %dma_start3A_38 = tpu.memref_squeeze %dma_start3A_37 : memref<1x1x20x125xi32, #tpu.memory_space<hbm>> -> memref<20x125xi32, #tpu.memory_space<hbm>>
      %dma_start3A_39 = arith.constant 0 : i32
      %dma_start3A_40 = arith.constant 0 : i32
      %dma_start3A_41 = tpu.memref_slice %arg7[%run_scoped3A_1, %dma_start3A_39, %dma_start3A_40] : memref<2x20x125xi32, #tpu.memory_space<vmem>> -> memref<1x20x125xi32, #tpu.memory_space<vmem>>
      %dma_start3A_42 = tpu.memref_squeeze %dma_start3A_41 : memref<1x20x125xi32, #tpu.memory_space<vmem>> -> memref<20x125xi32, #tpu.memory_space<vmem>>
      %dma_start3A_43 = arith.constant 0 : i32
      %dma_start3A_44 = arith.constant 0 : i32
      %dma_start3A_45 = tpu.memref_slice %arg2[%add3A, %run_scoped3A, %dma_start3A_43, %dma_start3A_44] : memref<32x4x20x125xi32, #tpu.memory_space<hbm>> -> memref<1x1x20x125xi32, #tpu.memory_space<hbm>>
      %dma_start3A_46 = tpu.memref_squeeze %dma_start3A_45 : memref<1x1x20x125xi32, #tpu.memory_space<hbm>> -> memref<20x125xi32, #tpu.memory_space<hbm>>
      tpu.enqueue_dma source(%dma_start3A_46 : memref<20x125xi32, #tpu.memory_space<hbm>>) target(%dma_start3A_42 : memref<20x125xi32, #tpu.memory_space<vmem>>) target_semaphore(%run_scoped3A_30 : memref<!tpu.dma_semaphore, #tpu.memory_space<semaphore_mem>>)
      %dma_wait3A = arith.constant 0 : i32
      %dma_wait3A_47 = arith.constant 0 : i32
      %dma_wait3A_48 = tpu.memref_slice %arg7[%run_scoped3A_1, %dma_wait3A, %dma_wait3A_47] : memref<2x20x125xi32, #tpu.memory_space<vmem>> -> memref<1x20x125xi32, #tpu.memory_space<vmem>>
      %dma_wait3A_49 = tpu.memref_squeeze %dma_wait3A_48 : memref<1x20x125xi32, #tpu.memory_space<vmem>> -> memref<20x125xi32, #tpu.memory_space<vmem>>
      %dma_wait3A_50 = arith.constant 0 : i32
      %dma_wait3A_51 = arith.constant 0 : i32
      %dma_wait3A_52 = tpu.memref_slice %arg2[%add3A, %run_scoped3A, %dma_wait3A_50, %dma_wait3A_51] : memref<32x4x20x125xi32, #tpu.memory_space<hbm>> -> memref<1x1x20x125xi32, #tpu.memory_space<hbm>>
      %dma_wait3A_53 = tpu.memref_squeeze %dma_wait3A_52 : memref<1x1x20x125xi32, #tpu.memory_space<hbm>> -> memref<20x125xi32, #tpu.memory_space<hbm>>
      %dma_wait3A_54 = arith.constant 0 : i32
      %dma_wait3A_55 = arith.constant 0 : i32
      %dma_wait3A_56 = tpu.memref_slice %arg7[%run_scoped3A_1, %dma_wait3A_54, %dma_wait3A_55] : memref<2x20x125xi32, #tpu.memory_space<vmem>> -> memref<1x20x125xi32, #tpu.memory_space<vmem>>
      %dma_wait3A_57 = tpu.memref_squeeze %dma_wait3A_56 : memref<1x20x125xi32, #tpu.memory_space<vmem>> -> memref<20x125xi32, #tpu.memory_space<vmem>>
      %dma_wait3A_58 = arith.constant 0 : i32
      %dma_wait3A_59 = arith.constant 0 : i32
      %dma_wait3A_60 = tpu.memref_slice %arg2[%add3A, %run_scoped3A, %dma_wait3A_58, %dma_wait3A_59] : memref<32x4x20x125xi32, #tpu.memory_space<hbm>> -> memref<1x1x20x125xi32, #tpu.memory_space<hbm>>
      %dma_wait3A_61 = tpu.memref_squeeze %dma_wait3A_60 : memref<1x1x20x125xi32, #tpu.memory_space<hbm>> -> memref<20x125xi32, #tpu.memory_space<hbm>>
      tpu.wait_dma2 semaphore(%run_scoped3A_30 : memref<!tpu.dma_semaphore, #tpu.memory_space<semaphore_mem>>) src(%dma_wait3A_61 : memref<20x125xi32, #tpu.memory_space<hbm>>) dst(%dma_wait3A_57 : memref<20x125xi32, #tpu.memory_space<vmem>>)
      tpu.yield
    }) : () -> ()
    %run_scoped3A_2 = arith.constant 0 : i32
    %run_scoped3A_3 = arith.constant 0 : i32
    "tpu.region"() ({
      %run_scoped3A_30 = tpu.sem_alloc : memref<!tpu.dma_semaphore, #tpu.memory_space<semaphore_mem>>
      %dma_start3A_31 = arith.constant 0 : i32
      %dma_start3A_32 = arith.constant 0 : i32
      %dma_start3A_33 = tpu.memref_slice %arg8[%run_scoped3A_3, %dma_start3A_31, %dma_start3A_32] : memref<2x20x125xi32, #tpu.memory_space<vmem>> -> memref<1x20x125xi32, #tpu.memory_space<vmem>>
      %dma_start3A_34 = tpu.memref_squeeze %dma_start3A_33 : memref<1x20x125xi32, #tpu.memory_space<vmem>> -> memref<20x125xi32, #tpu.memory_space<vmem>>
      %dma_start3A_35 = arith.constant 0 : i32
      %dma_start3A_36 = arith.constant 0 : i32
      %dma_start3A_37 = tpu.memref_slice %arg3[%add3A, %run_scoped3A_2, %dma_start3A_35, %dma_start3A_36] : memref<32x4x20x125xi32, #tpu.memory_space<hbm>> -> memref<1x1x20x125xi32, #tpu.memory_space<hbm>>
      %dma_start3A_38 = tpu.memref_squeeze %dma_start3A_37 : memref<1x1x20x125xi32, #tpu.memory_space<hbm>> -> memref<20x125xi32, #tpu.memory_space<hbm>>
      %dma_start3A_39 = arith.constant 0 : i32
      %dma_start3A_40 = arith.constant 0 : i32
      %dma_start3A_41 = tpu.memref_slice %arg8[%run_scoped3A_3, %dma_start3A_39, %dma_start3A_40] : memref<2x20x125xi32, #tpu.memory_space<vmem>> -> memref<1x20x125xi32, #tpu.memory_space<vmem>>
      %dma_start3A_42 = tpu.memref_squeeze %dma_start3A_41 : memref<1x20x125xi32, #tpu.memory_space<vmem>> -> memref<20x125xi32, #tpu.memory_space<vmem>>
      %dma_start3A_43 = arith.constant 0 : i32
      %dma_start3A_44 = arith.constant 0 : i32
      %dma_start3A_45 = tpu.memref_slice %arg3[%add3A, %run_scoped3A_2, %dma_start3A_43, %dma_start3A_44] : memref<32x4x20x125xi32, #tpu.memory_space<hbm>> -> memref<1x1x20x125xi32, #tpu.memory_space<hbm>>
      %dma_start3A_46 = tpu.memref_squeeze %dma_start3A_45 : memref<1x1x20x125xi32, #tpu.memory_space<hbm>> -> memref<20x125xi32, #tpu.memory_space<hbm>>
      tpu.enqueue_dma source(%dma_start3A_46 : memref<20x125xi32, #tpu.memory_space<hbm>>) target(%dma_start3A_42 : memref<20x125xi32, #tpu.memory_space<vmem>>) target_semaphore(%run_scoped3A_30 : memref<!tpu.dma_semaphore, #tpu.memory_space<semaphore_mem>>)
      %dma_wait3A = arith.constant 0 : i32
      %dma_wait3A_47 = arith.constant 0 : i32
      %dma_wait3A_48 = tpu.memref_slice %arg8[%run_scoped3A_3, %dma_wait3A, %dma_wait3A_47] : memref<2x20x125xi32, #tpu.memory_space<vmem>> -> memref<1x20x125xi32, #tpu.memory_space<vmem>>
      %dma_wait3A_49 = tpu.memref_squeeze %dma_wait3A_48 : memref<1x20x125xi32, #tpu.memory_space<vmem>> -> memref<20x125xi32, #tpu.memory_space<vmem>>
      %dma_wait3A_50 = arith.constant 0 : i32
      %dma_wait3A_51 = arith.constant 0 : i32
      %dma_wait3A_52 = tpu.memref_slice %arg3[%add3A, %run_scoped3A_2, %dma_wait3A_50, %dma_wait3A_51] : memref<32x4x20x125xi32, #tpu.memory_space<hbm>> -> memref<1x1x20x125xi32, #tpu.memory_space<hbm>>
      %dma_wait3A_53 = tpu.memref_squeeze %dma_wait3A_52 : memref<1x1x20x125xi32, #tpu.memory_space<hbm>> -> memref<20x125xi32, #tpu.memory_space<hbm>>
      %dma_wait3A_54 = arith.constant 0 : i32
      %dma_wait3A_55 = arith.constant 0 : i32
      %dma_wait3A_56 = tpu.memref_slice %arg8[%run_scoped3A_3, %dma_wait3A_54, %dma_wait3A_55] : memref<2x20x125xi32, #tpu.memory_space<vmem>> -> memref<1x20x125xi32, #tpu.memory_space<vmem>>
      %dma_wait3A_57 = tpu.memref_squeeze %dma_wait3A_56 : memref<1x20x125xi32, #tpu.memory_space<vmem>> -> memref<20x125xi32, #tpu.memory_space<vmem>>
      %dma_wait3A_58 = arith.constant 0 : i32
      %dma_wait3A_59 = arith.constant 0 : i32
      %dma_wait3A_60 = tpu.memref_slice %arg3[%add3A, %run_scoped3A_2, %dma_wait3A_58, %dma_wait3A_59] : memref<32x4x20x125xi32, #tpu.memory_space<hbm>> -> memref<1x1x20x125xi32, #tpu.memory_space<hbm>>
      %dma_wait3A_61 = tpu.memref_squeeze %dma_wait3A_60 : memref<1x1x20x125xi32, #tpu.memory_space<hbm>> -> memref<20x125xi32, #tpu.memory_space<hbm>>
      tpu.wait_dma2 semaphore(%run_scoped3A_30 : memref<!tpu.dma_semaphore, #tpu.memory_space<semaphore_mem>>) src(%dma_wait3A_61 : memref<20x125xi32, #tpu.memory_space<hbm>>) dst(%dma_wait3A_57 : memref<20x125xi32, #tpu.memory_space<vmem>>)
      tpu.yield
    }) : () -> ()
    %mul3A_4 = arith.constant 632 : i32
    %mul3A_5 = arith.muli %arg1, %mul3A_4 : i32
    %mul3A_6 = arith.constant 632 : i32
    %mul3A_7 = arith.muli %arg1, %mul3A_6 : i32
    "tpu.region"() ({
      %run_scoped3A_30 = tpu.sem_alloc : memref<!tpu.dma_semaphore, #tpu.memory_space<semaphore_mem>>
      %dma_start3A_31 = arith.constant 0 : i32
      %dma_start3A_32 = tpu.memref_slice %arg10[%mul3A_7, %dma_start3A_31] : memref<10112x128xf32, #tpu.memory_space<vmem_shared>> -> memref<632x128xf32, #tpu.memory_space<vmem_shared>>
      %dma_start3A_33 = arith.constant 0 : i32
      %dma_start3A_34 = tpu.memref_slice %arg5[%mul3A_5, %dma_start3A_33] : memref<10112x128xf32, #tpu.memory_space<hbm>> -> memref<632x128xf32, #tpu.memory_space<hbm>>
      tpu.enqueue_dma source(%dma_start3A_34 : memref<632x128xf32, #tpu.memory_space<hbm>>) target(%dma_start3A_32 : memref<632x128xf32, #tpu.memory_space<vmem_shared>>) target_semaphore(%run_scoped3A_30 : memref<!tpu.dma_semaphore, #tpu.memory_space<semaphore_mem>>)
      %dma_wait3A = arith.constant 0 : i32
      %dma_wait3A_35 = tpu.memref_slice %arg10[%mul3A_7, %dma_wait3A] : memref<10112x128xf32, #tpu.memory_space<vmem_shared>> -> memref<632x128xf32, #tpu.memory_space<vmem_shared>>
      %dma_wait3A_36 = arith.constant 0 : i32
      %dma_wait3A_37 = tpu.memref_slice %arg5[%mul3A_5, %dma_wait3A_36] : memref<10112x128xf32, #tpu.memory_space<hbm>> -> memref<632x128xf32, #tpu.memory_space<hbm>>
      tpu.wait_dma2 semaphore(%run_scoped3A_30 : memref<!tpu.dma_semaphore, #tpu.memory_space<semaphore_mem>>) src(%dma_wait3A_37 : memref<632x128xf32, #tpu.memory_space<hbm>>) dst(%dma_wait3A_35 : memref<632x128xf32, #tpu.memory_space<vmem_shared>>)
      tpu.yield
    }) : () -> ()
    %barrier3A = arith.constant 0 : index
    tpu.barrier barrier_id(%barrier3A)
    %dma_start3A = arith.constant 0 : i32
    %dma_start3A_8 = arith.constant 0 : i32
    %dma_start3A_9 = arith.constant 0 : i32
    %dma_start3A_10 = arith.constant 0 : i32
    %dma_start3A_11 = arith.constant 0 : i32
    %dma_start3A_12 = tpu.memref_slice %arg9[%dma_start3A_9, %dma_start3A_10, %dma_start3A_11] : memref<2x125x128xf32, #tpu.memory_space<vmem>> -> memref<1x125x128xf32, #tpu.memory_space<vmem>>
    %dma_start3A_13 = tpu.memref_squeeze %dma_start3A_12 : memref<1x125x128xf32, #tpu.memory_space<vmem>> -> memref<125x128xf32, #tpu.memory_space<vmem>>
    %dma_start3A_14 = arith.constant 0 : i32
    %dma_start3A_15 = tpu.memref_slice %arg7[%dma_start3A, %dma_start3A_8, %dma_start3A_14] : memref<2x20x125xi32, #tpu.memory_space<vmem>> -> memref<1x1x125xi32, #tpu.memory_space<vmem>>
    %dma_start3A_16 = tpu.memref_squeeze %dma_start3A_15 : memref<1x1x125xi32, #tpu.memory_space<vmem>> -> memref<125xi32, #tpu.memory_space<vmem>>
    %dma_start3A_17 = arith.constant 0 : i32
    %dma_start3A_18 = arith.constant 0 : i32
    %dma_start3A_19 = tpu.memref_slice %arg4[%dma_start3A_17, %dma_start3A_18] : memref<10000x128xf32, #tpu.memory_space<hbm>> -> memref<10000x128xf32, #tpu.memory_space<hbm>>
    tpu.enqueue_indirect_dma source(%dma_start3A_19 : memref<10000x128xf32, #tpu.memory_space<hbm>>) target(%dma_start3A_13 : memref<125x128xf32, #tpu.memory_space<vmem>>) offsets(%dma_start3A_16 : memref<125xi32, #tpu.memory_space<vmem>>) semaphore(%arg11 : memref<!tpu.dma_semaphore, #tpu.memory_space<semaphore_mem>>)
    %scan3A = arith.constant 0 : i32
    %scan3A_20 = arith.constant 0 : i32
    %scan3A_21 = arith.constant 40 : i32
    %scan3A_22 = arith.addi %scan3A_20, %scan3A_21 : i32
    %scan3A_23 = arith.constant 1 : i32
    scf.for %scan3A_30 = %scan3A_20 to %scan3A_22 step %scan3A_23  : i32 {
      %mul3A_31 = arith.constant 2 : i32
      %mul3A_32 = arith.muli %mul3A_31, %scan3A_30 : i32
      %add3A_33 = arith.constant 1 : i32
      %add3A_34 = arith.addi %mul3A_32, %add3A_33 : i32
      %add3A_35 = arith.constant 2 : i32
      %add3A_36 = arith.addi %mul3A_32, %add3A_35 : i32
      %jit3A = arith.constant 20 : i32
      %div3A = arith.divsi %mul3A_32, %jit3A : i32
      %sign3A = arith.constant 0 : i32
      %sign3A_37 = arith.cmpi sgt, %mul3A_32, %sign3A : i32
      %sign3A_38 = arith.extui %sign3A_37 : i1 to i32
      %sign3A_39 = arith.constant 0 : i32
      %sign3A_40 = arith.cmpi slt, %mul3A_32, %sign3A_39 : i32
      %sign3A_41 = arith.extui %sign3A_40 : i1 to i32
      %sign3A_42 = arith.subi %sign3A_38, %sign3A_41 : i32
      %sign3A_43 = arith.constant 0 : i32
      %sign3A_44 = arith.cmpi sgt, %jit3A, %sign3A_43 : i32
      %sign3A_45 = arith.extui %sign3A_44 : i1 to i32
      %sign3A_46 = arith.constant 0 : i32
      %sign3A_47 = arith.cmpi slt, %jit3A, %sign3A_46 : i32
      %sign3A_48 = arith.extui %sign3A_47 : i1 to i32
      %sign3A_49 = arith.subi %sign3A_45, %sign3A_48 : i32
      %ne3A = arith.cmpi ne, %sign3A_42, %sign3A_49 : i32
      %rem3A = arith.remsi %mul3A_32, %jit3A : i32
      %ne3A_50 = arith.constant 0 : i32
      %ne3A_51 = arith.cmpi ne, %rem3A, %ne3A_50 : i32
      %and3A = arith.andi %ne3A, %ne3A_51 : i1
      %sub3A = arith.constant 1 : i32
      %sub3A_52 = arith.subi %div3A, %sub3A : i32
      %select_n3A = arith.select %and3A, %sub3A_52, %div3A : i32
      %jit3A_53 = arith.constant 20 : i32
      %eq3A = arith.constant 0 : i32
      %eq3A_54 = arith.cmpi eq, %jit3A_53, %eq3A : i32
      %jit3A_55 = arith.constant 1 : i32
      %select_n3A_56 = arith.select %eq3A_54, %jit3A_55, %jit3A_53 : i32
      %rem3A_57 = arith.remsi %mul3A_32, %select_n3A_56 : i32
      %ne3A_58 = arith.constant 0 : i32
      %ne3A_59 = arith.cmpi ne, %rem3A_57, %ne3A_58 : i32
      %lt3A = arith.constant 0 : i32
      %lt3A_60 = arith.cmpi slt, %rem3A_57, %lt3A : i32
      %lt3A_61 = arith.constant 0 : i32
      %lt3A_62 = arith.cmpi slt, %select_n3A_56, %lt3A_61 : i32
      %ne3A_63 = arith.xori %lt3A_60, %lt3A_62 : i1
      %and3A_64 = arith.andi %ne3A_63, %ne3A_59 : i1
      %add3A_65 = arith.addi %rem3A_57, %select_n3A_56 : i32
      %select_n3A_66 = arith.select %and3A_64, %add3A_65, %rem3A_57 : i32
      %eq3A_67 = arith.constant 0 : i32
      %eq3A_68 = arith.cmpi eq, %select_n3A_66, %eq3A_67 : i32
      %add3A_69 = arith.constant 1 : i32
      %add3A_70 = arith.addi %select_n3A, %add3A_69 : i32
      %lt3A_71 = arith.constant 4 : i32
      %lt3A_72 = arith.cmpi slt, %add3A_70, %lt3A_71 : i32
      %and3A_73 = arith.andi %eq3A_68, %lt3A_72 : i1
      %convert_element_type3A = arith.extui %and3A_73 : i1 to i32
      %cond3A = arith.constant 0 : i32
      %cond3A_74 = arith.cmpi ne, %convert_element_type3A, %cond3A : i32
      scf.if %cond3A_74 {
        %add3A_237 = arith.constant 1 : i32
        %add3A_238 = arith.addi %select_n3A, %add3A_237 : i32
        %jit3A_239 = arith.constant 2 : i32
        %eq3A_240 = arith.constant 0 : i32
        %eq3A_241 = arith.cmpi eq, %jit3A_239, %eq3A_240 : i32
        %jit3A_242 = arith.constant 1 : i32
        %select_n3A_243 = arith.select %eq3A_241, %jit3A_242, %jit3A_239 : i32
        %rem3A_244 = arith.remsi %add3A_238, %select_n3A_243 : i32
        %ne3A_245 = arith.constant 0 : i32
        %ne3A_246 = arith.cmpi ne, %rem3A_244, %ne3A_245 : i32
        %lt3A_247 = arith.constant 0 : i32
        %lt3A_248 = arith.cmpi slt, %rem3A_244, %lt3A_247 : i32
        %lt3A_249 = arith.constant 0 : i32
        %lt3A_250 = arith.cmpi slt, %select_n3A_243, %lt3A_249 : i32
        %ne3A_251 = arith.xori %lt3A_248, %lt3A_250 : i1
        %and3A_252 = arith.andi %ne3A_251, %ne3A_246 : i1
        %add3A_253 = arith.addi %rem3A_244, %select_n3A_243 : i32
        %select_n3A_254 = arith.select %and3A_252, %add3A_253, %rem3A_244 : i32
        %dma_start3A_255 = arith.constant 0 : i32
        %dma_start3A_256 = arith.constant 0 : i32
        %dma_start3A_257 = tpu.memref_slice %arg7[%select_n3A_254, %dma_start3A_255, %dma_start3A_256] : memref<2x20x125xi32, #tpu.memory_space<vmem>> -> memref<1x20x125xi32, #tpu.memory_space<vmem>>
        %dma_start3A_258 = tpu.memref_squeeze %dma_start3A_257 : memref<1x20x125xi32, #tpu.memory_space<vmem>> -> memref<20x125xi32, #tpu.memory_space<vmem>>
        %dma_start3A_259 = arith.constant 0 : i32
        %dma_start3A_260 = arith.constant 0 : i32
        %dma_start3A_261 = tpu.memref_slice %arg2[%add3A, %add3A_238, %dma_start3A_259, %dma_start3A_260] : memref<32x4x20x125xi32, #tpu.memory_space<hbm>> -> memref<1x1x20x125xi32, #tpu.memory_space<hbm>>
        %dma_start3A_262 = tpu.memref_squeeze %dma_start3A_261 : memref<1x1x20x125xi32, #tpu.memory_space<hbm>> -> memref<20x125xi32, #tpu.memory_space<hbm>>
        %dma_start3A_263 = arith.constant 0 : i32
        %dma_start3A_264 = arith.constant 0 : i32
        %dma_start3A_265 = tpu.memref_slice %arg7[%select_n3A_254, %dma_start3A_263, %dma_start3A_264] : memref<2x20x125xi32, #tpu.memory_space<vmem>> -> memref<1x20x125xi32, #tpu.memory_space<vmem>>
        %dma_start3A_266 = tpu.memref_squeeze %dma_start3A_265 : memref<1x20x125xi32, #tpu.memory_space<vmem>> -> memref<20x125xi32, #tpu.memory_space<vmem>>
        %dma_start3A_267 = arith.constant 0 : i32
        %dma_start3A_268 = arith.constant 0 : i32
        %dma_start3A_269 = tpu.memref_slice %arg2[%add3A, %add3A_238, %dma_start3A_267, %dma_start3A_268] : memref<32x4x20x125xi32, #tpu.memory_space<hbm>> -> memref<1x1x20x125xi32, #tpu.memory_space<hbm>>
        %dma_start3A_270 = tpu.memref_squeeze %dma_start3A_269 : memref<1x1x20x125xi32, #tpu.memory_space<hbm>> -> memref<20x125xi32, #tpu.memory_space<hbm>>
        tpu.enqueue_dma source(%dma_start3A_270 : memref<20x125xi32, #tpu.memory_space<hbm>>) target(%dma_start3A_266 : memref<20x125xi32, #tpu.memory_space<vmem>>) target_semaphore(%arg13 : memref<!tpu.dma_semaphore, #tpu.memory_space<semaphore_mem>>)
        %jit3A_271 = arith.constant 2 : i32
        %eq3A_272 = arith.constant 0 : i32
        %eq3A_273 = arith.cmpi eq, %jit3A_271, %eq3A_272 : i32
        %jit3A_274 = arith.constant 1 : i32
        %select_n3A_275 = arith.select %eq3A_273, %jit3A_274, %jit3A_271 : i32
        %rem3A_276 = arith.remsi %add3A_238, %select_n3A_275 : i32
        %ne3A_277 = arith.constant 0 : i32
        %ne3A_278 = arith.cmpi ne, %rem3A_276, %ne3A_277 : i32
        %lt3A_279 = arith.constant 0 : i32
        %lt3A_280 = arith.cmpi slt, %rem3A_276, %lt3A_279 : i32
        %lt3A_281 = arith.constant 0 : i32
        %lt3A_282 = arith.cmpi slt, %select_n3A_275, %lt3A_281 : i32
        %ne3A_283 = arith.xori %lt3A_280, %lt3A_282 : i1
        %and3A_284 = arith.andi %ne3A_283, %ne3A_278 : i1
        %add3A_285 = arith.addi %rem3A_276, %select_n3A_275 : i32
        %select_n3A_286 = arith.select %and3A_284, %add3A_285, %rem3A_276 : i32
        %dma_start3A_287 = arith.constant 0 : i32
        %dma_start3A_288 = arith.constant 0 : i32
        %dma_start3A_289 = tpu.memref_slice %arg8[%select_n3A_286, %dma_start3A_287, %dma_start3A_288] : memref<2x20x125xi32, #tpu.memory_space<vmem>> -> memref<1x20x125xi32, #tpu.memory_space<vmem>>
        %dma_start3A_290 = tpu.memref_squeeze %dma_start3A_289 : memref<1x20x125xi32, #tpu.memory_space<vmem>> -> memref<20x125xi32, #tpu.memory_space<vmem>>
        %dma_start3A_291 = arith.constant 0 : i32
        %dma_start3A_292 = arith.constant 0 : i32
        %dma_start3A_293 = tpu.memref_slice %arg3[%add3A, %add3A_238, %dma_start3A_291, %dma_start3A_292] : memref<32x4x20x125xi32, #tpu.memory_space<hbm>> -> memref<1x1x20x125xi32, #tpu.memory_space<hbm>>
        %dma_start3A_294 = tpu.memref_squeeze %dma_start3A_293 : memref<1x1x20x125xi32, #tpu.memory_space<hbm>> -> memref<20x125xi32, #tpu.memory_space<hbm>>
        %dma_start3A_295 = arith.constant 0 : i32
        %dma_start3A_296 = arith.constant 0 : i32
        %dma_start3A_297 = tpu.memref_slice %arg8[%select_n3A_286, %dma_start3A_295, %dma_start3A_296] : memref<2x20x125xi32, #tpu.memory_space<vmem>> -> memref<1x20x125xi32, #tpu.memory_space<vmem>>
        %dma_start3A_298 = tpu.memref_squeeze %dma_start3A_297 : memref<1x20x125xi32, #tpu.memory_space<vmem>> -> memref<20x125xi32, #tpu.memory_space<vmem>>
        %dma_start3A_299 = arith.constant 0 : i32
        %dma_start3A_300 = arith.constant 0 : i32
        %dma_start3A_301 = tpu.memref_slice %arg3[%add3A, %add3A_238, %dma_start3A_299, %dma_start3A_300] : memref<32x4x20x125xi32, #tpu.memory_space<hbm>> -> memref<1x1x20x125xi32, #tpu.memory_space<hbm>>
        %dma_start3A_302 = tpu.memref_squeeze %dma_start3A_301 : memref<1x1x20x125xi32, #tpu.memory_space<hbm>> -> memref<20x125xi32, #tpu.memory_space<hbm>>
        tpu.enqueue_dma source(%dma_start3A_302 : memref<20x125xi32, #tpu.memory_space<hbm>>) target(%dma_start3A_298 : memref<20x125xi32, #tpu.memory_space<vmem>>) target_semaphore(%arg14 : memref<!tpu.dma_semaphore, #tpu.memory_space<semaphore_mem>>)
      } else {
      }
      %lt3A_75 = arith.constant 80 : i32
      %lt3A_76 = arith.cmpi slt, %add3A_36, %lt3A_75 : i32
      %jit3A_77 = arith.constant 20 : i32
      %eq3A_78 = arith.constant 0 : i32
      %eq3A_79 = arith.cmpi eq, %jit3A_77, %eq3A_78 : i32
      %jit3A_80 = arith.constant 1 : i32
      %select_n3A_81 = arith.select %eq3A_79, %jit3A_80, %jit3A_77 : i32
      %rem3A_82 = arith.remsi %add3A_36, %select_n3A_81 : i32
      %ne3A_83 = arith.constant 0 : i32
      %ne3A_84 = arith.cmpi ne, %rem3A_82, %ne3A_83 : i32
      %lt3A_85 = arith.constant 0 : i32
      %lt3A_86 = arith.cmpi slt, %rem3A_82, %lt3A_85 : i32
      %lt3A_87 = arith.constant 0 : i32
      %lt3A_88 = arith.cmpi slt, %select_n3A_81, %lt3A_87 : i32
      %ne3A_89 = arith.xori %lt3A_86, %lt3A_88 : i1
      %and3A_90 = arith.andi %ne3A_89, %ne3A_84 : i1
      %add3A_91 = arith.addi %rem3A_82, %select_n3A_81 : i32
      %select_n3A_92 = arith.select %and3A_90, %add3A_91, %rem3A_82 : i32
      %eq3A_93 = arith.constant 0 : i32
      %eq3A_94 = arith.cmpi eq, %select_n3A_92, %eq3A_93 : i32
      %and3A_95 = arith.andi %lt3A_76, %eq3A_94 : i1
      %convert_element_type3A_96 = arith.extui %and3A_95 : i1 to i32
      %cond3A_97 = arith.constant 0 : i32
      %cond3A_98 = arith.cmpi ne, %convert_element_type3A_96, %cond3A_97 : i32
      scf.if %cond3A_98 {
        %jit3A_237 = arith.constant 20 : i32
        %div3A_238 = arith.divsi %add3A_36, %jit3A_237 : i32
        %sign3A_239 = arith.constant 0 : i32
        %sign3A_240 = arith.cmpi sgt, %add3A_36, %sign3A_239 : i32
        %sign3A_241 = arith.extui %sign3A_240 : i1 to i32
        %sign3A_242 = arith.constant 0 : i32
        %sign3A_243 = arith.cmpi slt, %add3A_36, %sign3A_242 : i32
        %sign3A_244 = arith.extui %sign3A_243 : i1 to i32
        %sign3A_245 = arith.subi %sign3A_241, %sign3A_244 : i32
        %sign3A_246 = arith.constant 0 : i32
        %sign3A_247 = arith.cmpi sgt, %jit3A_237, %sign3A_246 : i32
        %sign3A_248 = arith.extui %sign3A_247 : i1 to i32
        %sign3A_249 = arith.constant 0 : i32
        %sign3A_250 = arith.cmpi slt, %jit3A_237, %sign3A_249 : i32
        %sign3A_251 = arith.extui %sign3A_250 : i1 to i32
        %sign3A_252 = arith.subi %sign3A_248, %sign3A_251 : i32
        %ne3A_253 = arith.cmpi ne, %sign3A_245, %sign3A_252 : i32
        %rem3A_254 = arith.remsi %add3A_36, %jit3A_237 : i32
        %ne3A_255 = arith.constant 0 : i32
        %ne3A_256 = arith.cmpi ne, %rem3A_254, %ne3A_255 : i32
        %and3A_257 = arith.andi %ne3A_253, %ne3A_256 : i1
        %sub3A_258 = arith.constant 1 : i32
        %sub3A_259 = arith.subi %div3A_238, %sub3A_258 : i32
        %select_n3A_260 = arith.select %and3A_257, %sub3A_259, %div3A_238 : i32
        %jit3A_261 = arith.constant 2 : i32
        %eq3A_262 = arith.constant 0 : i32
        %eq3A_263 = arith.cmpi eq, %jit3A_261, %eq3A_262 : i32
        %jit3A_264 = arith.constant 1 : i32
        %select_n3A_265 = arith.select %eq3A_263, %jit3A_264, %jit3A_261 : i32
        %rem3A_266 = arith.remsi %select_n3A_260, %select_n3A_265 : i32
        %ne3A_267 = arith.constant 0 : i32
        %ne3A_268 = arith.cmpi ne, %rem3A_266, %ne3A_267 : i32
        %lt3A_269 = arith.constant 0 : i32
        %lt3A_270 = arith.cmpi slt, %rem3A_266, %lt3A_269 : i32
        %lt3A_271 = arith.constant 0 : i32
        %lt3A_272 = arith.cmpi slt, %select_n3A_265, %lt3A_271 : i32
        %ne3A_273 = arith.xori %lt3A_270, %lt3A_272 : i1
        %and3A_274 = arith.andi %ne3A_273, %ne3A_268 : i1
        %add3A_275 = arith.addi %rem3A_266, %select_n3A_265 : i32
        %select_n3A_276 = arith.select %and3A_274, %add3A_275, %rem3A_266 : i32
        %dma_wait3A_277 = arith.constant 0 : i32
        %dma_wait3A_278 = arith.constant 0 : i32
        %dma_wait3A_279 = tpu.memref_slice %arg7[%select_n3A_276, %dma_wait3A_277, %dma_wait3A_278] : memref<2x20x125xi32, #tpu.memory_space<vmem>> -> memref<1x20x125xi32, #tpu.memory_space<vmem>>
        %dma_wait3A_280 = tpu.memref_squeeze %dma_wait3A_279 : memref<1x20x125xi32, #tpu.memory_space<vmem>> -> memref<20x125xi32, #tpu.memory_space<vmem>>
        %dma_wait3A_281 = arith.constant 0 : i32
        %dma_wait3A_282 = arith.constant 0 : i32
        %dma_wait3A_283 = tpu.memref_slice %arg2[%add3A, %select_n3A_260, %dma_wait3A_281, %dma_wait3A_282] : memref<32x4x20x125xi32, #tpu.memory_space<hbm>> -> memref<1x1x20x125xi32, #tpu.memory_space<hbm>>
        %dma_wait3A_284 = tpu.memref_squeeze %dma_wait3A_283 : memref<1x1x20x125xi32, #tpu.memory_space<hbm>> -> memref<20x125xi32, #tpu.memory_space<hbm>>
        %dma_wait3A_285 = arith.constant 0 : i32
        %dma_wait3A_286 = arith.constant 0 : i32
        %dma_wait3A_287 = tpu.memref_slice %arg7[%select_n3A_276, %dma_wait3A_285, %dma_wait3A_286] : memref<2x20x125xi32, #tpu.memory_space<vmem>> -> memref<1x20x125xi32, #tpu.memory_space<vmem>>
        %dma_wait3A_288 = tpu.memref_squeeze %dma_wait3A_287 : memref<1x20x125xi32, #tpu.memory_space<vmem>> -> memref<20x125xi32, #tpu.memory_space<vmem>>
        %dma_wait3A_289 = arith.constant 0 : i32
        %dma_wait3A_290 = arith.constant 0 : i32
        %dma_wait3A_291 = tpu.memref_slice %arg2[%add3A, %select_n3A_260, %dma_wait3A_289, %dma_wait3A_290] : memref<32x4x20x125xi32, #tpu.memory_space<hbm>> -> memref<1x1x20x125xi32, #tpu.memory_space<hbm>>
        %dma_wait3A_292 = tpu.memref_squeeze %dma_wait3A_291 : memref<1x1x20x125xi32, #tpu.memory_space<hbm>> -> memref<20x125xi32, #tpu.memory_space<hbm>>
        tpu.wait_dma2 semaphore(%arg13 : memref<!tpu.dma_semaphore, #tpu.memory_space<semaphore_mem>>) src(%dma_wait3A_292 : memref<20x125xi32, #tpu.memory_space<hbm>>) dst(%dma_wait3A_288 : memref<20x125xi32, #tpu.memory_space<vmem>>)
        %jit3A_293 = arith.constant 2 : i32
        %eq3A_294 = arith.constant 0 : i32
        %eq3A_295 = arith.cmpi eq, %jit3A_293, %eq3A_294 : i32
        %jit3A_296 = arith.constant 1 : i32
        %select_n3A_297 = arith.select %eq3A_295, %jit3A_296, %jit3A_293 : i32
        %rem3A_298 = arith.remsi %select_n3A_260, %select_n3A_297 : i32
        %ne3A_299 = arith.constant 0 : i32
        %ne3A_300 = arith.cmpi ne, %rem3A_298, %ne3A_299 : i32
        %lt3A_301 = arith.constant 0 : i32
        %lt3A_302 = arith.cmpi slt, %rem3A_298, %lt3A_301 : i32
        %lt3A_303 = arith.constant 0 : i32
        %lt3A_304 = arith.cmpi slt, %select_n3A_297, %lt3A_303 : i32
        %ne3A_305 = arith.xori %lt3A_302, %lt3A_304 : i1
        %and3A_306 = arith.andi %ne3A_305, %ne3A_300 : i1
        %add3A_307 = arith.addi %rem3A_298, %select_n3A_297 : i32
        %select_n3A_308 = arith.select %and3A_306, %add3A_307, %rem3A_298 : i32
        %dma_wait3A_309 = arith.constant 0 : i32
        %dma_wait3A_310 = arith.constant 0 : i32
        %dma_wait3A_311 = tpu.memref_slice %arg8[%select_n3A_308, %dma_wait3A_309, %dma_wait3A_310] : memref<2x20x125xi32, #tpu.memory_space<vmem>> -> memref<1x20x125xi32, #tpu.memory_space<vmem>>
        %dma_wait3A_312 = tpu.memref_squeeze %dma_wait3A_311 : memref<1x20x125xi32, #tpu.memory_space<vmem>> -> memref<20x125xi32, #tpu.memory_space<vmem>>
        %dma_wait3A_313 = arith.constant 0 : i32
        %dma_wait3A_314 = arith.constant 0 : i32
        %dma_wait3A_315 = tpu.memref_slice %arg3[%add3A, %select_n3A_260, %dma_wait3A_313, %dma_wait3A_314] : memref<32x4x20x125xi32, #tpu.memory_space<hbm>> -> memref<1x1x20x125xi32, #tpu.memory_space<hbm>>
        %dma_wait3A_316 = tpu.memref_squeeze %dma_wait3A_315 : memref<1x1x20x125xi32, #tpu.memory_space<hbm>> -> memref<20x125xi32, #tpu.memory_space<hbm>>
        %dma_wait3A_317 = arith.constant 0 : i32
        %dma_wait3A_318 = arith.constant 0 : i32
        %dma_wait3A_319 = tpu.memref_slice %arg8[%select_n3A_308, %dma_wait3A_317, %dma_wait3A_318] : memref<2x20x125xi32, #tpu.memory_space<vmem>> -> memref<1x20x125xi32, #tpu.memory_space<vmem>>
        %dma_wait3A_320 = tpu.memref_squeeze %dma_wait3A_319 : memref<1x20x125xi32, #tpu.memory_space<vmem>> -> memref<20x125xi32, #tpu.memory_space<vmem>>
        %dma_wait3A_321 = arith.constant 0 : i32
        %dma_wait3A_322 = arith.constant 0 : i32
        %dma_wait3A_323 = tpu.memref_slice %arg3[%add3A, %select_n3A_260, %dma_wait3A_321, %dma_wait3A_322] : memref<32x4x20x125xi32, #tpu.memory_space<hbm>> -> memref<1x1x20x125xi32, #tpu.memory_space<hbm>>
        %dma_wait3A_324 = tpu.memref_squeeze %dma_wait3A_323 : memref<1x1x20x125xi32, #tpu.memory_space<hbm>> -> memref<20x125xi32, #tpu.memory_space<hbm>>
        tpu.wait_dma2 semaphore(%arg14 : memref<!tpu.dma_semaphore, #tpu.memory_space<semaphore_mem>>) src(%dma_wait3A_324 : memref<20x125xi32, #tpu.memory_space<hbm>>) dst(%dma_wait3A_320 : memref<20x125xi32, #tpu.memory_space<vmem>>)
      } else {
      }
      %lt3A_99 = arith.constant 80 : i32
      %lt3A_100 = arith.cmpi slt, %add3A_34, %lt3A_99 : i32
      %convert_element_type3A_101 = arith.extui %lt3A_100 : i1 to i32
      %cond3A_102 = arith.constant 0 : i32
      %cond3A_103 = arith.cmpi ne, %convert_element_type3A_101, %cond3A_102 : i32
      scf.if %cond3A_103 {
        %jit3A_237 = arith.constant 20 : i32
        %div3A_238 = arith.divsi %add3A_34, %jit3A_237 : i32
        %sign3A_239 = arith.constant 0 : i32
        %sign3A_240 = arith.cmpi sgt, %add3A_34, %sign3A_239 : i32
        %sign3A_241 = arith.extui %sign3A_240 : i1 to i32
        %sign3A_242 = arith.constant 0 : i32
        %sign3A_243 = arith.cmpi slt, %add3A_34, %sign3A_242 : i32
        %sign3A_244 = arith.extui %sign3A_243 : i1 to i32
        %sign3A_245 = arith.subi %sign3A_241, %sign3A_244 : i32
        %sign3A_246 = arith.constant 0 : i32
        %sign3A_247 = arith.cmpi sgt, %jit3A_237, %sign3A_246 : i32
        %sign3A_248 = arith.extui %sign3A_247 : i1 to i32
        %sign3A_249 = arith.constant 0 : i32
        %sign3A_250 = arith.cmpi slt, %jit3A_237, %sign3A_249 : i32
        %sign3A_251 = arith.extui %sign3A_250 : i1 to i32
        %sign3A_252 = arith.subi %sign3A_248, %sign3A_251 : i32
        %ne3A_253 = arith.cmpi ne, %sign3A_245, %sign3A_252 : i32
        %rem3A_254 = arith.remsi %add3A_34, %jit3A_237 : i32
        %ne3A_255 = arith.constant 0 : i32
        %ne3A_256 = arith.cmpi ne, %rem3A_254, %ne3A_255 : i32
        %and3A_257 = arith.andi %ne3A_253, %ne3A_256 : i1
        %sub3A_258 = arith.constant 1 : i32
        %sub3A_259 = arith.subi %div3A_238, %sub3A_258 : i32
        %select_n3A_260 = arith.select %and3A_257, %sub3A_259, %div3A_238 : i32
        %jit3A_261 = arith.constant 2 : i32
        %eq3A_262 = arith.constant 0 : i32
        %eq3A_263 = arith.cmpi eq, %jit3A_261, %eq3A_262 : i32
        %jit3A_264 = arith.constant 1 : i32
        %select_n3A_265 = arith.select %eq3A_263, %jit3A_264, %jit3A_261 : i32
        %rem3A_266 = arith.remsi %select_n3A_260, %select_n3A_265 : i32
        %ne3A_267 = arith.constant 0 : i32
        %ne3A_268 = arith.cmpi ne, %rem3A_266, %ne3A_267 : i32
        %lt3A_269 = arith.constant 0 : i32
        %lt3A_270 = arith.cmpi slt, %rem3A_266, %lt3A_269 : i32
        %lt3A_271 = arith.constant 0 : i32
        %lt3A_272 = arith.cmpi slt, %select_n3A_265, %lt3A_271 : i32
        %ne3A_273 = arith.xori %lt3A_270, %lt3A_272 : i1
        %and3A_274 = arith.andi %ne3A_273, %ne3A_268 : i1
        %add3A_275 = arith.addi %rem3A_266, %select_n3A_265 : i32
        %select_n3A_276 = arith.select %and3A_274, %add3A_275, %rem3A_266 : i32
        %jit3A_277 = arith.constant 20 : i32
        %eq3A_278 = arith.constant 0 : i32
        %eq3A_279 = arith.cmpi eq, %jit3A_277, %eq3A_278 : i32
        %jit3A_280 = arith.constant 1 : i32
        %select_n3A_281 = arith.select %eq3A_279, %jit3A_280, %jit3A_277 : i32
        %rem3A_282 = arith.remsi %add3A_34, %select_n3A_281 : i32
        %ne3A_283 = arith.constant 0 : i32
        %ne3A_284 = arith.cmpi ne, %rem3A_282, %ne3A_283 : i32
        %lt3A_285 = arith.constant 0 : i32
        %lt3A_286 = arith.cmpi slt, %rem3A_282, %lt3A_285 : i32
        %lt3A_287 = arith.constant 0 : i32
        %lt3A_288 = arith.cmpi slt, %select_n3A_281, %lt3A_287 : i32
        %ne3A_289 = arith.xori %lt3A_286, %lt3A_288 : i1
        %and3A_290 = arith.andi %ne3A_289, %ne3A_284 : i1
        %add3A_291 = arith.addi %rem3A_282, %select_n3A_281 : i32
        %select_n3A_292 = arith.select %and3A_290, %add3A_291, %rem3A_282 : i32
        %dma_start3A_293 = arith.constant 1 : i32
        %dma_start3A_294 = arith.constant 0 : i32
        %dma_start3A_295 = arith.constant 0 : i32
        %dma_start3A_296 = tpu.memref_slice %arg9[%dma_start3A_293, %dma_start3A_294, %dma_start3A_295] : memref<2x125x128xf32, #tpu.memory_space<vmem>> -> memref<1x125x128xf32, #tpu.memory_space<vmem>>
        %dma_start3A_297 = tpu.memref_squeeze %dma_start3A_296 : memref<1x125x128xf32, #tpu.memory_space<vmem>> -> memref<125x128xf32, #tpu.memory_space<vmem>>
        %dma_start3A_298 = arith.constant 0 : i32
        %dma_start3A_299 = tpu.memref_slice %arg7[%select_n3A_276, %select_n3A_292, %dma_start3A_298] : memref<2x20x125xi32, #tpu.memory_space<vmem>> -> memref<1x1x125xi32, #tpu.memory_space<vmem>>
        %dma_start3A_300 = tpu.memref_squeeze %dma_start3A_299 : memref<1x1x125xi32, #tpu.memory_space<vmem>> -> memref<125xi32, #tpu.memory_space<vmem>>
        %dma_start3A_301 = arith.constant 0 : i32
        %dma_start3A_302 = arith.constant 0 : i32
        %dma_start3A_303 = tpu.memref_slice %arg4[%dma_start3A_301, %dma_start3A_302] : memref<10000x128xf32, #tpu.memory_space<hbm>> -> memref<10000x128xf32, #tpu.memory_space<hbm>>
        tpu.enqueue_indirect_dma source(%dma_start3A_303 : memref<10000x128xf32, #tpu.memory_space<hbm>>) target(%dma_start3A_297 : memref<125x128xf32, #tpu.memory_space<vmem>>) offsets(%dma_start3A_300 : memref<125xi32, #tpu.memory_space<vmem>>) semaphore(%arg12 : memref<!tpu.dma_semaphore, #tpu.memory_space<semaphore_mem>>)
      } else {
      }
      %jit3A_104 = arith.constant 20 : i32
      %div3A_105 = arith.divsi %mul3A_32, %jit3A_104 : i32
      %sign3A_106 = arith.constant 0 : i32
      %sign3A_107 = arith.cmpi sgt, %mul3A_32, %sign3A_106 : i32
      %sign3A_108 = arith.extui %sign3A_107 : i1 to i32
      %sign3A_109 = arith.constant 0 : i32
      %sign3A_110 = arith.cmpi slt, %mul3A_32, %sign3A_109 : i32
      %sign3A_111 = arith.extui %sign3A_110 : i1 to i32
      %sign3A_112 = arith.subi %sign3A_108, %sign3A_111 : i32
      %sign3A_113 = arith.constant 0 : i32
      %sign3A_114 = arith.cmpi sgt, %jit3A_104, %sign3A_113 : i32
      %sign3A_115 = arith.extui %sign3A_114 : i1 to i32
      %sign3A_116 = arith.constant 0 : i32
      %sign3A_117 = arith.cmpi slt, %jit3A_104, %sign3A_116 : i32
      %sign3A_118 = arith.extui %sign3A_117 : i1 to i32
      %sign3A_119 = arith.subi %sign3A_115, %sign3A_118 : i32
      %ne3A_120 = arith.cmpi ne, %sign3A_112, %sign3A_119 : i32
      %rem3A_121 = arith.remsi %mul3A_32, %jit3A_104 : i32
      %ne3A_122 = arith.constant 0 : i32
      %ne3A_123 = arith.cmpi ne, %rem3A_121, %ne3A_122 : i32
      %and3A_124 = arith.andi %ne3A_120, %ne3A_123 : i1
      %sub3A_125 = arith.constant 1 : i32
      %sub3A_126 = arith.subi %div3A_105, %sub3A_125 : i32
      %select_n3A_127 = arith.select %and3A_124, %sub3A_126, %div3A_105 : i32
      %jit3A_128 = arith.constant 2 : i32
      %eq3A_129 = arith.constant 0 : i32
      %eq3A_130 = arith.cmpi eq, %jit3A_128, %eq3A_129 : i32
      %jit3A_131 = arith.constant 1 : i32
      %select_n3A_132 = arith.select %eq3A_130, %jit3A_131, %jit3A_128 : i32
      %rem3A_133 = arith.remsi %select_n3A_127, %select_n3A_132 : i32
      %ne3A_134 = arith.constant 0 : i32
      %ne3A_135 = arith.cmpi ne, %rem3A_133, %ne3A_134 : i32
      %lt3A_136 = arith.constant 0 : i32
      %lt3A_137 = arith.cmpi slt, %rem3A_133, %lt3A_136 : i32
      %lt3A_138 = arith.constant 0 : i32
      %lt3A_139 = arith.cmpi slt, %select_n3A_132, %lt3A_138 : i32
      %ne3A_140 = arith.xori %lt3A_137, %lt3A_139 : i1
      %and3A_141 = arith.andi %ne3A_140, %ne3A_135 : i1
      %add3A_142 = arith.addi %rem3A_133, %select_n3A_132 : i32
      %select_n3A_143 = arith.select %and3A_141, %add3A_142, %rem3A_133 : i32
      %jit3A_144 = arith.constant 20 : i32
      %eq3A_145 = arith.constant 0 : i32
      %eq3A_146 = arith.cmpi eq, %jit3A_144, %eq3A_145 : i32
      %jit3A_147 = arith.constant 1 : i32
      %select_n3A_148 = arith.select %eq3A_146, %jit3A_147, %jit3A_144 : i32
      %rem3A_149 = arith.remsi %mul3A_32, %select_n3A_148 : i32
      %ne3A_150 = arith.constant 0 : i32
      %ne3A_151 = arith.cmpi ne, %rem3A_149, %ne3A_150 : i32
      %lt3A_152 = arith.constant 0 : i32
      %lt3A_153 = arith.cmpi slt, %rem3A_149, %lt3A_152 : i32
      %lt3A_154 = arith.constant 0 : i32
      %lt3A_155 = arith.cmpi slt, %select_n3A_148, %lt3A_154 : i32
      %ne3A_156 = arith.xori %lt3A_153, %lt3A_155 : i1
      %and3A_157 = arith.andi %ne3A_156, %ne3A_151 : i1
      %add3A_158 = arith.addi %rem3A_149, %select_n3A_148 : i32
      %select_n3A_159 = arith.select %and3A_157, %add3A_158, %rem3A_149 : i32
      %dma_wait3A = arith.constant 0 : i32
      %dma_wait3A_160 = arith.constant 0 : i32
      %dma_wait3A_161 = arith.constant 0 : i32
      %dma_wait3A_162 = tpu.memref_slice %arg9[%dma_wait3A, %dma_wait3A_160, %dma_wait3A_161] : memref<2x125x128xf32, #tpu.memory_space<vmem>> -> memref<1x125x128xf32, #tpu.memory_space<vmem>>
      %dma_wait3A_163 = tpu.memref_squeeze %dma_wait3A_162 : memref<1x125x128xf32, #tpu.memory_space<vmem>> -> memref<125x128xf32, #tpu.memory_space<vmem>>
      %dma_wait3A_164 = arith.constant 0 : i32
      %dma_wait3A_165 = tpu.memref_slice %arg7[%select_n3A_143, %select_n3A_159, %dma_wait3A_164] : memref<2x20x125xi32, #tpu.memory_space<vmem>> -> memref<1x1x125xi32, #tpu.memory_space<vmem>>
      %dma_wait3A_166 = tpu.memref_squeeze %dma_wait3A_165 : memref<1x1x125xi32, #tpu.memory_space<vmem>> -> memref<125xi32, #tpu.memory_space<vmem>>
      %dma_wait3A_167 = arith.constant 0 : i32
      %dma_wait3A_168 = arith.constant 0 : i32
      %dma_wait3A_169 = tpu.memref_slice %arg4[%dma_wait3A_167, %dma_wait3A_168] : memref<10000x128xf32, #tpu.memory_space<hbm>> -> memref<10000x128xf32, #tpu.memory_space<hbm>>
      tpu.wait_indirect_dma semaphore(%arg11 : memref<!tpu.dma_semaphore, #tpu.memory_space<semaphore_mem>>) src(%dma_wait3A_169 : memref<10000x128xf32, #tpu.memory_space<hbm>>) dst(%dma_wait3A_163 : memref<125x128xf32, #tpu.memory_space<vmem>>)
      %jit3A_170 = arith.constant 20 : i32
      %div3A_171 = arith.divsi %mul3A_32, %jit3A_170 : i32
      %sign3A_172 = arith.constant 0 : i32
      %sign3A_173 = arith.cmpi sgt, %mul3A_32, %sign3A_172 : i32
      %sign3A_174 = arith.extui %sign3A_173 : i1 to i32
      %sign3A_175 = arith.constant 0 : i32
      %sign3A_176 = arith.cmpi slt, %mul3A_32, %sign3A_175 : i32
      %sign3A_177 = arith.extui %sign3A_176 : i1 to i32
      %sign3A_178 = arith.subi %sign3A_174, %sign3A_177 : i32
      %sign3A_179 = arith.constant 0 : i32
      %sign3A_180 = arith.cmpi sgt, %jit3A_170, %sign3A_179 : i32
      %sign3A_181 = arith.extui %sign3A_180 : i1 to i32
      %sign3A_182 = arith.constant 0 : i32
      %sign3A_183 = arith.cmpi slt, %jit3A_170, %sign3A_182 : i32
      %sign3A_184 = arith.extui %sign3A_183 : i1 to i32
      %sign3A_185 = arith.subi %sign3A_181, %sign3A_184 : i32
      %ne3A_186 = arith.cmpi ne, %sign3A_178, %sign3A_185 : i32
      %rem3A_187 = arith.remsi %mul3A_32, %jit3A_170 : i32
      %ne3A_188 = arith.constant 0 : i32
      %ne3A_189 = arith.cmpi ne, %rem3A_187, %ne3A_188 : i32
      %and3A_190 = arith.andi %ne3A_186, %ne3A_189 : i1
      %sub3A_191 = arith.constant 1 : i32
      %sub3A_192 = arith.subi %div3A_171, %sub3A_191 : i32
      %select_n3A_193 = arith.select %and3A_190, %sub3A_192, %div3A_171 : i32
      %jit3A_194 = arith.constant 2 : i32
      %eq3A_195 = arith.constant 0 : i32
      %eq3A_196 = arith.cmpi eq, %jit3A_194, %eq3A_195 : i32
      %jit3A_197 = arith.constant 1 : i32
      %select_n3A_198 = arith.select %eq3A_196, %jit3A_197, %jit3A_194 : i32
      %rem3A_199 = arith.remsi %select_n3A_193, %select_n3A_198 : i32
      %ne3A_200 = arith.constant 0 : i32
      %ne3A_201 = arith.cmpi ne, %rem3A_199, %ne3A_200 : i32
      %lt3A_202 = arith.constant 0 : i32
      %lt3A_203 = arith.cmpi slt, %rem3A_199, %lt3A_202 : i32
      %lt3A_204 = arith.constant 0 : i32
      %lt3A_205 = arith.cmpi slt, %select_n3A_198, %lt3A_204 : i32
      %ne3A_206 = arith.xori %lt3A_203, %lt3A_205 : i1
      %and3A_207 = arith.andi %ne3A_206, %ne3A_201 : i1
      %add3A_208 = arith.addi %rem3A_199, %select_n3A_198 : i32
      %select_n3A_209 = arith.select %and3A_207, %add3A_208, %rem3A_199 : i32
      %jit3A_210 = arith.constant 20 : i32
      %eq3A_211 = arith.constant 0 : i32
      %eq3A_212 = arith.cmpi eq, %jit3A_210, %eq3A_211 : i32
      %jit3A_213 = arith.constant 1 : i32
      %select_n3A_214 = arith.select %eq3A_212, %jit3A_213, %jit3A_210 : i32
      %rem3A_215 = arith.remsi %mul3A_32, %select_n3A_214 : i32
      %ne3A_216 = arith.constant 0 : i32
      %ne3A_217 = arith.cmpi ne, %rem3A_215, %ne3A_216 : i32
      %lt3A_218 = arith.constant 0 : i32
      %lt3A_219 = arith.cmpi slt, %rem3A_215, %lt3A_218 : i32
      %lt3A_220 = arith.constant 0 : i32
      %lt3A_221 = arith.cmpi slt, %select_n3A_214, %lt3A_220 : i32
      %ne3A_222 = arith.xori %lt3A_219, %lt3A_221 : i1
      %and3A_223 = arith.andi %ne3A_222, %ne3A_217 : i1
      %add3A_224 = arith.addi %rem3A_215, %select_n3A_214 : i32
      %select_n3A_225 = arith.select %and3A_223, %add3A_224, %rem3A_215 : i32
      %run_scoped3A_226 = arith.constant 0 : i32
      "tpu.region"() ({
        %run_scoped3A_237 = tpu.sem_alloc : memref<!tpu.dma_semaphore, #tpu.memory_space<semaphore_mem>>
        %dma_start3A_238 = arith.constant 0 : i32
        %dma_start3A_239 = arith.constant 0 : i32
        %dma_start3A_240 = tpu.memref_slice %arg9[%run_scoped3A_226, %dma_start3A_238, %dma_start3A_239] : memref<2x125x128xf32, #tpu.memory_space<vmem>> -> memref<1x125x128xf32, #tpu.memory_space<vmem>>
        %dma_start3A_241 = tpu.memref_squeeze %dma_start3A_240 : memref<1x125x128xf32, #tpu.memory_space<vmem>> -> memref<125x128xf32, #tpu.memory_space<vmem>>
        %dma_start3A_242 = arith.constant 0 : i32
        %dma_start3A_243 = tpu.memref_slice %arg8[%select_n3A_209, %select_n3A_225, %dma_start3A_242] : memref<2x20x125xi32, #tpu.memory_space<vmem>> -> memref<1x1x125xi32, #tpu.memory_space<vmem>>
        %dma_start3A_244 = tpu.memref_squeeze %dma_start3A_243 : memref<1x1x125xi32, #tpu.memory_space<vmem>> -> memref<125xi32, #tpu.memory_space<vmem>>
        %dma_start3A_245 = arith.constant 0 : i32
        %dma_start3A_246 = arith.constant 0 : i32
        %dma_start3A_247 = tpu.memref_slice %arg10[%dma_start3A_245, %dma_start3A_246] : memref<10112x128xf32, #tpu.memory_space<vmem_shared>> -> memref<10112x128xf32, #tpu.memory_space<vmem_shared>>
        tpu.enqueue_indirect_dma source(%dma_start3A_241 : memref<125x128xf32, #tpu.memory_space<vmem>>) target(%dma_start3A_247 : memref<10112x128xf32, #tpu.memory_space<vmem_shared>>) offsets(%dma_start3A_244 : memref<125xi32, #tpu.memory_space<vmem>>) semaphore(%run_scoped3A_237 : memref<!tpu.dma_semaphore, #tpu.memory_space<semaphore_mem>>) {add = true}
        %dma_wait3A_248 = arith.constant 0 : i32
        %dma_wait3A_249 = arith.constant 0 : i32
        %dma_wait3A_250 = tpu.memref_slice %arg9[%run_scoped3A_226, %dma_wait3A_248, %dma_wait3A_249] : memref<2x125x128xf32, #tpu.memory_space<vmem>> -> memref<1x125x128xf32, #tpu.memory_space<vmem>>
        %dma_wait3A_251 = tpu.memref_squeeze %dma_wait3A_250 : memref<1x125x128xf32, #tpu.memory_space<vmem>> -> memref<125x128xf32, #tpu.memory_space<vmem>>
        %dma_wait3A_252 = arith.constant 0 : i32
        %dma_wait3A_253 = tpu.memref_slice %arg8[%select_n3A_209, %select_n3A_225, %dma_wait3A_252] : memref<2x20x125xi32, #tpu.memory_space<vmem>> -> memref<1x1x125xi32, #tpu.memory_space<vmem>>
        %dma_wait3A_254 = tpu.memref_squeeze %dma_wait3A_253 : memref<1x1x125xi32, #tpu.memory_space<vmem>> -> memref<125xi32, #tpu.memory_space<vmem>>
        %dma_wait3A_255 = arith.constant 0 : i32
        %dma_wait3A_256 = arith.constant 0 : i32
        %dma_wait3A_257 = tpu.memref_slice %arg10[%dma_wait3A_255, %dma_wait3A_256] : memref<10112x128xf32, #tpu.memory_space<vmem_shared>> -> memref<10112x128xf32, #tpu.memory_space<vmem_shared>>
        tpu.wait_indirect_dma semaphore(%run_scoped3A_237 : memref<!tpu.dma_semaphore, #tpu.memory_space<semaphore_mem>>) src(%dma_wait3A_251 : memref<125x128xf32, #tpu.memory_space<vmem>>) dst(%dma_wait3A_257 : memref<10112x128xf32, #tpu.memory_space<vmem_shared>>)
        tpu.yield
      }) : () -> ()
      %lt3A_227 = arith.constant 80 : i32
      %lt3A_228 = arith.cmpi slt, %add3A_36, %lt3A_227 : i32
      %convert_element_type3A_229 = arith.extui %lt3A_228 : i1 to i32
      %cond3A_230 = arith.constant 0 : i32
      %cond3A_231 = arith.cmpi ne, %convert_element_type3A_229, %cond3A_230 : i32
      scf.if %cond3A_231 {
        %jit3A_237 = arith.constant 20 : i32
        %div3A_238 = arith.divsi %add3A_36, %jit3A_237 : i32
        %sign3A_239 = arith.constant 0 : i32
        %sign3A_240 = arith.cmpi sgt, %add3A_36, %sign3A_239 : i32
        %sign3A_241 = arith.extui %sign3A_240 : i1 to i32
        %sign3A_242 = arith.constant 0 : i32
        %sign3A_243 = arith.cmpi slt, %add3A_36, %sign3A_242 : i32
        %sign3A_244 = arith.extui %sign3A_243 : i1 to i32
        %sign3A_245 = arith.subi %sign3A_241, %sign3A_244 : i32
        %sign3A_246 = arith.constant 0 : i32
        %sign3A_247 = arith.cmpi sgt, %jit3A_237, %sign3A_246 : i32
        %sign3A_248 = arith.extui %sign3A_247 : i1 to i32
        %sign3A_249 = arith.constant 0 : i32
        %sign3A_250 = arith.cmpi slt, %jit3A_237, %sign3A_249 : i32
        %sign3A_251 = arith.extui %sign3A_250 : i1 to i32
        %sign3A_252 = arith.subi %sign3A_248, %sign3A_251 : i32
        %ne3A_253 = arith.cmpi ne, %sign3A_245, %sign3A_252 : i32
        %rem3A_254 = arith.remsi %add3A_36, %jit3A_237 : i32
        %ne3A_255 = arith.constant 0 : i32
        %ne3A_256 = arith.cmpi ne, %rem3A_254, %ne3A_255 : i32
        %and3A_257 = arith.andi %ne3A_253, %ne3A_256 : i1
        %sub3A_258 = arith.constant 1 : i32
        %sub3A_259 = arith.subi %div3A_238, %sub3A_258 : i32
        %select_n3A_260 = arith.select %and3A_257, %sub3A_259, %div3A_238 : i32
        %jit3A_261 = arith.constant 2 : i32
        %eq3A_262 = arith.constant 0 : i32
        %eq3A_263 = arith.cmpi eq, %jit3A_261, %eq3A_262 : i32
        %jit3A_264 = arith.constant 1 : i32
        %select_n3A_265 = arith.select %eq3A_263, %jit3A_264, %jit3A_261 : i32
        %rem3A_266 = arith.remsi %select_n3A_260, %select_n3A_265 : i32
        %ne3A_267 = arith.constant 0 : i32
        %ne3A_268 = arith.cmpi ne, %rem3A_266, %ne3A_267 : i32
        %lt3A_269 = arith.constant 0 : i32
        %lt3A_270 = arith.cmpi slt, %rem3A_266, %lt3A_269 : i32
        %lt3A_271 = arith.constant 0 : i32
        %lt3A_272 = arith.cmpi slt, %select_n3A_265, %lt3A_271 : i32
        %ne3A_273 = arith.xori %lt3A_270, %lt3A_272 : i1
        %and3A_274 = arith.andi %ne3A_273, %ne3A_268 : i1
        %add3A_275 = arith.addi %rem3A_266, %select_n3A_265 : i32
        %select_n3A_276 = arith.select %and3A_274, %add3A_275, %rem3A_266 : i32
        %jit3A_277 = arith.constant 20 : i32
        %eq3A_278 = arith.constant 0 : i32
        %eq3A_279 = arith.cmpi eq, %jit3A_277, %eq3A_278 : i32
        %jit3A_280 = arith.constant 1 : i32
        %select_n3A_281 = arith.select %eq3A_279, %jit3A_280, %jit3A_277 : i32
        %rem3A_282 = arith.remsi %add3A_36, %select_n3A_281 : i32
        %ne3A_283 = arith.constant 0 : i32
        %ne3A_284 = arith.cmpi ne, %rem3A_282, %ne3A_283 : i32
        %lt3A_285 = arith.constant 0 : i32
        %lt3A_286 = arith.cmpi slt, %rem3A_282, %lt3A_285 : i32
        %lt3A_287 = arith.constant 0 : i32
        %lt3A_288 = arith.cmpi slt, %select_n3A_281, %lt3A_287 : i32
        %ne3A_289 = arith.xori %lt3A_286, %lt3A_288 : i1
        %and3A_290 = arith.andi %ne3A_289, %ne3A_284 : i1
        %add3A_291 = arith.addi %rem3A_282, %select_n3A_281 : i32
        %select_n3A_292 = arith.select %and3A_290, %add3A_291, %rem3A_282 : i32
        %dma_start3A_293 = arith.constant 0 : i32
        %dma_start3A_294 = arith.constant 0 : i32
        %dma_start3A_295 = arith.constant 0 : i32
        %dma_start3A_296 = tpu.memref_slice %arg9[%dma_start3A_293, %dma_start3A_294, %dma_start3A_295] : memref<2x125x128xf32, #tpu.memory_space<vmem>> -> memref<1x125x128xf32, #tpu.memory_space<vmem>>
        %dma_start3A_297 = tpu.memref_squeeze %dma_start3A_296 : memref<1x125x128xf32, #tpu.memory_space<vmem>> -> memref<125x128xf32, #tpu.memory_space<vmem>>
        %dma_start3A_298 = arith.constant 0 : i32
        %dma_start3A_299 = tpu.memref_slice %arg7[%select_n3A_276, %select_n3A_292, %dma_start3A_298] : memref<2x20x125xi32, #tpu.memory_space<vmem>> -> memref<1x1x125xi32, #tpu.memory_space<vmem>>
        %dma_start3A_300 = tpu.memref_squeeze %dma_start3A_299 : memref<1x1x125xi32, #tpu.memory_space<vmem>> -> memref<125xi32, #tpu.memory_space<vmem>>
        %dma_start3A_301 = arith.constant 0 : i32
        %dma_start3A_302 = arith.constant 0 : i32
        %dma_start3A_303 = tpu.memref_slice %arg4[%dma_start3A_301, %dma_start3A_302] : memref<10000x128xf32, #tpu.memory_space<hbm>> -> memref<10000x128xf32, #tpu.memory_space<hbm>>
        tpu.enqueue_indirect_dma source(%dma_start3A_303 : memref<10000x128xf32, #tpu.memory_space<hbm>>) target(%dma_start3A_297 : memref<125x128xf32, #tpu.memory_space<vmem>>) offsets(%dma_start3A_300 : memref<125xi32, #tpu.memory_space<vmem>>) semaphore(%arg11 : memref<!tpu.dma_semaphore, #tpu.memory_space<semaphore_mem>>)
      } else {
      }
      %lt3A_232 = arith.constant 80 : i32
      %lt3A_233 = arith.cmpi slt, %add3A_34, %lt3A_232 : i32
      %convert_element_type3A_234 = arith.extui %lt3A_233 : i1 to i32
      %cond3A_235 = arith.constant 0 : i32
      %cond3A_236 = arith.cmpi ne, %convert_element_type3A_234, %cond3A_235 : i32
      scf.if %cond3A_236 {
        %jit3A_237 = arith.constant 20 : i32
        %div3A_238 = arith.divsi %add3A_34, %jit3A_237 : i32
        %sign3A_239 = arith.constant 0 : i32
        %sign3A_240 = arith.cmpi sgt, %add3A_34, %sign3A_239 : i32
        %sign3A_241 = arith.extui %sign3A_240 : i1 to i32
        %sign3A_242 = arith.constant 0 : i32
        %sign3A_243 = arith.cmpi slt, %add3A_34, %sign3A_242 : i32
        %sign3A_244 = arith.extui %sign3A_243 : i1 to i32
        %sign3A_245 = arith.subi %sign3A_241, %sign3A_244 : i32
        %sign3A_246 = arith.constant 0 : i32
        %sign3A_247 = arith.cmpi sgt, %jit3A_237, %sign3A_246 : i32
        %sign3A_248 = arith.extui %sign3A_247 : i1 to i32
        %sign3A_249 = arith.constant 0 : i32
        %sign3A_250 = arith.cmpi slt, %jit3A_237, %sign3A_249 : i32
        %sign3A_251 = arith.extui %sign3A_250 : i1 to i32
        %sign3A_252 = arith.subi %sign3A_248, %sign3A_251 : i32
        %ne3A_253 = arith.cmpi ne, %sign3A_245, %sign3A_252 : i32
        %rem3A_254 = arith.remsi %add3A_34, %jit3A_237 : i32
        %ne3A_255 = arith.constant 0 : i32
        %ne3A_256 = arith.cmpi ne, %rem3A_254, %ne3A_255 : i32
        %and3A_257 = arith.andi %ne3A_253, %ne3A_256 : i1
        %sub3A_258 = arith.constant 1 : i32
        %sub3A_259 = arith.subi %div3A_238, %sub3A_258 : i32
        %select_n3A_260 = arith.select %and3A_257, %sub3A_259, %div3A_238 : i32
        %jit3A_261 = arith.constant 2 : i32
        %eq3A_262 = arith.constant 0 : i32
        %eq3A_263 = arith.cmpi eq, %jit3A_261, %eq3A_262 : i32
        %jit3A_264 = arith.constant 1 : i32
        %select_n3A_265 = arith.select %eq3A_263, %jit3A_264, %jit3A_261 : i32
        %rem3A_266 = arith.remsi %select_n3A_260, %select_n3A_265 : i32
        %ne3A_267 = arith.constant 0 : i32
        %ne3A_268 = arith.cmpi ne, %rem3A_266, %ne3A_267 : i32
        %lt3A_269 = arith.constant 0 : i32
        %lt3A_270 = arith.cmpi slt, %rem3A_266, %lt3A_269 : i32
        %lt3A_271 = arith.constant 0 : i32
        %lt3A_272 = arith.cmpi slt, %select_n3A_265, %lt3A_271 : i32
        %ne3A_273 = arith.xori %lt3A_270, %lt3A_272 : i1
        %and3A_274 = arith.andi %ne3A_273, %ne3A_268 : i1
        %add3A_275 = arith.addi %rem3A_266, %select_n3A_265 : i32
        %select_n3A_276 = arith.select %and3A_274, %add3A_275, %rem3A_266 : i32
        %jit3A_277 = arith.constant 20 : i32
        %eq3A_278 = arith.constant 0 : i32
        %eq3A_279 = arith.cmpi eq, %jit3A_277, %eq3A_278 : i32
        %jit3A_280 = arith.constant 1 : i32
        %select_n3A_281 = arith.select %eq3A_279, %jit3A_280, %jit3A_277 : i32
        %rem3A_282 = arith.remsi %add3A_34, %select_n3A_281 : i32
        %ne3A_283 = arith.constant 0 : i32
        %ne3A_284 = arith.cmpi ne, %rem3A_282, %ne3A_283 : i32
        %lt3A_285 = arith.constant 0 : i32
        %lt3A_286 = arith.cmpi slt, %rem3A_282, %lt3A_285 : i32
        %lt3A_287 = arith.constant 0 : i32
        %lt3A_288 = arith.cmpi slt, %select_n3A_281, %lt3A_287 : i32
        %ne3A_289 = arith.xori %lt3A_286, %lt3A_288 : i1
        %and3A_290 = arith.andi %ne3A_289, %ne3A_284 : i1
        %add3A_291 = arith.addi %rem3A_282, %select_n3A_281 : i32
        %select_n3A_292 = arith.select %and3A_290, %add3A_291, %rem3A_282 : i32
        %dma_wait3A_293 = arith.constant 1 : i32
        %dma_wait3A_294 = arith.constant 0 : i32
        %dma_wait3A_295 = arith.constant 0 : i32
        %dma_wait3A_296 = tpu.memref_slice %arg9[%dma_wait3A_293, %dma_wait3A_294, %dma_wait3A_295] : memref<2x125x128xf32, #tpu.memory_space<vmem>> -> memref<1x125x128xf32, #tpu.memory_space<vmem>>
        %dma_wait3A_297 = tpu.memref_squeeze %dma_wait3A_296 : memref<1x125x128xf32, #tpu.memory_space<vmem>> -> memref<125x128xf32, #tpu.memory_space<vmem>>
        %dma_wait3A_298 = arith.constant 0 : i32
        %dma_wait3A_299 = tpu.memref_slice %arg7[%select_n3A_276, %select_n3A_292, %dma_wait3A_298] : memref<2x20x125xi32, #tpu.memory_space<vmem>> -> memref<1x1x125xi32, #tpu.memory_space<vmem>>
        %dma_wait3A_300 = tpu.memref_squeeze %dma_wait3A_299 : memref<1x1x125xi32, #tpu.memory_space<vmem>> -> memref<125xi32, #tpu.memory_space<vmem>>
        %dma_wait3A_301 = arith.constant 0 : i32
        %dma_wait3A_302 = arith.constant 0 : i32
        %dma_wait3A_303 = tpu.memref_slice %arg4[%dma_wait3A_301, %dma_wait3A_302] : memref<10000x128xf32, #tpu.memory_space<hbm>> -> memref<10000x128xf32, #tpu.memory_space<hbm>>
        tpu.wait_indirect_dma semaphore(%arg12 : memref<!tpu.dma_semaphore, #tpu.memory_space<semaphore_mem>>) src(%dma_wait3A_303 : memref<10000x128xf32, #tpu.memory_space<hbm>>) dst(%dma_wait3A_297 : memref<125x128xf32, #tpu.memory_space<vmem>>)
        %jit3A_304 = arith.constant 20 : i32
        %div3A_305 = arith.divsi %add3A_34, %jit3A_304 : i32
        %sign3A_306 = arith.constant 0 : i32
        %sign3A_307 = arith.cmpi sgt, %add3A_34, %sign3A_306 : i32
        %sign3A_308 = arith.extui %sign3A_307 : i1 to i32
        %sign3A_309 = arith.constant 0 : i32
        %sign3A_310 = arith.cmpi slt, %add3A_34, %sign3A_309 : i32
        %sign3A_311 = arith.extui %sign3A_310 : i1 to i32
        %sign3A_312 = arith.subi %sign3A_308, %sign3A_311 : i32
        %sign3A_313 = arith.constant 0 : i32
        %sign3A_314 = arith.cmpi sgt, %jit3A_304, %sign3A_313 : i32
        %sign3A_315 = arith.extui %sign3A_314 : i1 to i32
        %sign3A_316 = arith.constant 0 : i32
        %sign3A_317 = arith.cmpi slt, %jit3A_304, %sign3A_316 : i32
        %sign3A_318 = arith.extui %sign3A_317 : i1 to i32
        %sign3A_319 = arith.subi %sign3A_315, %sign3A_318 : i32
        %ne3A_320 = arith.cmpi ne, %sign3A_312, %sign3A_319 : i32
        %rem3A_321 = arith.remsi %add3A_34, %jit3A_304 : i32
        %ne3A_322 = arith.constant 0 : i32
        %ne3A_323 = arith.cmpi ne, %rem3A_321, %ne3A_322 : i32
        %and3A_324 = arith.andi %ne3A_320, %ne3A_323 : i1
        %sub3A_325 = arith.constant 1 : i32
        %sub3A_326 = arith.subi %div3A_305, %sub3A_325 : i32
        %select_n3A_327 = arith.select %and3A_324, %sub3A_326, %div3A_305 : i32
        %jit3A_328 = arith.constant 2 : i32
        %eq3A_329 = arith.constant 0 : i32
        %eq3A_330 = arith.cmpi eq, %jit3A_328, %eq3A_329 : i32
        %jit3A_331 = arith.constant 1 : i32
        %select_n3A_332 = arith.select %eq3A_330, %jit3A_331, %jit3A_328 : i32
        %rem3A_333 = arith.remsi %select_n3A_327, %select_n3A_332 : i32
        %ne3A_334 = arith.constant 0 : i32
        %ne3A_335 = arith.cmpi ne, %rem3A_333, %ne3A_334 : i32
        %lt3A_336 = arith.constant 0 : i32
        %lt3A_337 = arith.cmpi slt, %rem3A_333, %lt3A_336 : i32
        %lt3A_338 = arith.constant 0 : i32
        %lt3A_339 = arith.cmpi slt, %select_n3A_332, %lt3A_338 : i32
        %ne3A_340 = arith.xori %lt3A_337, %lt3A_339 : i1
        %and3A_341 = arith.andi %ne3A_340, %ne3A_335 : i1
        %add3A_342 = arith.addi %rem3A_333, %select_n3A_332 : i32
        %select_n3A_343 = arith.select %and3A_341, %add3A_342, %rem3A_333 : i32
        %jit3A_344 = arith.constant 20 : i32
        %eq3A_345 = arith.constant 0 : i32
        %eq3A_346 = arith.cmpi eq, %jit3A_344, %eq3A_345 : i32
        %jit3A_347 = arith.constant 1 : i32
        %select_n3A_348 = arith.select %eq3A_346, %jit3A_347, %jit3A_344 : i32
        %rem3A_349 = arith.remsi %add3A_34, %select_n3A_348 : i32
        %ne3A_350 = arith.constant 0 : i32
        %ne3A_351 = arith.cmpi ne, %rem3A_349, %ne3A_350 : i32
        %lt3A_352 = arith.constant 0 : i32
        %lt3A_353 = arith.cmpi slt, %rem3A_349, %lt3A_352 : i32
        %lt3A_354 = arith.constant 0 : i32
        %lt3A_355 = arith.cmpi slt, %select_n3A_348, %lt3A_354 : i32
        %ne3A_356 = arith.xori %lt3A_353, %lt3A_355 : i1
        %and3A_357 = arith.andi %ne3A_356, %ne3A_351 : i1
        %add3A_358 = arith.addi %rem3A_349, %select_n3A_348 : i32
        %select_n3A_359 = arith.select %and3A_357, %add3A_358, %rem3A_349 : i32
        %run_scoped3A_360 = arith.constant 1 : i32
        "tpu.region"() ({
          %run_scoped3A_361 = tpu.sem_alloc : memref<!tpu.dma_semaphore, #tpu.memory_space<semaphore_mem>>
          %dma_start3A_362 = arith.constant 0 : i32
          %dma_start3A_363 = arith.constant 0 : i32
          %dma_start3A_364 = tpu.memref_slice %arg9[%run_scoped3A_360, %dma_start3A_362, %dma_start3A_363] : memref<2x125x128xf32, #tpu.memory_space<vmem>> -> memref<1x125x128xf32, #tpu.memory_space<vmem>>
          %dma_start3A_365 = tpu.memref_squeeze %dma_start3A_364 : memref<1x125x128xf32, #tpu.memory_space<vmem>> -> memref<125x128xf32, #tpu.memory_space<vmem>>
          %dma_start3A_366 = arith.constant 0 : i32
          %dma_start3A_367 = tpu.memref_slice %arg8[%select_n3A_343, %select_n3A_359, %dma_start3A_366] : memref<2x20x125xi32, #tpu.memory_space<vmem>> -> memref<1x1x125xi32, #tpu.memory_space<vmem>>
          %dma_start3A_368 = tpu.memref_squeeze %dma_start3A_367 : memref<1x1x125xi32, #tpu.memory_space<vmem>> -> memref<125xi32, #tpu.memory_space<vmem>>
          %dma_start3A_369 = arith.constant 0 : i32
          %dma_start3A_370 = arith.constant 0 : i32
          %dma_start3A_371 = tpu.memref_slice %arg10[%dma_start3A_369, %dma_start3A_370] : memref<10112x128xf32, #tpu.memory_space<vmem_shared>> -> memref<10112x128xf32, #tpu.memory_space<vmem_shared>>
          tpu.enqueue_indirect_dma source(%dma_start3A_365 : memref<125x128xf32, #tpu.memory_space<vmem>>) target(%dma_start3A_371 : memref<10112x128xf32, #tpu.memory_space<vmem_shared>>) offsets(%dma_start3A_368 : memref<125xi32, #tpu.memory_space<vmem>>) semaphore(%run_scoped3A_361 : memref<!tpu.dma_semaphore, #tpu.memory_space<semaphore_mem>>) {add = true}
          %dma_wait3A_372 = arith.constant 0 : i32
          %dma_wait3A_373 = arith.constant 0 : i32
          %dma_wait3A_374 = tpu.memref_slice %arg9[%run_scoped3A_360, %dma_wait3A_372, %dma_wait3A_373] : memref<2x125x128xf32, #tpu.memory_space<vmem>> -> memref<1x125x128xf32, #tpu.memory_space<vmem>>
          %dma_wait3A_375 = tpu.memref_squeeze %dma_wait3A_374 : memref<1x125x128xf32, #tpu.memory_space<vmem>> -> memref<125x128xf32, #tpu.memory_space<vmem>>
          %dma_wait3A_376 = arith.constant 0 : i32
          %dma_wait3A_377 = tpu.memref_slice %arg8[%select_n3A_343, %select_n3A_359, %dma_wait3A_376] : memref<2x20x125xi32, #tpu.memory_space<vmem>> -> memref<1x1x125xi32, #tpu.memory_space<vmem>>
          %dma_wait3A_378 = tpu.memref_squeeze %dma_wait3A_377 : memref<1x1x125xi32, #tpu.memory_space<vmem>> -> memref<125xi32, #tpu.memory_space<vmem>>
          %dma_wait3A_379 = arith.constant 0 : i32
          %dma_wait3A_380 = arith.constant 0 : i32
          %dma_wait3A_381 = tpu.memref_slice %arg10[%dma_wait3A_379, %dma_wait3A_380] : memref<10112x128xf32, #tpu.memory_space<vmem_shared>> -> memref<10112x128xf32, #tpu.memory_space<vmem_shared>>
          tpu.wait_indirect_dma semaphore(%run_scoped3A_361 : memref<!tpu.dma_semaphore, #tpu.memory_space<semaphore_mem>>) src(%dma_wait3A_375 : memref<125x128xf32, #tpu.memory_space<vmem>>) dst(%dma_wait3A_381 : memref<10112x128xf32, #tpu.memory_space<vmem_shared>>)
          tpu.yield
        }) : () -> ()
      } else {
      }
    }
    %scan3A_24 = arith.constant 40 : i32
    %barrier3A_25 = arith.constant 0 : index
    tpu.barrier barrier_id(%barrier3A_25)
    %mul3A_26 = arith.constant 632 : i32
    %mul3A_27 = arith.muli %arg1, %mul3A_26 : i32
    %mul3A_28 = arith.constant 632 : i32
    %mul3A_29 = arith.muli %arg1, %mul3A_28 : i32
    "tpu.region"() ({
      %run_scoped3A_30 = tpu.sem_alloc : memref<!tpu.dma_semaphore, #tpu.memory_space<semaphore_mem>>
      %dma_start3A_31 = arith.constant 0 : i32
      %dma_start3A_32 = tpu.memref_slice %arg6[%arg0, %mul3A_29, %dma_start3A_31] : memref<2x10112x128xf32, #tpu.memory_space<hbm>> -> memref<1x632x128xf32, #tpu.memory_space<hbm>>
      %dma_start3A_33 = tpu.memref_squeeze %dma_start3A_32 : memref<1x632x128xf32, #tpu.memory_space<hbm>> -> memref<632x128xf32, #tpu.memory_space<hbm>>
      %dma_start3A_34 = arith.constant 0 : i32
      %dma_start3A_35 = tpu.memref_slice %arg10[%mul3A_27, %dma_start3A_34] : memref<10112x128xf32, #tpu.memory_space<vmem_shared>> -> memref<632x128xf32, #tpu.memory_space<vmem_shared>>
      tpu.enqueue_dma source(%dma_start3A_35 : memref<632x128xf32, #tpu.memory_space<vmem_shared>>) target(%dma_start3A_33 : memref<632x128xf32, #tpu.memory_space<hbm>>) target_semaphore(%run_scoped3A_30 : memref<!tpu.dma_semaphore, #tpu.memory_space<semaphore_mem>>)
      %dma_wait3A = arith.constant 0 : i32
      %dma_wait3A_36 = tpu.memref_slice %arg6[%arg0, %mul3A_29, %dma_wait3A] : memref<2x10112x128xf32, #tpu.memory_space<hbm>> -> memref<1x632x128xf32, #tpu.memory_space<hbm>>
      %dma_wait3A_37 = tpu.memref_squeeze %dma_wait3A_36 : memref<1x632x128xf32, #tpu.memory_space<hbm>> -> memref<632x128xf32, #tpu.memory_space<hbm>>
      %dma_wait3A_38 = arith.constant 0 : i32
      %dma_wait3A_39 = tpu.memref_slice %arg10[%mul3A_27, %dma_wait3A_38] : memref<10112x128xf32, #tpu.memory_space<vmem_shared>> -> memref<632x128xf32, #tpu.memory_space<vmem_shared>>
      tpu.wait_dma2 semaphore(%run_scoped3A_30 : memref<!tpu.dma_semaphore, #tpu.memory_space<semaphore_mem>>) src(%dma_wait3A_39 : memref<632x128xf32, #tpu.memory_space<vmem_shared>>) dst(%dma_wait3A_37 : memref<632x128xf32, #tpu.memory_space<hbm>>)
      tpu.yield
    }) : () -> ()
    return
  }
}

module attributes {stable_mosaic.version = 14 : i64} {
  func.func @_tc0_body(%arg0: memref<10000x128xf32, #tpu.memory_space<vmem>>, %arg1: memref<128x128xf32, #tpu.memory_space<vmem>>, %arg2: memref<10000x128xf32, #tpu.memory_space<vmem>>) attributes {dimension_semantics = [], scalar_prefetch = 0 : i64, scratch_operands = 0 : i64, tpu.core_type = #tpu.core_type<tc>} {
    %get3A = arith.constant 0 : index
    %get3A_0 = arith.constant 0 : index
    %get3A_1 = vector.load %arg0[%get3A, %get3A_0] : memref<10000x128xf32, #tpu.memory_space<vmem>>, vector<10000x128xf32>
    %get3A_2 = arith.constant 0 : index
    %get3A_3 = arith.constant 0 : index
    %get3A_4 = vector.load %arg1[%get3A_2, %get3A_3] : memref<128x128xf32, #tpu.memory_space<vmem>>, vector<128x128xf32>
    %dot_general3A = arith.constant dense<0.000000e+00> : vector<10000x128xf32>
    %dot_general3A_5 = tpu.matmul %get3A_1, %get3A_4, %dot_general3A {dimension_numbers = #tpu.dot_dimension_numbers<[1], [0], [0], [1], [0, 0, 1, 1], [], []>, transpose_lhs_hint = false} : vector<10000x128xf32>, vector<128x128xf32>, vector<10000x128xf32> -> vector<10000x128xf32>
    %swap3A = arith.constant 0 : index
    %swap3A_6 = arith.constant 0 : index
    %swap3A_7 = vector.load %arg2[%swap3A, %swap3A_6] : memref<10000x128xf32, #tpu.memory_space<vmem>>, vector<10000x128xf32>
    tpu.vector_store %arg2[%swap3A, %swap3A_6], %dot_general3A_5 {strides = array<i32>} : memref<10000x128xf32, #tpu.memory_space<vmem>>, vector<10000x128xf32>,
    return
  }
}

module attributes {stable_mosaic.version = 14 : i64} {
  func.func @_tc1_body(%arg0: memref<10000x128xf32, #tpu.memory_space<vmem>>, %arg1: memref<10000x16xf32, #tpu.memory_space<vmem>>, %arg2: memref<10000x16xf32, #tpu.memory_space<vmem>>, %arg3: memref<10000x128xf32, #tpu.memory_space<vmem>>, %arg4: memref<10000x128xf32, #tpu.memory_space<vmem>>) attributes {dimension_semantics = [], scalar_prefetch = 0 : i64, scratch_operands = 0 : i64, tpu.core_type = #tpu.core_type<tc>} {
    %get3A = arith.constant 0 : index
    %get3A_0 = arith.constant 0 : index
    %get3A_1 = vector.load %arg1[%get3A, %get3A_0] : memref<10000x16xf32, #tpu.memory_space<vmem>>, vector<10000x1xf32>
    %add3A = arith.constant 1.000000e+00 : f32
    %add3A_2 = vector.broadcast %add3A : f32 to vector<10000x1xf32>
    %add3A_3 = arith.addf %add3A_2, %get3A_1 : vector<10000x1xf32>
    %get3A_4 = arith.constant 0 : index
    %get3A_5 = arith.constant 0 : index
    %get3A_6 = vector.load %arg2[%get3A_4, %get3A_5] : memref<10000x16xf32, #tpu.memory_space<vmem>>, vector<10000x1xf32>
    %add3A_7 = arith.addf %add3A_3, %get3A_6 : vector<10000x1xf32>
    %rsqrt3A = math.rsqrt %add3A_7 : vector<10000x1xf32>
    %broadcast_in_dim3A = vector.shape_cast %rsqrt3A : vector<10000x1xf32> to vector<10000x1xf32>
    %broadcast_in_dim3A_8 = vector.broadcast %broadcast_in_dim3A : vector<10000x1xf32> to vector<10000x128xf32>
    %get3A_9 = arith.constant 0 : index
    %get3A_10 = arith.constant 0 : index
    %get3A_11 = vector.load %arg0[%get3A_9, %get3A_10] : memref<10000x128xf32, #tpu.memory_space<vmem>>, vector<10000x128xf32>
    %mul3A = arith.mulf %broadcast_in_dim3A_8, %get3A_11 : vector<10000x128xf32>
    %swap3A = arith.constant 0 : index
    %swap3A_12 = arith.constant 0 : index
    %swap3A_13 = vector.load %arg3[%swap3A, %swap3A_12] : memref<10000x128xf32, #tpu.memory_space<vmem>>, vector<10000x128xf32>
    tpu.vector_store %arg3[%swap3A, %swap3A_12], %mul3A {strides = array<i32>} : memref<10000x128xf32, #tpu.memory_space<vmem>>, vector<10000x128xf32>,
    %swap3A_14 = arith.constant 0 : index
    %swap3A_15 = arith.constant 0 : index
    %swap3A_16 = vector.load %arg4[%swap3A_14, %swap3A_15] : memref<10000x128xf32, #tpu.memory_space<vmem>>, vector<10000x128xf32>
    tpu.vector_store %arg4[%swap3A_14, %swap3A_15], %broadcast_in_dim3A_8 {strides = array<i32>} : memref<10000x128xf32, #tpu.memory_space<vmem>>, vector<10000x128xf32>,
    return
  }
}

module attributes {stable_mosaic.version = 14 : i64} {
  func.func @_tc2_body(%arg0: memref<10000x128xf32, #tpu.memory_space<vmem>>, %arg1: memref<10000x128xf32, #tpu.memory_space<vmem>>, %arg2: memref<10000x128xf32, #tpu.memory_space<vmem>>, %arg3: memref<10000x128xf32, #tpu.memory_space<vmem>>, %arg4: memref<1x128xf32, #tpu.memory_space<vmem>>, %arg5: memref<128x128xf32, #tpu.memory_space<vmem>>, %arg6: memref<10000x128xf32, #tpu.memory_space<vmem>>, %arg7: memref<10000x128xf32, #tpu.memory_space<vmem>>) attributes {dimension_semantics = [], scalar_prefetch = 0 : i64, scratch_operands = 0 : i64, tpu.core_type = #tpu.core_type<tc>} {
    %get3A = arith.constant 0 : index
    %get3A_0 = arith.constant 0 : index
    %get3A_1 = vector.load %arg2[%get3A, %get3A_0] : memref<10000x128xf32, #tpu.memory_space<vmem>>, vector<10000x128xf32>
    %get3A_2 = arith.constant 0 : index
    %get3A_3 = arith.constant 0 : index
    %get3A_4 = vector.load %arg0[%get3A_2, %get3A_3] : memref<10000x128xf32, #tpu.memory_space<vmem>>, vector<10000x128xf32>
    %get3A_5 = arith.constant 0 : index
    %get3A_6 = arith.constant 0 : index
    %get3A_7 = vector.load %arg1[%get3A_5, %get3A_6] : memref<10000x128xf32, #tpu.memory_space<vmem>>, vector<10000x128xf32>
    %add3A = arith.addf %get3A_4, %get3A_7 : vector<10000x128xf32>
    %mul3A = arith.mulf %get3A_1, %add3A : vector<10000x128xf32>
    %mul3A_8 = arith.mulf %get3A_1, %get3A_1 : vector<10000x128xf32>
    %get3A_9 = arith.constant 0 : index
    %get3A_10 = arith.constant 0 : index
    %get3A_11 = vector.load %arg3[%get3A_9, %get3A_10] : memref<10000x128xf32, #tpu.memory_space<vmem>>, vector<10000x128xf32>
    %mul3A_12 = arith.mulf %mul3A_8, %get3A_11 : vector<10000x128xf32>
    %add3A_13 = arith.addf %mul3A, %mul3A_12 : vector<10000x128xf32>
    %get3A_14 = arith.constant 0 : index
    %get3A_15 = arith.constant 0 : index
    %get3A_16 = vector.load %arg4[%get3A_14, %get3A_15] : memref<1x128xf32, #tpu.memory_space<vmem>>, vector<1x128xf32>
    %add3A_17 = vector.broadcast %get3A_16 : vector<1x128xf32> to vector<10000x128xf32>
    %add3A_18 = arith.addf %add3A_13, %add3A_17 : vector<10000x128xf32>
    %max3A = arith.constant 0.000000e+00 : f32
    %max3A_19 = vector.broadcast %max3A : f32 to vector<10000x128xf32>
    %max3A_20 = arith.maximumf %add3A_18, %max3A_19 : vector<10000x128xf32>
    %get3A_21 = arith.constant 0 : index
    %get3A_22 = arith.constant 0 : index
    %get3A_23 = vector.load %arg5[%get3A_21, %get3A_22] : memref<128x128xf32, #tpu.memory_space<vmem>>, vector<128x128xf32>
    %dot_general3A = arith.constant dense<0.000000e+00> : vector<10000x128xf32>
    %dot_general3A_24 = tpu.matmul %max3A_20, %get3A_23, %dot_general3A {dimension_numbers = #tpu.dot_dimension_numbers<[1], [0], [0], [1], [0, 0, 1, 1], [], []>, transpose_lhs_hint = false} : vector<10000x128xf32>, vector<128x128xf32>, vector<10000x128xf32> -> vector<10000x128xf32>
    %swap3A = arith.constant 0 : index
    %swap3A_25 = arith.constant 0 : index
    %swap3A_26 = vector.load %arg6[%swap3A, %swap3A_25] : memref<10000x128xf32, #tpu.memory_space<vmem>>, vector<10000x128xf32>
    tpu.vector_store %arg6[%swap3A, %swap3A_25], %dot_general3A_24 {strides = array<i32>} : memref<10000x128xf32, #tpu.memory_space<vmem>>, vector<10000x128xf32>,
    %mul3A_27 = arith.mulf %get3A_1, %dot_general3A_24 : vector<10000x128xf32>
    %swap3A_28 = arith.constant 0 : index
    %swap3A_29 = arith.constant 0 : index
    %swap3A_30 = vector.load %arg7[%swap3A_28, %swap3A_29] : memref<10000x128xf32, #tpu.memory_space<vmem>>, vector<10000x128xf32>
    tpu.vector_store %arg7[%swap3A_28, %swap3A_29], %mul3A_27 {strides = array<i32>} : memref<10000x128xf32, #tpu.memory_space<vmem>>, vector<10000x128xf32>,
    return
  }
}

module attributes {stable_mosaic.version = 14 : i64} {
  func.func @_tc3_body(%arg0: memref<10000x128xf32, #tpu.memory_space<vmem>>, %arg1: memref<10000x128xf32, #tpu.memory_space<vmem>>, %arg2: memref<10000x128xf32, #tpu.memory_space<vmem>>, %arg3: memref<10000x128xf32, #tpu.memory_space<vmem>>, %arg4: memref<1x128xf32, #tpu.memory_space<vmem>>, %arg5: memref<1x10000xi32, #tpu.memory_space<vmem>>, %arg6: memref<128x128xf32, #tpu.memory_space<vmem>>, %arg7: memref<1x128xf32, #tpu.memory_space<vmem>>, %arg8: memref<64x128xf32, #tpu.memory_space<vmem>>) attributes {dimension_semantics = [], scalar_prefetch = 0 : i64, scratch_operands = 0 : i64, tpu.core_type = #tpu.core_type<tc>} {
    %get3A = arith.constant 0 : index
    %get3A_0 = arith.constant 0 : index
    %get3A_1 = vector.load %arg2[%get3A, %get3A_0] : memref<10000x128xf32, #tpu.memory_space<vmem>>, vector<10000x128xf32>
    %get3A_2 = arith.constant 0 : index
    %get3A_3 = arith.constant 0 : index
    %get3A_4 = vector.load %arg0[%get3A_2, %get3A_3] : memref<10000x128xf32, #tpu.memory_space<vmem>>, vector<10000x128xf32>
    %get3A_5 = arith.constant 0 : index
    %get3A_6 = arith.constant 0 : index
    %get3A_7 = vector.load %arg1[%get3A_5, %get3A_6] : memref<10000x128xf32, #tpu.memory_space<vmem>>, vector<10000x128xf32>
    %add3A = arith.addf %get3A_4, %get3A_7 : vector<10000x128xf32>
    %mul3A = arith.mulf %get3A_1, %add3A : vector<10000x128xf32>
    %mul3A_8 = arith.mulf %get3A_1, %get3A_1 : vector<10000x128xf32>
    %get3A_9 = arith.constant 0 : index
    %get3A_10 = arith.constant 0 : index
    %get3A_11 = vector.load %arg3[%get3A_9, %get3A_10] : memref<10000x128xf32, #tpu.memory_space<vmem>>, vector<10000x128xf32>
    %mul3A_12 = arith.mulf %mul3A_8, %get3A_11 : vector<10000x128xf32>
    %add3A_13 = arith.addf %mul3A, %mul3A_12 : vector<10000x128xf32>
    %get3A_14 = arith.constant 0 : index
    %get3A_15 = arith.constant 0 : index
    %get3A_16 = vector.load %arg4[%get3A_14, %get3A_15] : memref<1x128xf32, #tpu.memory_space<vmem>>, vector<1x128xf32>
    %add3A_17 = vector.broadcast %get3A_16 : vector<1x128xf32> to vector<10000x128xf32>
    %add3A_18 = arith.addf %add3A_13, %add3A_17 : vector<10000x128xf32>
    %max3A = arith.constant 0.000000e+00 : f32
    %max3A_19 = vector.broadcast %max3A : f32 to vector<10000x128xf32>
    %max3A_20 = arith.maximumf %add3A_18, %max3A_19 : vector<10000x128xf32>
    %iota3A = tpu.iota {dimensions = array<i32: 0>} : vector<64x10000xi32>
    %get3A_21 = arith.constant 0 : index
    %get3A_22 = arith.constant 0 : index
    %get3A_23 = vector.load %arg5[%get3A_21, %get3A_22] : memref<1x10000xi32, #tpu.memory_space<vmem>>, vector<1x10000xi32>
    %eq3A = vector.broadcast %get3A_23 : vector<1x10000xi32> to vector<64x10000xi32>
    %eq3A_24 = arith.cmpi eq, %iota3A, %eq3A : vector<64x10000xi32>
    %convert_element_type3A = arith.extui %eq3A_24 : vector<64x10000xi1> to vector<64x10000xi32>
    %convert_element_type3A_25 = arith.sitofp %convert_element_type3A : vector<64x10000xi32> to vector<64x10000xf32>
    %dot_general3A = arith.constant dense<0.000000e+00> : vector<64x128xf32>
    %dot_general3A_26 = tpu.matmul %convert_element_type3A_25, %max3A_20, %dot_general3A {dimension_numbers = #tpu.dot_dimension_numbers<[1], [0], [0], [1], [0, 0, 1, 1], [], []>, transpose_lhs_hint = false} : vector<64x10000xf32>, vector<10000x128xf32>, vector<64x128xf32> -> vector<64x128xf32>
    %reduce_sum3A = arith.constant dense<0.000000e+00> : vector<64xf32>
    %reduce_sum3A_27 = vector.multi_reduction <add>, %convert_element_type3A_25, %reduce_sum3A [1] : vector<64x10000xf32> to vector<64xf32>
    %broadcast_in_dim3A = vector.shape_cast %reduce_sum3A_27 : vector<64xf32> to vector<64x1xf32>
    %max3A_28 = arith.constant 1.000000e+00 : f32
    %max3A_29 = vector.broadcast %max3A_28 : f32 to vector<64x1xf32>
    %max3A_30 = arith.maximumf %broadcast_in_dim3A, %max3A_29 : vector<64x1xf32>
    %div3A = vector.broadcast %max3A_30 : vector<64x1xf32> to vector<64x128xf32>
    %div3A_31 = arith.divf %dot_general3A_26, %div3A : vector<64x128xf32>
    %get3A_32 = arith.constant 0 : index
    %get3A_33 = arith.constant 0 : index
    %get3A_34 = vector.load %arg6[%get3A_32, %get3A_33] : memref<128x128xf32, #tpu.memory_space<vmem>>, vector<128x128xf32>
    %dot_general3A_35 = arith.constant dense<0.000000e+00> : vector<64x128xf32>
    %dot_general3A_36 = tpu.matmul %div3A_31, %get3A_34, %dot_general3A_35 {dimension_numbers = #tpu.dot_dimension_numbers<[1], [0], [0], [1], [0, 0, 1, 1], [], []>, transpose_lhs_hint = false} : vector<64x128xf32>, vector<128x128xf32>, vector<64x128xf32> -> vector<64x128xf32>
    %get3A_37 = arith.constant 0 : index
    %get3A_38 = arith.constant 0 : index
    %get3A_39 = vector.load %arg7[%get3A_37, %get3A_38] : memref<1x128xf32, #tpu.memory_space<vmem>>, vector<1x128xf32>
    %add3A_40 = vector.broadcast %get3A_39 : vector<1x128xf32> to vector<64x128xf32>
    %add3A_41 = arith.addf %dot_general3A_36, %add3A_40 : vector<64x128xf32>
    %swap3A = arith.constant 0 : index
    %swap3A_42 = arith.constant 0 : index
    %swap3A_43 = vector.load %arg8[%swap3A, %swap3A_42] : memref<64x128xf32, #tpu.memory_space<vmem>>, vector<64x128xf32>
    tpu.vector_store %arg8[%swap3A, %swap3A_42], %add3A_41 {strides = array<i32>} : memref<64x128xf32, #tpu.memory_space<vmem>>, vector<64x128xf32>,
    return
  }
}

</mosaic_0001>

<sc_bundles>
// kernel: kernel.12.cloned.1.call-start
scs
__scs_entry_jumppad:
0x0: {  	(pc) =	sbr.rel $0x88, $3  }
0x1: {  	(tag) =	ssettag $0x0;
	lr =	simm.s32 $0x1  }
0x2: {  	[smem:$0x3F98] =	sst lr;
	_ =	strace $0xD0000000  }
0x3: {  	_ = 	snop  }
0x4: {  	_ = 	snop  }
0x5: {  	_ = 	snop  }
0x6: {  	_ = 	snop  }
0x7: {  	_ = 	snop  }
__scs_overlays_trampoline_lowered:
0x8: {  	[smem:$0x3FA7] =	sst s0  }
0x9: {  	[smem:$0x3FA8] =	sst s1  }
0xa: {  	[smem:$0x3FA9] =	sst s2  }
0xb: {  	[smem:$0x3FAA] =	sst s3  }
0xc: {  	[smem:$0x3FAB] =	sst s4  }
0xd: {  	[smem:$0x3FAC] =	sst s5  }
0xe: {  	[smem:$0x3FAD] =	sst s6  }
0xf: {  	[smem:$0x3FAE] =	sst s7  }
0x10: {  	[smem:$0x3FAF] =	sst s8  }
0x11: {  	[smem:$0x3FB0] =	sst s9;
	s0 =	simm.s32 @!p0 $0x0  }
0x12: {  	s1 =	sld [smem:$0x3F96];
	s0 =	simm.s32 @p0 $0x1  }
0x13: {  	[smem:$0x3FB1] =	sst s0;
	s0 =	simm.s32 @!p1 $0x0  }
0x14: {  	s2 =	sld [smem:$0x3F95];
	s0 =	simm.s32 @p1 $0x1  }
0x15: {  	[smem:$0x3FB2] =	sst s0;
	s0 =	simm.s32 @!p2 $0x0  }
0x16: {  	s3 =	sld [smem:$0x3FDB];
	s0 =	simm.s32 @p2 $0x1  }
0x17: {  	s4 =	simm.s32 $0x1BF5;
	[smem:$0x3FB4] =	sst s0  }
0x18: {  	s0 =	sld [smem:$0x3F97];
	_ =	swait.ge [sflag:s4], $0x0  }
0x19: {  	s7 =	sld [smem:$0x3F98]  }
0x1a: {  	s8 =	sadd.s32 $0xFFFFE003, lr  }
0x1b: {  	s9 =	sadd.s32 $0xFFFFFEF7, lr;
	s5 =	simm.s32 $0xFFFFFFFF;
	p2 =	slt.u32 s8, $0xFFFFF086  }
0x1c: {  	p1 =	slt.u32 s9, $0xF7A;
	s5 =	simm.s32 @!p2 $0x0  }
0x1d: {  	s5 =	simm.s32 @p1 $0x1;
	p0 =	seq.s32 s7, s2  }
0x1e: {  	s7 =	smul.u32 @!p0 $0xF7A, s2;
	p2 =	seq.s32 @!p0 s5, $0x0  }
0x1f: {  	s9 =	smul.u32 $0xF7A, s1;
	s8 =	simm.s32 @!p0 $0x1BF5;
	p2 =	por !p2, p0  }
0x20: {  	[sflag:s8] =	ssyncset.s32 @!p0 $0xFFFFF086;
	s6 =	sadd.s32 @!p0 s3, s7;
	s7 =	simm.s32 @!p0 $0x108  }
0x21: {  	s3 =	sadd.s32 s3, s9;
	s6 =	sadd.s32 @!p0 $0x88, s6;
	s7 =	simm.s32 @p2 $0x1082  }
0x22: {  	[simem:s7], [sflag:s8] =	dma.local @!p0 [hbm:s6], $0xF7A  }
0x23: {  	s9 =	sor.u32 $0xD0000000, s2;
	s6 =	simm.s32 $0x108;
	_ =	swait.ge @!p0 [sflag:s8], $0x0  }
0x24: {  	s3 =	sadd.s32 $0x88, s3;
	s6 =	simm.s32 @!p1 $0x1082;
	[sflag:s4] =	ssyncset.s32 $0xFFFFF086  }
0x25: {  	[simem:s6], [sflag:s4] =	dma.local [hbm:s3], $0xF7A  }
0x26: {  	[smem:$0x3F98] =	sst s1;
	(tag) =	ssettag s2;
	_ =	strace s9  }
0x27: {  	s1 =	sld [smem:$0x3FA8]  }
0x28: {  	s2 =	sld [smem:$0x3FA9]  }
0x29: {  	s4 =	sld [smem:$0x3FAB]  }
0x2a: {  	p0 =	seq.s32 s5, $0x0;
	s5 =	sld [smem:$0x3FAC]  }
0x2b: {  	s6 =	sld [smem:$0x3FAD]  }
0x2c: {  	s7 =	sld [smem:$0x3FAE]  }
0x2d: {  	s3 =	simm.s32 $0x108;
	s8 =	sld [smem:$0x3FAF]  }
0x2e: {  	s3 =	simm.s32 @!p0 $0x1082;
	s9 =	sld [smem:$0x3FB0]  }
0x2f: {  	lr =	sadd.s32 s0, s3;
	s0 =	sld [smem:$0x3FA7]  }
0x30: {  	s3 =	sld [smem:$0x3FAA]  }
0x31: {  	[smem:$0x3FB3] =	sst s10  }
0x32: {  	s10 =	sld [smem:$0x3FB1];
	_ =	sdelay $0x3  }
0x33: {  	p0 =	seq.s32 s10, $0x1;
	s10 =	sld [smem:$0x3FB3];
	_ =	sdelay $0x3  }
0x34: {  	[smem:$0x3FB3] =	sst s10  }
0x35: {  	s10 =	sld [smem:$0x3FB2];
	_ =	sdelay $0x3  }
0x36: {  	p1 =	seq.s32 s10, $0x1;
	s10 =	sld [smem:$0x3FB3];
	_ =	sdelay $0x3  }
0x37: {  	[smem:$0x3FB3] =	sst s10  }
0x38: {  	s10 =	sld [smem:$0x3FB4]  }
0x39: {  	_ = 	snop;
	(pc) =	sbr.ind lr, $3  }
0x3a: {  	_ = 	snop  }
0x3b: {  	_ = 	snop  }
0x3c: {  	p2 =	seq.s32 s10, $0x1;
	s10 =	sld [smem:$0x3FB3]  }
0x3d: {  	_ =	shalt  }
0x3e: {  	_ =	shalt  }
0x3f: {  	_ =	shalt  }
0x40: {  	_ =	shalt  }
0x41: {  	_ =	shalt  }
0x42: {  	_ =	shalt  }
0x43: {  	_ =	shalt  }
0x44: {  	_ =	shalt  }
0x45: {  	_ =	shalt  }
0x46: {  	_ =	shalt  }
0x47: {  	_ =	shalt  }
0x48: {  	_ =	shalt  }
0x49: {  	_ =	shalt  }
0x4a: {  	_ =	shalt  }
0x4b: {  	_ =	shalt  }
0x4c: {  	_ =	shalt  }
0x4d: {  	_ =	shalt  }
0x4e: {  	_ =	shalt  }
0x4f: {  	_ =	shalt  }
0x50: {  	_ =	shalt  }
0x51: {  	_ =	shalt  }
0x52: {  	_ =	shalt  }
0x53: {  	_ =	shalt  }
0x54: {  	_ =	shalt  }
0x55: {  	_ =	shalt  }
0x56: {  	_ =	shalt  }
0x57: {  	_ =	shalt  }
0x58: {  	_ =	shalt  }
0x59: {  	_ =	shalt  }
0x5a: {  	_ =	shalt  }
0x5b: {  	_ =	shalt  }
0x5c: {  	_ =	shalt  }
0x5d: {  	_ =	shalt  }
0x5e: {  	_ =	shalt  }
0x5f: {  	_ =	shalt  }
0x60: {  	_ =	shalt  }
0x61: {  	_ =	shalt  }
0x62: {  	_ =	shalt  }
0x63: {  	_ =	shalt  }
0x64: {  	_ =	shalt  }
0x65: {  	_ =	shalt  }
0x66: {  	_ =	shalt  }
0x67: {  	_ =	shalt  }
0x68: {  	_ =	shalt  }
0x69: {  	_ =	shalt  }
0x6a: {  	_ =	shalt  }
0x6b: {  	_ =	shalt  }
0x6c: {  	_ =	shalt  }
0x6d: {  	_ =	shalt  }
0x6e: {  	_ =	shalt  }
0x6f: {  	_ =	shalt  }
0x70: {  	_ =	shalt  }
0x71: {  	_ =	shalt  }
0x72: {  	_ =	shalt  }
0x73: {  	_ =	shalt  }
0x74: {  	_ =	shalt  }
0x75: {  	_ =	shalt  }
0x76: {  	_ =	shalt  }
0x77: {  	_ =	shalt  }
0x78: {  	_ =	shalt  }
0x79: {  	_ =	shalt  }
0x7a: {  	_ =	shalt  }
0x7b: {  	_ =	shalt  }
0x7c: {  	_ =	shalt  }
0x7d: {  	_ =	shalt  }
0x7e: {  	_ =	shalt  }
0x7f: {  	_ =	shalt  }
0x80: {  	_ =	shalt  }
0x81: {  	_ =	shalt  }
0x82: {  	_ =	shalt  }
0x83: {  	_ =	shalt  }
0x84: {  	_ =	shalt  }
0x85: {  	_ =	shalt  }
0x86: {  	_ =	shalt  }
0x87: {  	_ =	shalt  }
.Lfunc_end0:
.L_simem_size_0:
called_computation.1_lowered:
.L_overlay_start_0:
0x88: {  	s2 =	sld [smem:$0x3FD9]  }
0x89: {  	s3 =	sld [smem:$0x3FFE];
	_ =	sdelay $0x1  }
0x8a: {  	s1 =	srdreg.scid  }
0x8b: {  	s0 =	sand.u32 $0x1, s1  }
0x8c: {  	s16 =	sshll.u32 s0, $0xA;
	s2 =	sadd.s32 s3, s2  }
0x8d: {  	s2 =	sadd.s32 s2, s16  }
0x8e: {  	[smem:$0x3FBF] =	sst s2  }
0x8f: {  	_ = 	snop  }
0x90: {  	(tm) =	ssettm $0x1  }
0x91: {  	s17 =	sld [smem:$0x3FFB];
	_ =	sdelay $0x3  }
0x92: {  	_ =	strace s17  }
0x93: {  	s2 =	sld [smem:$0x3FFC];
	_ =	sdelay $0x3  }
0x94: {  	_ =	strace s2  }
0x95: {  	s2 =	sld [smem:$0x3FFD];
	_ =	sdelay $0x3  }
0x96: {  	_ =	strace s2  }
0x97: {  	_ =	strace $0x8FFFFFFF  }
0x98: {  	s18 =	sld [smem:$0x3FDB];
	_ =	sdelay $0x1  }
0x99: {  	s19 =	simm.s32 $_scs_section_size  }
0x9a: {  	s4 =	simm.s32 $_size__tile_overlayer_lowered;
	s5 =	simm.s32 $_tile_overlayer_lowered  }
0x9b: {  	s22 =	simm.s32 $0x1BFF;
	s21 =	sshll.u32 s5, $0x1;
	s2 =	sadd.s32 s19, s18  }
0x9c: {  	s6 =	simm.s32 $0x0;
	s20 =	sshll.u32 s4, $0x1;
	s4 =	sadd.s32 s21, s2  }
0x9d: {  	[timem:s6], [sflag:s22] =	dma.local [hbm:s4], s20  }
0x9e: {  	_ =	swait.ge [sflag:s22], s20  }
0x9f: {  	s3 =	ssub.s32 $0x0, s20;
	[sflag:s22] =	ssyncset.done $0x0  }
0xa0: {  	[sflag:s22] =	ssyncadd.s32 s3;
	_ =	sdelay $0x1  }
0xa1: {  	s23 =	simm.s32 $0x1B8B  }
0xa2: {  	_ =	swait.ge [sflag:s23], $0x1  }
0xa3: {  	[sflag:s23] =	ssyncset.done $0x0  }
0xa4: {  	s25 =	simm.s32 $0x1B8E;
	s24 =	sld [smem:$0x3FFE];
	[sflag:s23] =	ssyncadd.s32 $0xFFFFFFFF  }
0xa5: {  	s26 =	simm.s32 $execute0_lowered;
	[smem:$0x3FD2] =	sst s25  }
0xa6: {  	s4 =	sshll.u32 s26, $0x1;
	_ =	strace $0x80000049;
	[dreg:$0x1] =	wrdreg $0xFFFFFFFF  }
0xa7: {  	s28 =	simm.s32 $_size_execute0_lowered;
	s2 =	sadd.s32 s2, s4;
	[dreg:$0x0] =	wrdreg $0x0  }
0xa8: {  	s4 =	sshll.u32 s28, $0x1;
	[dreg:$0x2] =	wrdreg s2  }
0xa9: {  	[dreg:$0x3] =	wrdreg s4  }
0xaa: {  	[dreg:$0x4] =	wrdreg $0xC0  }
0xab: {  	_ =	task [dreg:s6], $0x5FFFF  }
0xac: {  	[dreg:$0x1] =	wrdreg $0xFFFFFFFF  }
0xad: {  	[dreg:$0x0] =	wrdreg $0x60  }
0xae: {  	[dreg:$0x2] =	wrdreg s24  }
0xaf: {  	[dreg:$0x3] =	wrdreg $0xB0000  }
0xb0: {  	[dreg:$0x4] =	wrdreg $0x9  }
0xb1: {  	_ =	task.clear_ibuf [dreg:s6], $0x5FFFF;
	_ =	strace $0x90000049  }
0xb2: {  	s29 =	simm.s32 $0x9;
	_ =	strace $0x8000004B  }
0xb3: {  	_ =	swait.ge [sflag:s29], $0x1  }
0xb4: {  	[sflag:s29] =	ssyncadd.s32 $0xFFFFFFFF  }
0xb5: {  	_ =	strace $0x9000004B  }
0xb6: {  	_ =	sfence  }
0xb7: {  	s30 =	sld [smem:$0x0];
	_ =	sdelay $0x2  }
0xb8: {  	s31 =	sshll.u32 s1, $0xD;
	s1 =	sshrl.u32 s1, $0x2  }
0xb9: {  	s3 =	sand.u32 $0x4000, s31;
	s1 =	sadd.s32 s1, s30  }
0xba: {  	s0 =	sor.u32 s3, s0;
	s1 =	sshll.u32 s1, $0x11  }
0xbb: {  	s0 =	sor.u32 s1, s0  }
0xbc: {  	s0 =	sadd.s32 $0x8F2B, s0  }
0xbd: {  	[sflag:s0] =	ssyncadd.remote.s32 $0x1  }
0xbe: {  	_ =	sfence.sel $0xFFFF  }
0xbf: {  	[dreg:$0x0] =	wrdreg $0xFFFFFFFF;
	(pc) =	sbr.abs _section_cstart, $3  }
0xc0: {  	[dreg:$0x1] =	wrdreg $0xFFFFFFFF  }
0xc1: {  	_ =	task.clear_ibuf [dreg:s6], $0x2FFFF;
	_ =	strace $0x9FFFFFFF  }
0xc2: {  	(tm) =	ssettm $0x7FFFFFFF  }
0xc3: {  	_ =	shalt  }
tec
execute0_lowered:
.L_overlay_start_1:
0x0: {  	(tag) =	ssettag $0x1  }
0x1: {  	s0 =	rddreg [dreg:$0x0]  }
0x2: {  	s2 =	rddreg [dreg:$0x1];
	s3 =	simm.s32 $0x0  }
0x3: {  	s12 =	stileid.u32;
	s6 =	srdreg.scid;
	s13 =	simm.s32 $0x5  }
0x4: {  	s17 =	simm.s32 $0x7D;
	s18 =	simm.s32 $0x3000;
	s31 =	simm.s32 $0xC00  }
0x5: {  	s19 =	simm.s32 $0x7000;
	s20 =	simm.s32 $0x1;
	s21 =	simm.s32 $0x6  }
0x6: {  	[smem:$0x7FF] =	sst s3;
	s1 =	smul.u32 $0x13C00, s12;
	s4 =	sadd.s32 $0x8FC00, s0  }
0x7: {  	s5 =	sadd.s32 $0x83C00, s0;
	s7 =	sand.u32 $0x1, s6;
	s10 =	sshll.u32 s12, $0x1  }
0x8: {  	s6 =	sadd.s32 $0x3400, s0;
	s11 =	smul.u32 $0x4F000, s12;
	s30 =	sshll.u32 s12, $0x6  }
0x9: {  	_ =	strace $0x8000004A;
	s9 =	smul.u32 $0x13C000, s7;
	s10 =	sor.u32 s7, s10  }
0xa: {  	s22 =	ssub.s32 $0x2, s7;
	s15 =	sor.u32 $0x1C05, s30;
	[dreg:$0x3] =	wrdreg s31  }
0xb: {  	s8 =	sshrl.u32 s1, $0x3;
	s7 =	smul.u32 $0x3000, s10;
	s23 =	sshrl.u32 s22, $0x1  }
0xc: {  	s28 =	sshrl.u32 s11, $0x2;
	s8 =	sadd.s32 s8, s0;
	s1 =	sadd.s32 s1, s9  }
0xd: {  	s24 =	ssub.s32 s22, s23;
	s22 =	simm.s32 $0x2;
	s8 =	sadd.s32 $0x51800, s8  }
0xe: {  	s25 =	sshrl.u32 s7, $0x3;
	s29 =	smax.u32 s24, $0x1;
	[dreg:$0x6] =	wrdreg s8  }
0xf: {  	s1 =	sshrl.u32 s1, $0x3;
	s26 =	sadd.s32 s4, s25;
	[dreg:$0x8] =	wrdreg s29  }
0x10: {  	s0 =	sadd.s32 s1, s0;
	s9 =	sadd.s32 s5, s25;
	[dreg:$0x4] =	wrdreg s26  }
0x11: {  	[dreg:$0x5] =	wrdreg s9;
	s9 =	sadd.s32 s28, s2;
	s0 =	sadd.s32 $0xC2E00, s0  }
0x12: {  	s23 =	simm.s32 $0x0;
	[dreg:$0x7] =	wrdreg s0;
	s16 =	sshrl.u32 s9, $0x3  }
.LBB2_1:
0x13: {  	s0 =	rddreg [dreg:$0x4];
	s1 =	simm.s32 $0x1800;
	s24 =	simm.s32 $0x0  }
0x14: {  	s8 =	sand.u32 $0xFF, s3;
	s9 =	simm.s32 $0x2;
	p2 =	por $0x0, $0x0  }
0x15: {  	[tilespmem:s3], [sflag:$0x5] =	stream.linear.gather [hbm4b:s0+s3], $0xA00, $0x38;
	[tilespmem:$0x1EC00] =	vst v63  }
0x16: {  	p0 =	por $0x0, $0x0;
	s25 =	sand.u32 $0xFE, s24;
	s8 =	smul.u32 $0xCD, s8  }
0x17: {  	s0 =	sor.u32 $0x1, s24;
	s9 =	sand.u32 $0xFF, s9;
	_ =	swait.ge [sflag:s13], $0xA00  }
0x18: {  	s10 =	sand.u32 $0xFF, s0;
	s9 =	smul.u32 $0xCD, s9;
	[sflag:s13] =	ssyncset.done $0x0  }
0x19: {  	s12 =	rddreg [dreg:$0x5];
	s10 =	smul.u32 $0xCD, s10;
	[sflag:s13] =	ssyncadd.s32 $0xFFFFF600  }
0x1a: {  	[tilespmem:s1], [sflag:$0x5] =	stream.linear.gather [hbm4b:s12+s3], $0xA00, $0x38;
	[tilespmem:$0x1EC00] =	vst v63  }
0x1b: {  	s30 =	simm.s32 $0x4;
	s9 =	sshrl.u32 s9, $0xC;
	s1 =	smul.u32 $0xCD, s25  }
0x1c: {  	s24 =	simm.s32 $0x1;
	s10 =	sshrl.u32 s10, $0xC;
	s26 =	smul.u32 $0x14, s9  }
0x1d: {  	s8 =	sshrl.u32 s8, $0xB;
	_ =	swait.ge [sflag:s13], $0xA00;
	s10 =	smul.u32 $0x14, s10  }
0x1e: {  	[sflag:s13] =	ssyncset.done $0x0;
	s14 =	rddreg [dreg:$0x6];
	s1 =	sshrl.u32 s1, $0xC  }
0x1f: {  	[sflag:s13] =	ssyncadd.s32 $0xFFFFF600;
	s1 =	smul.u32 $0x14, s1;
	s0 =	ssub.s32 s0, s10  }
0x20: {  	[spmem:s16], [sflag:s15] =	dma.local [hbm:s14], $0x2780  }
0x21: {  	s9 =	sand.u32 @!p0 $0x1, s9;
	s14 =	simm.s32 @!p0 $0xC00;
	s0 =	sand.u32 $0xFF, s0  }
0x22: {  	_ =	swait.ge [sflag:s13], $0x2780;
	s1 =	ssub.s32 $0x0, s1;
	s0 =	sshll.u32 s0, $0x9  }
0x23: {  	[sflag:s13] =	ssyncset.done $0x0;
	s11 =	sand.u32 @!p2 $0xFF, s1;
	s12 =	sand.u32 $0xFE, s1  }
0x24: {  	s1 =	simm.s32 $0x2;
	[sflag:s13] =	ssyncadd.s32 $0xFFFFD880;
	p3 =	sne.s32 @!p2 s11, $0x0  }
0x25: {  	s0 =	sshrl.u32 s0, $0x2;
	[bflag:$0x0] =	sbarrier.arrive $0xFFFF;
	p1 =	por p3, p2  }
0x26: {  	[tilespmem:s18], [sflag:$0x1] =	stream.indirect.gather [hbm4b:s6+s17], $0x80, s3, s17, $0xb8;
	[tilespmem:$0x1EC00] =	vst v63  }
0x27: {  	s11 =	ssub.s32 $0x2, s26;
	s29 =	sor.u32 $0x1, s1;
	s25 =	sadd.s32 @!p1 $0x1, s8  }
0x28: {  	s8 =	sand.u32 $0x1, s8;
	s26 =	simm.s32 @!p1 $0x0;
	s10 =	sand.u32 @!p1 $0x1, s25  }
0x29: {  	s28 =	simm.s32 @!p1 $0xC00;
	p4 =	seq.s32 @!p1 s10, $0x1;
	s10 =	smul.u32 @!p1 $0xC00, s25  }
0x2a: {  	s25 =	sand.u32 $0xFF, s11;
	s11 =	sand.u32 @!p0 $0xFF, s11;
	p3 =	por @!p2 !p4, p3  }
0x2b: {  	p4 =	seq.s32 @!p0 s9, $0x1;
	s10 =	sadd.s32 @!p1 s7, s10;
	p2 =	por !p3, p2  }
0x2c: {  	p3 =	sne.s32 @!p0 s11, $0x0;
	s10 =	sshrl.u32 @!p1 s10, $0x3;
	s28 =	simm.s32 @!p2 $0x0  }
0x2d: {  	p2 =	por p3, p0;
	p3 =	por !p4, p0;
	s11 =	sadd.s32 @!p1 s4, s10  }
0x2e: {  	[tilespmem:s28], [sflag:$0x3] =	stream.linear.gather @!p1 [hbm4b:s11+s26], $0xA00, $0x38;
	[tilespmem:$0x1EC00] =	vst v63  }
0x2f: {  	s10 =	sadd.s32 @!p1 s5, s10;
	s9 =	sadd.s32 @!p1 $0x1800, s28;
	s11 =	simm.s32 @!p2 $0x3  }
0x30: {  	[tilespmem:s9], [sflag:$0x4] =	stream.linear.gather @!p1 [hbm4b:s10+s26], $0xA00, $0x38;
	[tilespmem:$0x1EC00] =	vst v63  }
0x31: {  	s14 =	simm.s32 @p3 $0x0;
	s9 =	sshll.u32 @!p0 s25, $0x7;
	_ =	swait.ge @!p2 [sflag:s11], $0xA00  }
0x32: {  	s25 =	simm.s32 $0x2;
	p1 =	seq.s32 s8, $0x1;
	[sflag:s11] =	ssyncset.done @!p2 $0x0  }
0x33: {  	s26 =	sadd.s32 @!p0 s9, s14;
	s9 =	simm.s32 @!p2 $0x4;
	[sflag:s11] =	ssyncadd.s32 @!p2 $0xFFFFF600  }
0x34: {  	p0 =	por p0, p0;
	s14 =	sand.u32 $0xFF, s24;
	_ =	swait.ge @!p2 [sflag:s9], $0xA00  }
0x35: {  	s31 =	simm.s32 @!p0 $0x7D;
	[sflag:s9] =	ssyncset.done @!p2 $0x0;
	s8 =	rddreg [dreg:$0x3]  }
0x36: {  	[sflag:s9] =	ssyncadd.s32 @!p2 $0xFFFFF600;
	s9 =	smul.u32 $0xCD, s14;
	s8 =	simm.s32 @!p1 $0x0  }
0x37: {  	s11 =	sshll.u32 s12, $0x7;
	s12 =	sand.u32 $0xFE, s1;
	s14 =	sadd.s32 s0, s8  }
0x38: {  	s8 =	sadd.s32 $0x1800, s8;
	s28 =	sshrl.u32 s9, $0xB;
	s9 =	smul.u32 $0xCD, s12  }
0x39: {  	[tilespmem:s19], [sflag:$0x2] =	stream.indirect.gather [hbm4b:s6+s17], $0x80, s14, s17, $0xb8;
	[tilespmem:$0x1EC00] =	vst v63  }
0x3a: {  	p2 =	por $0x0, $0x0;
	s12 =	sand.u32 $0xFF, s29;
	s11 =	sadd.s32 s11, s8  }
0x3b: {  	s14 =	smul.u32 $0xCD, s12;
	_ =	swait.ge [sflag:s20], $0x3E80;
	s12 =	sshrl.u32 s9, $0xC  }
0x3c: {  	s9 =	sand.u32 $0xFF, s30;
	[sflag:s20] =	ssyncset.done $0x0;
	s10 =	smul.u32 $0x14, s12  }
.LBB2_2:
0x3d: {  	p1 =	seq.s32 s24, $0x27  }
0x3e: {  	[sflag:s20] =	ssyncadd.s32 $0xFFFFC180;
	s24 =	smov.u32 s25;
	s9 =	smul.u32 $0xCD, s9  }
0x3f: {  	s8 =	sadd.s32 s0, s8;
	s25 =	sadd.s32 $0x1, s25;
	s1 =	ssub.s32 s1, s10  }
0x40: {  	[spmem:s2] =	stream.indirect.scatter.add.f32 [tilespmem:s18], [sflag:$0x6], $0x80, s11, s17, $0xb8;
	[tilespmem:$0x1EC00] =	vst v63  }
0x41: {  	s12 =	sshrl.u32 s14, $0xC;
	s14 =	simm.s32 @!p1 $0xC00;
	s0 =	sand.u32 @!p2 $0xFF, s1  }
0x42: {  	s9 =	sshrl.u32 s9, $0xC;
	s12 =	smul.u32 $0x14, s12;
	_ =	swait.ge [sflag:s21], $0x3E80  }
0x43: {  	p4 =	sne.s32 @!p2 s0, $0x0;
	s10 =	sand.u32 @!p1 $0x1, s9;
	s9 =	smul.u32 $0x14, s9  }
0x44: {  	[sflag:s21] =	ssyncset.done $0x0;
	s0 =	sand.u32 $0x1, s28;
	p3 =	por p4, p2  }
0x45: {  	s12 =	ssub.s32 s29, s12;
	[sflag:s21] =	ssyncadd.s32 $0xFFFFC180;
	s11 =	sadd.s32 @!p3 $0x1, s28  }
0x46: {  	s9 =	ssub.s32 s30, s9;
	s12 =	sand.u32 $0xFF, s12;
	s30 =	simm.s32 @!p3 $0x0  }
0x47: {  	s29 =	sand.u32 @!p3 $0x1, s11;
	s28 =	sand.u32 $0xFF, s9;
	s9 =	sand.u32 @!p1 $0xFF, s9  }
0x48: {  	s11 =	smul.u32 @!p3 $0xC00, s11;
	p6 =	seq.s32 @!p3 s29, $0x1;
	s29 =	simm.s32 @!p0 $0x3000  }
0x49: {  	[tilespmem:s29], [sflag:$0x1] =	stream.indirect.gather @!p0 [hbm4b:s6+s31], $0x80, s26, s31, $0xb8;
	[tilespmem:$0x1EC00] =	vst v63  }
0x4a: {  	p5 =	sne.s32 @!p1 s9, $0x0;
	s9 =	sadd.s32 @!p3 s7, s11;
	p0 =	por @!p2 !p6, p4  }
0x4b: {  	s11 =	simm.s32 @!p3 $0xC00;
	_ =	swait.ge [sflag:s22], $0x3E80;
	p0 =	por !p0, p2  }
0x4c: {  	s9 =	sshrl.u32 @!p3 s9, $0x3;
	p2 =	por p5, p1;
	[sflag:s22] =	ssyncset.done $0x0  }
0x4d: {  	s26 =	sadd.s32 @!p3 s4, s9;
	s11 =	simm.s32 @!p0 $0x0;
	p0 =	seq.s32 @!p1 s10, $0x1  }
0x4e: {  	[sflag:s22] =	ssyncadd.s32 $0xFFFFC180;
	p0 =	por !p0, p1;
	s10 =	sadd.s32 @!p3 $0x1800, s11  }
0x4f: {  	[spmem:s2] =	stream.indirect.scatter.add.f32 [tilespmem:s19], [sflag:$0x5], $0x80, s8, s17, $0xb8;
	[tilespmem:$0x1EC00] =	vst v63  }
0x50: {  	s8 =	sadd.s32 @!p3 s5, s9;
	s9 =	sshll.u32 @!p1 s28, $0x7;
	_ =	swait.ge [sflag:s13], $0x3E80  }
0x51: {  	s14 =	simm.s32 @p0 $0x0;
	s28 =	sand.u32 $0xFE, s1;
	[sflag:s13] =	ssyncset.done $0x0  }
0x52: {  	p0 =	por p1, p1;
	s1 =	sshll.u32 s24, $0x1;
	[sflag:s13] =	ssyncadd.s32 $0xFFFFC180  }
0x53: {  	[tilespmem:s11], [sflag:$0x3] =	stream.linear.gather @!p3 [hbm4b:s26+s30], $0xA00, $0x38;
	[tilespmem:$0x1EC00] =	vst v63  }
0x54: {  	s31 =	simm.s32 @!p0 $0x7D;
	s29 =	sor.u32 $0x1, s1;
	s11 =	simm.s32 @!p2 $0x3  }
0x55: {  	s26 =	sadd.s32 @!p1 s9, s14;
	p1 =	seq.s32 s0, $0x1;
	s14 =	sand.u32 $0xFE, s1  }
0x56: {  	[tilespmem:s10], [sflag:$0x4] =	stream.linear.gather @!p3 [hbm4b:s8+s30], $0xA00, $0x38;
	[tilespmem:$0x1EC00] =	vst v63  }
0x57: {  	s9 =	smul.u32 $0xCD, s14;
	s14 =	sand.u32 $0xFF, s29;
	_ =	swait.ge @!p2 [sflag:s11], $0xA00  }
0x58: {  	p3 =	sne.s32 s25, $0x28;
	s8 =	simm.s32 @!p2 $0x4;
	[sflag:s11] =	ssyncset.done @!p2 $0x0  }
0x59: {  	s30 =	sadd.s32 $0x2, s1;
	s14 =	smul.u32 $0xCD, s14;
	[sflag:s11] =	ssyncadd.s32 @!p2 $0xFFFFF600  }
0x5a: {  	s11 =	sshll.u32 s12, $0x9;
	s12 =	sand.u32 $0xFF, s24;
	_ =	swait.ge @!p2 [sflag:s8], $0xA00  }
0x5b: {  	s0 =	sshrl.u32 s11, $0x2;
	[sflag:s8] =	ssyncset.done @!p2 $0x0;
	s10 =	rddreg [dreg:$0x3]  }
0x5c: {  	[sflag:s8] =	ssyncadd.s32 @!p2 $0xFFFFF600;
	s8 =	smul.u32 $0xCD, s12;
	s10 =	simm.s32 @!p1 $0x0  }
.Ltmp0:
0x5d: {  	s11 =	sshll.u32 s28, $0x7;
	s12 =	sadd.s32 s0, s10;
	(pc) =	sbr.rel @p3 .LBB2_2-.Ltmp0, $4  }
0x5e: {  	[tilespmem:s19], [sflag:$0x2] =	stream.indirect.gather [hbm4b:s6+s17], $0x80, s12, s17, $0xb8;
	[tilespmem:$0x1EC00] =	vst v63  }
0x5f: {  	p2 =	sgt.u32 s24, $0x1D;
	s28 =	sshrl.u32 s8, $0xB;
	s8 =	sadd.s32 $0x1800, s10  }
0x60: {  	s12 =	sshrl.u32 s9, $0xC;
	s9 =	sand.u32 $0xFF, s30;
	_ =	swait.ge [sflag:s20], $0x3E80  }
0x61: {  	s10 =	smul.u32 $0x14, s12;
	s11 =	sadd.s32 s11, s8;
	[sflag:s20] =	ssyncset.done $0x0  }
0x62: {  	[sflag:s20] =	ssyncadd.s32 $0xFFFFC180  }
0x63: {  	[spmem:s2] =	stream.indirect.scatter.add.f32 [tilespmem:s18], [sflag:$0x6], $0x80, s11, s17, $0xb8;
	[tilespmem:$0x1EC00] =	vst v63  }
0x64: {  	s1 =	ssub.s32 s1, s10;
	_ =	swait.ge [sflag:s21], $0x3E80  }
0x65: {  	s10 =	sand.u32 @!p2 $0xFF, s1;
	[sflag:s21] =	ssyncset.done $0x0  }
0x66: {  	s11 =	simm.s32 @!p0 $0x3000;
	p1 =	sne.s32 @!p2 s10, $0x0;
	[sflag:s21] =	ssyncadd.s32 $0xFFFFC180  }
0x67: {  	[tilespmem:s11], [sflag:$0x1] =	stream.indirect.gather @!p0 [hbm4b:s6+s31], $0x80, s26, s31, $0xb8;
	[tilespmem:$0x1EC00] =	vst v63  }
0x68: {  	s9 =	smul.u32 $0xCD, s9;
	p0 =	por p1, p2  }
0x69: {  	s0 =	sadd.s32 s0, s8;
	s8 =	sadd.s32 @!p0 $0x1, s28  }
0x6a: {  	s9 =	sshrl.u32 s9, $0xC;
	_ =	swait.ge [sflag:s22], $0x3E80;
	s10 =	sand.u32 @!p0 $0x1, s8  }
0x6b: {  	s8 =	smul.u32 @!p0 $0xC00, s8;
	[sflag:s22] =	ssyncset.done $0x0;
	p3 =	seq.s32 @!p0 s10, $0x1  }
0x6c: {  	s10 =	simm.s32 @!p0 $0x0;
	[sflag:s22] =	ssyncadd.s32 $0xFFFFC180;
	p1 =	por @!p2 !p3, p1  }
0x6d: {  	[spmem:s2] =	stream.indirect.scatter.add.f32 [tilespmem:s19], [sflag:$0x5], $0x80, s0, s17, $0xb8;
	[tilespmem:$0x1EC00] =	vst v63  }
0x6e: {  	s0 =	sadd.s32 @!p0 s7, s8;
	s8 =	simm.s32 @!p0 $0xC00;
	_ =	swait.ge [sflag:s13], $0x3E80  }
0x6f: {  	p1 =	por !p1, p2;
	s0 =	sshrl.u32 @!p0 s0, $0x3;
	[sflag:s13] =	ssyncset.done $0x0  }
0x70: {  	s11 =	sadd.s32 @!p0 s4, s0;
	s8 =	simm.s32 @!p1 $0x0;
	[sflag:s13] =	ssyncadd.s32 $0xFFFFC180  }
0x71: {  	[tilespmem:s8], [sflag:$0x3] =	stream.linear.gather @!p0 [hbm4b:s11+s10], $0xA00, $0x38;
	[tilespmem:$0x1EC00] =	vst v63  }
0x72: {  	s12 =	smul.u32 $0x14, s9;
	s0 =	sadd.s32 @!p0 s5, s0;
	s8 =	sadd.s32 @!p0 $0x1800, s8  }
0x73: {  	[tilespmem:s8], [sflag:$0x4] =	stream.linear.gather @!p0 [hbm4b:s0+s10], $0xA00, $0x38;
	[tilespmem:$0x1EC00] =	vst v63  }
0x74: {  	p0 =	seq.s32 s24, $0x27;
	s0 =	ssub.s32 s30, s12  }
0x75: {  	s8 =	sand.u32 @!p0 $0xFF, s0  }
0x76: {  	p1 =	sne.s32 @!p0 s8, $0x0  }
0x77: {  	p1 =	por p1, p0  }
0x78: {  	s25 =	sshrl.u32 s14, $0xC;
	s8 =	simm.s32 @!p1 $0x3  }
0x79: {  	s1 =	sand.u32 $0xFE, s1;
	s10 =	smul.u32 $0x14, s25;
	_ =	swait.ge @!p1 [sflag:s8], $0xA00  }
0x7a: {  	s1 =	sshll.u32 s1, $0x7;
	[sflag:s8] =	ssyncset.done @!p1 $0x0  }
0x7b: {  	s10 =	ssub.s32 s29, s10;
	[sflag:s8] =	ssyncadd.s32 @!p1 $0xFFFFF600;
	s8 =	simm.s32 @!p1 $0x4  }
0x7c: {  	s12 =	sand.u32 $0x1, s28;
	s10 =	sand.u32 $0xFF, s10;
	_ =	swait.ge @!p1 [sflag:s8], $0xA00  }
0x7d: {  	p2 =	seq.s32 s12, $0x1;
	s10 =	sshll.u32 s10, $0x9;
	s11 =	rddreg [dreg:$0x3]  }
0x7e: {  	s10 =	sshrl.u32 s10, $0x2;
	[sflag:s8] =	ssyncset.done @!p1 $0x0;
	s11 =	simm.s32 @!p2 $0x0  }
0x7f: {  	[sflag:s8] =	ssyncadd.s32 @!p1 $0xFFFFF600;
	s8 =	sand.u32 @!p0 $0x1, s9;
	s26 =	sadd.s32 s10, s11  }
0x80: {  	[tilespmem:s19], [sflag:$0x2] =	stream.indirect.gather [hbm4b:s6+s17], $0x80, s26, s17, $0xb8;
	[tilespmem:$0x1EC00] =	vst v63  }
0x81: {  	s0 =	sand.u32 $0xFF, s0;
	p1 =	seq.s32 @!p0 s8, $0x1;
	_ =	swait.ge [sflag:s20], $0x3E80  }
0x82: {  	s8 =	simm.s32 @!p0 $0xC00;
	s28 =	sadd.s32 $0x1800, s11;
	[sflag:s20] =	ssyncset.done $0x0  }
0x83: {  	p1 =	por !p1, p0;
	s1 =	sadd.s32 s1, s28;
	[sflag:s20] =	ssyncadd.s32 $0xFFFFC180  }
0x84: {  	[spmem:s2] =	stream.indirect.scatter.add.f32 [tilespmem:s18], [sflag:$0x6], $0x80, s1, s17, $0xb8;
	[tilespmem:$0x1EC00] =	vst v63  }
0x85: {  	s0 =	sshll.u32 @!p0 s0, $0x7;
	s8 =	simm.s32 @p1 $0x0;
	_ =	swait.ge [sflag:s21], $0x3E80  }
0x86: {  	s0 =	sadd.s32 @!p0 s0, s8;
	p0 =	por p0, p0;
	[sflag:s21] =	ssyncset.done $0x0  }
0x87: {  	s8 =	simm.s32 @!p0 $0x3000;
	s1 =	simm.s32 @!p0 $0x7D;
	[sflag:s21] =	ssyncadd.s32 $0xFFFFC180  }
0x88: {  	[tilespmem:s8], [sflag:$0x1] =	stream.indirect.gather @!p0 [hbm4b:s6+s1], $0x80, s0, s1, $0xb8;
	[tilespmem:$0x1EC00] =	vst v63  }
0x89: {  	_ =	swait.ge [sflag:s22], $0x3E80  }
0x8a: {  	[sflag:s22] =	ssyncset.done $0x0  }
0x8b: {  	s29 =	sadd.s32 s10, s28;
	[sflag:s22] =	ssyncadd.s32 $0xFFFFC180  }
0x8c: {  	[spmem:s2] =	stream.indirect.scatter.add.f32 [tilespmem:s19], [sflag:$0x5], $0x80, s29, s17, $0xb8;
	[tilespmem:$0x1EC00] =	vst v63  }
0x8d: {  	_ =	swait.ge [sflag:s13], $0x3E80  }
0x8e: {  	[sflag:s13] =	ssyncset.done $0x0  }
0x8f: {  	[sflag:s13] =	ssyncadd.s32 $0xFFFFC180  }
0x90: {  	[bflag:$0x0] =	sbarrier.arrive $0xFFFF  }
0x91: {  	s30 =	rddreg [dreg:$0x7]  }
0x92: {  	[hbm:s30], [sflag:s15] =	dma.local [spmem:s16], $0x2780  }
0x93: {  	_ =	swait.ge [sflag:s13], $0x2780  }
0x94: {  	s23 =	sadd.s32 $0x1, s23;
	s31 =	rddreg [dreg:$0x8]  }
0x95: {  	p0 =	sne.s32 s23, s31  }
.Ltmp1:
0x96: {  	_ = 	snop;
	(pc) =	sbr.rel @p0 .LBB2_1-.Ltmp1, $3  }
0x97: {  	_ =	sdelay $0x1  }
0x98: {  	[sflag:s13] =	ssyncset.done $0x0  }
0x99: {  	[sflag:s13] =	ssyncadd.s32 $0xFFFFD880  }
0x9a: {  	_ =	sfence.sel $0x180000  }
0x9b: {  	[bflag:$0x0] =	sbarrier.arrive $0xFFFF  }
0x9c: {  	_ =	strace $0x9000004A  }
0x9d: {  	s0 =	stileid.u32;
	[bflag:$0x2] =	sbarrier.arrive $0xFFFF  }
0x9e: {  	p0 =	sne.s32 s0, $0x0;
	s0 =	rddreg [dreg:$0x2]  }
0x9f: {  	s0 =	sadd.s32 @!p0 $0x100000, s0  }
0xa0: {  	[sflag:s0] =	ssyncadd.tile.s32 @!p0 $0x1;
	_ =	shalt  }
.Lfunc_end2:
_tile_overlayer_lowered:
.L_overlay_start_2:
0xa1: {  	(tag) =	ssettag $0x2  }
0xa2: {  	s0 =	rddreg [dreg:$0x0];
	s2 =	stileid.u32  }
0xa3: {  	s1 =	rddreg [dreg:$0x1];
	p0 =	sne.s32 s2, $0x0  }
0xa4: {  	s3 =	rddreg [dreg:$0x2];
	[bflag:$0x3] =	sbarrier.arrive $0xFFFF;
	s2 =	simm.s32 @!p0 $0x1C05  }
0xa5: {  	[timem:s3], [sflag:s2] =	dma.local @!p0 [hbm:s0], s1  }
0xa6: {  	s0 =	simm.s32 @!p0 $0x5  }
0xa7: {  	_ =	swait.ge @!p0 [sflag:s0], s1  }
0xa8: {  	s1 =	ssub.s32 @!p0 $0x0, s1;
	[sflag:s0] =	ssyncset.done @!p0 $0x0  }
0xa9: {  	[sflag:s0] =	ssyncadd.s32 @!p0 s1  }
0xaa: {  	[bflag:$0x3] =	sbarrier.arrive $0xFFFF  }
0xab: {  	_ =	shalt  }

// kernel: kernel.15.cloned.1.call-start
scs
__scs_entry_jumppad:
0x0: {  	(pc) =	sbr.rel $0x88, $3  }
0x1: {  	(tag) =	ssettag $0x0;
	lr =	simm.s32 $0x1  }
0x2: {  	[smem:$0x3F98] =	sst lr;
	_ =	strace $0xD0000000  }
0x3: {  	_ = 	snop  }
0x4: {  	_ = 	snop  }
0x5: {  	_ = 	snop  }
0x6: {  	_ = 	snop  }
0x7: {  	_ = 	snop  }
__scs_overlays_trampoline_lowered:
0x8: {  	[smem:$0x3FA7] =	sst s0  }
0x9: {  	[smem:$0x3FA8] =	sst s1  }
0xa: {  	[smem:$0x3FA9] =	sst s2  }
0xb: {  	[smem:$0x3FAA] =	sst s3  }
0xc: {  	[smem:$0x3FAB] =	sst s4  }
0xd: {  	[smem:$0x3FAC] =	sst s5  }
0xe: {  	[smem:$0x3FAD] =	sst s6  }
0xf: {  	[smem:$0x3FAE] =	sst s7  }
0x10: {  	[smem:$0x3FAF] =	sst s8  }
0x11: {  	[smem:$0x3FB0] =	sst s9;
	s0 =	simm.s32 @!p0 $0x0  }
0x12: {  	s1 =	sld [smem:$0x3F96];
	s0 =	simm.s32 @p0 $0x1  }
0x13: {  	[smem:$0x3FB1] =	sst s0;
	s0 =	simm.s32 @!p1 $0x0  }
0x14: {  	s2 =	sld [smem:$0x3F95];
	s0 =	simm.s32 @p1 $0x1  }
0x15: {  	[smem:$0x3FB2] =	sst s0;
	s0 =	simm.s32 @!p2 $0x0  }
0x16: {  	s3 =	sld [smem:$0x3FDB];
	s0 =	simm.s32 @p2 $0x1  }
0x17: {  	s4 =	simm.s32 $0x1BF5;
	[smem:$0x3FB4] =	sst s0  }
0x18: {  	s0 =	sld [smem:$0x3F97];
	_ =	swait.ge [sflag:s4], $0x0  }
0x19: {  	s7 =	sld [smem:$0x3F98]  }
0x1a: {  	s8 =	sadd.s32 $0xFFFFE003, lr  }
0x1b: {  	s9 =	sadd.s32 $0xFFFFFEF7, lr;
	s5 =	simm.s32 $0xFFFFFFFF;
	p2 =	slt.u32 s8, $0xFFFFF086  }
0x1c: {  	p1 =	slt.u32 s9, $0xF7A;
	s5 =	simm.s32 @!p2 $0x0  }
0x1d: {  	s5 =	simm.s32 @p1 $0x1;
	p0 =	seq.s32 s7, s2  }
0x1e: {  	s7 =	smul.u32 @!p0 $0xF7A, s2;
	p2 =	seq.s32 @!p0 s5, $0x0  }
0x1f: {  	s9 =	smul.u32 $0xF7A, s1;
	s8 =	simm.s32 @!p0 $0x1BF5;
	p2 =	por !p2, p0  }
0x20: {  	[sflag:s8] =	ssyncset.s32 @!p0 $0xFFFFF086;
	s6 =	sadd.s32 @!p0 s3, s7;
	s7 =	simm.s32 @!p0 $0x108  }
0x21: {  	s3 =	sadd.s32 s3, s9;
	s6 =	sadd.s32 @!p0 $0x88, s6;
	s7 =	simm.s32 @p2 $0x1082  }
0x22: {  	[simem:s7], [sflag:s8] =	dma.local @!p0 [hbm:s6], $0xF7A  }
0x23: {  	s9 =	sor.u32 $0xD0000000, s2;
	s6 =	simm.s32 $0x108;
	_ =	swait.ge @!p0 [sflag:s8], $0x0  }
0x24: {  	s3 =	sadd.s32 $0x88, s3;
	s6 =	simm.s32 @!p1 $0x1082;
	[sflag:s4] =	ssyncset.s32 $0xFFFFF086  }
0x25: {  	[simem:s6], [sflag:s4] =	dma.local [hbm:s3], $0xF7A  }
0x26: {  	[smem:$0x3F98] =	sst s1;
	(tag) =	ssettag s2;
	_ =	strace s9  }
0x27: {  	s1 =	sld [smem:$0x3FA8]  }
0x28: {  	s2 =	sld [smem:$0x3FA9]  }
0x29: {  	s4 =	sld [smem:$0x3FAB]  }
0x2a: {  	p0 =	seq.s32 s5, $0x0;
	s5 =	sld [smem:$0x3FAC]  }
0x2b: {  	s6 =	sld [smem:$0x3FAD]  }
0x2c: {  	s7 =	sld [smem:$0x3FAE]  }
0x2d: {  	s3 =	simm.s32 $0x108;
	s8 =	sld [smem:$0x3FAF]  }
0x2e: {  	s3 =	simm.s32 @!p0 $0x1082;
	s9 =	sld [smem:$0x3FB0]  }
0x2f: {  	lr =	sadd.s32 s0, s3;
	s0 =	sld [smem:$0x3FA7]  }
0x30: {  	s3 =	sld [smem:$0x3FAA]  }
0x31: {  	[smem:$0x3FB3] =	sst s10  }
0x32: {  	s10 =	sld [smem:$0x3FB1];
	_ =	sdelay $0x3  }
0x33: {  	p0 =	seq.s32 s10, $0x1;
	s10 =	sld [smem:$0x3FB3];
	_ =	sdelay $0x3  }
0x34: {  	[smem:$0x3FB3] =	sst s10  }
0x35: {  	s10 =	sld [smem:$0x3FB2];
	_ =	sdelay $0x3  }
0x36: {  	p1 =	seq.s32 s10, $0x1;
	s10 =	sld [smem:$0x3FB3];
	_ =	sdelay $0x3  }
0x37: {  	[smem:$0x3FB3] =	sst s10  }
0x38: {  	s10 =	sld [smem:$0x3FB4]  }
0x39: {  	_ = 	snop;
	(pc) =	sbr.ind lr, $3  }
0x3a: {  	_ = 	snop  }
0x3b: {  	_ = 	snop  }
0x3c: {  	p2 =	seq.s32 s10, $0x1;
	s10 =	sld [smem:$0x3FB3]  }
0x3d: {  	_ =	shalt  }
0x3e: {  	_ =	shalt  }
0x3f: {  	_ =	shalt  }
0x40: {  	_ =	shalt  }
0x41: {  	_ =	shalt  }
0x42: {  	_ =	shalt  }
0x43: {  	_ =	shalt  }
0x44: {  	_ =	shalt  }
0x45: {  	_ =	shalt  }
0x46: {  	_ =	shalt  }
0x47: {  	_ =	shalt  }
0x48: {  	_ =	shalt  }
0x49: {  	_ =	shalt  }
0x4a: {  	_ =	shalt  }
0x4b: {  	_ =	shalt  }
0x4c: {  	_ =	shalt  }
0x4d: {  	_ =	shalt  }
0x4e: {  	_ =	shalt  }
0x4f: {  	_ =	shalt  }
0x50: {  	_ =	shalt  }
0x51: {  	_ =	shalt  }
0x52: {  	_ =	shalt  }
0x53: {  	_ =	shalt  }
0x54: {  	_ =	shalt  }
0x55: {  	_ =	shalt  }
0x56: {  	_ =	shalt  }
0x57: {  	_ =	shalt  }
0x58: {  	_ =	shalt  }
0x59: {  	_ =	shalt  }
0x5a: {  	_ =	shalt  }
0x5b: {  	_ =	shalt  }
0x5c: {  	_ =	shalt  }
0x5d: {  	_ =	shalt  }
0x5e: {  	_ =	shalt  }
0x5f: {  	_ =	shalt  }
0x60: {  	_ =	shalt  }
0x61: {  	_ =	shalt  }
0x62: {  	_ =	shalt  }
0x63: {  	_ =	shalt  }
0x64: {  	_ =	shalt  }
0x65: {  	_ =	shalt  }
0x66: {  	_ =	shalt  }
0x67: {  	_ =	shalt  }
0x68: {  	_ =	shalt  }
0x69: {  	_ =	shalt  }
0x6a: {  	_ =	shalt  }
0x6b: {  	_ =	shalt  }
0x6c: {  	_ =	shalt  }
0x6d: {  	_ =	shalt  }
0x6e: {  	_ =	shalt  }
0x6f: {  	_ =	shalt  }
0x70: {  	_ =	shalt  }
0x71: {  	_ =	shalt  }
0x72: {  	_ =	shalt  }
0x73: {  	_ =	shalt  }
0x74: {  	_ =	shalt  }
0x75: {  	_ =	shalt  }
0x76: {  	_ =	shalt  }
0x77: {  	_ =	shalt  }
0x78: {  	_ =	shalt  }
0x79: {  	_ =	shalt  }
0x7a: {  	_ =	shalt  }
0x7b: {  	_ =	shalt  }
0x7c: {  	_ =	shalt  }
0x7d: {  	_ =	shalt  }
0x7e: {  	_ =	shalt  }
0x7f: {  	_ =	shalt  }
0x80: {  	_ =	shalt  }
0x81: {  	_ =	shalt  }
0x82: {  	_ =	shalt  }
0x83: {  	_ =	shalt  }
0x84: {  	_ =	shalt  }
0x85: {  	_ =	shalt  }
0x86: {  	_ =	shalt  }
0x87: {  	_ =	shalt  }
.Lfunc_end0:
.L_simem_size_0:
called_computation.2_lowered:
.L_overlay_start_0:
0x88: {  	s2 =	sld [smem:$0x3FD9]  }
0x89: {  	s3 =	sld [smem:$0x3FFE];
	_ =	sdelay $0x1  }
0x8a: {  	s1 =	srdreg.scid  }
0x8b: {  	s0 =	sand.u32 $0x1, s1  }
0x8c: {  	s16 =	sshll.u32 s0, $0xA;
	s2 =	sadd.s32 s3, s2  }
0x8d: {  	s2 =	sadd.s32 s2, s16  }
0x8e: {  	[smem:$0x3FBF] =	sst s2  }
0x8f: {  	_ = 	snop  }
0x90: {  	(tm) =	ssettm $0x1  }
0x91: {  	s17 =	sld [smem:$0x3FFB];
	_ =	sdelay $0x3  }
0x92: {  	_ =	strace s17  }
0x93: {  	s2 =	sld [smem:$0x3FFC];
	_ =	sdelay $0x3  }
0x94: {  	_ =	strace s2  }
0x95: {  	s2 =	sld [smem:$0x3FFD];
	_ =	sdelay $0x3  }
0x96: {  	_ =	strace s2  }
0x97: {  	_ =	strace $0x8FFFFFFF  }
0x98: {  	s18 =	sld [smem:$0x3FDB];
	_ =	sdelay $0x1  }
0x99: {  	s19 =	simm.s32 $_scs_section_size  }
0x9a: {  	s4 =	simm.s32 $_size__tile_overlayer_lowered;
	s5 =	simm.s32 $_tile_overlayer_lowered  }
0x9b: {  	s22 =	simm.s32 $0x1BFF;
	s21 =	sshll.u32 s5, $0x1;
	s2 =	sadd.s32 s19, s18  }
0x9c: {  	s6 =	simm.s32 $0x0;
	s20 =	sshll.u32 s4, $0x1;
	s4 =	sadd.s32 s21, s2  }
0x9d: {  	[timem:s6], [sflag:s22] =	dma.local [hbm:s4], s20  }
0x9e: {  	_ =	swait.ge [sflag:s22], s20  }
0x9f: {  	s3 =	ssub.s32 $0x0, s20;
	[sflag:s22] =	ssyncset.done $0x0  }
0xa0: {  	[sflag:s22] =	ssyncadd.s32 s3;
	_ =	sdelay $0x1  }
0xa1: {  	s23 =	simm.s32 $0x1B8B  }
0xa2: {  	_ =	swait.ge [sflag:s23], $0x1  }
0xa3: {  	[sflag:s23] =	ssyncset.done $0x0  }
0xa4: {  	s25 =	simm.s32 $0x1B8E;
	s24 =	sld [smem:$0x3FFE];
	[sflag:s23] =	ssyncadd.s32 $0xFFFFFFFF  }
0xa5: {  	s26 =	simm.s32 $execute0_lowered;
	[smem:$0x3FD2] =	sst s25  }
0xa6: {  	s4 =	sshll.u32 s26, $0x1;
	_ =	strace $0x8000004C;
	[dreg:$0x1] =	wrdreg $0xFFFFFFFF  }
0xa7: {  	s28 =	simm.s32 $_size_execute0_lowered;
	s2 =	sadd.s32 s2, s4;
	[dreg:$0x0] =	wrdreg $0x0  }
0xa8: {  	s4 =	sshll.u32 s28, $0x1;
	[dreg:$0x2] =	wrdreg s2  }
0xa9: {  	[dreg:$0x3] =	wrdreg s4  }
0xaa: {  	[dreg:$0x4] =	wrdreg $0xC0  }
0xab: {  	_ =	task [dreg:s6], $0x5FFFF  }
0xac: {  	[dreg:$0x1] =	wrdreg $0xFFFFFFFF  }
0xad: {  	[dreg:$0x0] =	wrdreg $0x60  }
0xae: {  	[dreg:$0x2] =	wrdreg s24  }
0xaf: {  	[dreg:$0x3] =	wrdreg $0xB0000  }
0xb0: {  	[dreg:$0x4] =	wrdreg $0x9  }
0xb1: {  	_ =	task.clear_ibuf [dreg:s6], $0x5FFFF;
	_ =	strace $0x9000004C  }
0xb2: {  	s29 =	simm.s32 $0x9;
	_ =	strace $0x8000004E  }
0xb3: {  	_ =	swait.ge [sflag:s29], $0x1  }
0xb4: {  	[sflag:s29] =	ssyncadd.s32 $0xFFFFFFFF  }
0xb5: {  	_ =	strace $0x9000004E  }
0xb6: {  	_ =	sfence  }
0xb7: {  	s30 =	sld [smem:$0x0];
	_ =	sdelay $0x2  }
0xb8: {  	s31 =	sshll.u32 s1, $0xD;
	s1 =	sshrl.u32 s1, $0x2  }
0xb9: {  	s3 =	sand.u32 $0x4000, s31;
	s1 =	sadd.s32 s1, s30  }
0xba: {  	s0 =	sor.u32 s3, s0;
	s1 =	sshll.u32 s1, $0x11  }
0xbb: {  	s0 =	sor.u32 s1, s0  }
0xbc: {  	s0 =	sadd.s32 $0x8F2B, s0  }
0xbd: {  	[sflag:s0] =	ssyncadd.remote.s32 $0x1  }
0xbe: {  	_ =	sfence.sel $0xFFFF  }
0xbf: {  	[dreg:$0x0] =	wrdreg $0xFFFFFFFF;
	(pc) =	sbr.abs _section_cstart, $3  }
0xc0: {  	[dreg:$0x1] =	wrdreg $0xFFFFFFFF  }
0xc1: {  	_ =	task.clear_ibuf [dreg:s6], $0x2FFFF;
	_ =	strace $0x9FFFFFFF  }
0xc2: {  	(tm) =	ssettm $0x7FFFFFFF  }
0xc3: {  	_ =	shalt  }
tec
execute0_lowered:
.L_overlay_start_1:
0x0: {  	(tag) =	ssettag $0x1  }
0x1: {  	s0 =	rddreg [dreg:$0x0]  }
0x2: {  	s2 =	rddreg [dreg:$0x1];
	s3 =	simm.s32 $0x0  }
0x3: {  	s12 =	stileid.u32;
	s6 =	srdreg.scid;
	s13 =	simm.s32 $0x5  }
0x4: {  	s17 =	simm.s32 $0x7D;
	s18 =	simm.s32 $0x3000;
	s31 =	simm.s32 $0xC00  }
0x5: {  	s19 =	simm.s32 $0x7000;
	s20 =	simm.s32 $0x1;
	s21 =	simm.s32 $0x6  }
0x6: {  	[smem:$0x7FF] =	sst s3;
	s1 =	smul.u32 $0x13C00, s12;
	s4 =	sadd.s32 $0x8FC00, s0  }
0x7: {  	s5 =	sadd.s32 $0x83C00, s0;
	s7 =	sand.u32 $0x1, s6;
	s10 =	sshll.u32 s12, $0x1  }
0x8: {  	s6 =	sadd.s32 $0x3400, s0;
	s11 =	smul.u32 $0x4F000, s12;
	s30 =	sshll.u32 s12, $0x6  }
0x9: {  	_ =	strace $0x8000004D;
	s9 =	smul.u32 $0x13C000, s7;
	s10 =	sor.u32 s7, s10  }
0xa: {  	s22 =	ssub.s32 $0x2, s7;
	s15 =	sor.u32 $0x1C05, s30;
	[dreg:$0x3] =	wrdreg s31  }
0xb: {  	s8 =	sshrl.u32 s1, $0x3;
	s7 =	smul.u32 $0x3000, s10;
	s23 =	sshrl.u32 s22, $0x1  }
0xc: {  	s28 =	sshrl.u32 s11, $0x2;
	s8 =	sadd.s32 s8, s0;
	s1 =	sadd.s32 s1, s9  }
0xd: {  	s24 =	ssub.s32 s22, s23;
	s22 =	simm.s32 $0x2;
	s8 =	sadd.s32 $0x51800, s8  }
0xe: {  	s25 =	sshrl.u32 s7, $0x3;
	s29 =	smax.u32 s24, $0x1;
	[dreg:$0x6] =	wrdreg s8  }
0xf: {  	s1 =	sshrl.u32 s1, $0x3;
	s26 =	sadd.s32 s4, s25;
	[dreg:$0x8] =	wrdreg s29  }
0x10: {  	s0 =	sadd.s32 s1, s0;
	s9 =	sadd.s32 s5, s25;
	[dreg:$0x4] =	wrdreg s26  }
0x11: {  	[dreg:$0x5] =	wrdreg s9;
	s9 =	sadd.s32 s28, s2;
	s0 =	sadd.s32 $0x9BC00, s0  }
0x12: {  	s23 =	simm.s32 $0x0;
	[dreg:$0x7] =	wrdreg s0;
	s16 =	sshrl.u32 s9, $0x3  }
.LBB2_1:
0x13: {  	s0 =	rddreg [dreg:$0x4];
	s1 =	simm.s32 $0x1800;
	s24 =	simm.s32 $0x0  }
0x14: {  	s8 =	sand.u32 $0xFF, s3;
	s9 =	simm.s32 $0x2;
	p2 =	por $0x0, $0x0  }
0x15: {  	[tilespmem:s3], [sflag:$0x5] =	stream.linear.gather [hbm4b:s0+s3], $0xA00, $0x38;
	[tilespmem:$0x1EC00] =	vst v63  }
0x16: {  	p0 =	por $0x0, $0x0;
	s25 =	sand.u32 $0xFE, s24;
	s8 =	smul.u32 $0xCD, s8  }
0x17: {  	s0 =	sor.u32 $0x1, s24;
	s9 =	sand.u32 $0xFF, s9;
	_ =	swait.ge [sflag:s13], $0xA00  }
0x18: {  	s10 =	sand.u32 $0xFF, s0;
	s9 =	smul.u32 $0xCD, s9;
	[sflag:s13] =	ssyncset.done $0x0  }
0x19: {  	s12 =	rddreg [dreg:$0x5];
	s10 =	smul.u32 $0xCD, s10;
	[sflag:s13] =	ssyncadd.s32 $0xFFFFF600  }
0x1a: {  	[tilespmem:s1], [sflag:$0x5] =	stream.linear.gather [hbm4b:s12+s3], $0xA00, $0x38;
	[tilespmem:$0x1EC00] =	vst v63  }
0x1b: {  	s30 =	simm.s32 $0x4;
	s9 =	sshrl.u32 s9, $0xC;
	s1 =	smul.u32 $0xCD, s25  }
0x1c: {  	s24 =	simm.s32 $0x1;
	s10 =	sshrl.u32 s10, $0xC;
	s26 =	smul.u32 $0x14, s9  }
0x1d: {  	s8 =	sshrl.u32 s8, $0xB;
	_ =	swait.ge [sflag:s13], $0xA00;
	s10 =	smul.u32 $0x14, s10  }
0x1e: {  	[sflag:s13] =	ssyncset.done $0x0;
	s14 =	rddreg [dreg:$0x6];
	s1 =	sshrl.u32 s1, $0xC  }
0x1f: {  	[sflag:s13] =	ssyncadd.s32 $0xFFFFF600;
	s1 =	smul.u32 $0x14, s1;
	s0 =	ssub.s32 s0, s10  }
0x20: {  	[spmem:s16], [sflag:s15] =	dma.local [hbm:s14], $0x2780  }
0x21: {  	s9 =	sand.u32 @!p0 $0x1, s9;
	s14 =	simm.s32 @!p0 $0xC00;
	s0 =	sand.u32 $0xFF, s0  }
0x22: {  	_ =	swait.ge [sflag:s13], $0x2780;
	s1 =	ssub.s32 $0x0, s1;
	s0 =	sshll.u32 s0, $0x9  }
0x23: {  	[sflag:s13] =	ssyncset.done $0x0;
	s11 =	sand.u32 @!p2 $0xFF, s1;
	s12 =	sand.u32 $0xFE, s1  }
0x24: {  	s1 =	simm.s32 $0x2;
	[sflag:s13] =	ssyncadd.s32 $0xFFFFD880;
	p3 =	sne.s32 @!p2 s11, $0x0  }
0x25: {  	s0 =	sshrl.u32 s0, $0x2;
	[bflag:$0x0] =	sbarrier.arrive $0xFFFF;
	p1 =	por p3, p2  }
0x26: {  	[tilespmem:s18], [sflag:$0x1] =	stream.indirect.gather [hbm4b:s6+s17], $0x80, s3, s17, $0xb8;
	[tilespmem:$0x1EC00] =	vst v63  }
0x27: {  	s11 =	ssub.s32 $0x2, s26;
	s29 =	sor.u32 $0x1, s1;
	s25 =	sadd.s32 @!p1 $0x1, s8  }
0x28: {  	s8 =	sand.u32 $0x1, s8;
	s26 =	simm.s32 @!p1 $0x0;
	s10 =	sand.u32 @!p1 $0x1, s25  }
0x29: {  	s28 =	simm.s32 @!p1 $0xC00;
	p4 =	seq.s32 @!p1 s10, $0x1;
	s10 =	smul.u32 @!p1 $0xC00, s25  }
0x2a: {  	s25 =	sand.u32 $0xFF, s11;
	s11 =	sand.u32 @!p0 $0xFF, s11;
	p3 =	por @!p2 !p4, p3  }
0x2b: {  	p4 =	seq.s32 @!p0 s9, $0x1;
	s10 =	sadd.s32 @!p1 s7, s10;
	p2 =	por !p3, p2  }
0x2c: {  	p3 =	sne.s32 @!p0 s11, $0x0;
	s10 =	sshrl.u32 @!p1 s10, $0x3;
	s28 =	simm.s32 @!p2 $0x0  }
0x2d: {  	p2 =	por p3, p0;
	p3 =	por !p4, p0;
	s11 =	sadd.s32 @!p1 s4, s10  }
0x2e: {  	[tilespmem:s28], [sflag:$0x3] =	stream.linear.gather @!p1 [hbm4b:s11+s26], $0xA00, $0x38;
	[tilespmem:$0x1EC00] =	vst v63  }
0x2f: {  	s10 =	sadd.s32 @!p1 s5, s10;
	s9 =	sadd.s32 @!p1 $0x1800, s28;
	s11 =	simm.s32 @!p2 $0x3  }
0x30: {  	[tilespmem:s9], [sflag:$0x4] =	stream.linear.gather @!p1 [hbm4b:s10+s26], $0xA00, $0x38;
	[tilespmem:$0x1EC00] =	vst v63  }
0x31: {  	s14 =	simm.s32 @p3 $0x0;
	s9 =	sshll.u32 @!p0 s25, $0x7;
	_ =	swait.ge @!p2 [sflag:s11], $0xA00  }
0x32: {  	s25 =	simm.s32 $0x2;
	p1 =	seq.s32 s8, $0x1;
	[sflag:s11] =	ssyncset.done @!p2 $0x0  }
0x33: {  	s26 =	sadd.s32 @!p0 s9, s14;
	s9 =	simm.s32 @!p2 $0x4;
	[sflag:s11] =	ssyncadd.s32 @!p2 $0xFFFFF600  }
0x34: {  	p0 =	por p0, p0;
	s14 =	sand.u32 $0xFF, s24;
	_ =	swait.ge @!p2 [sflag:s9], $0xA00  }
0x35: {  	s31 =	simm.s32 @!p0 $0x7D;
	[sflag:s9] =	ssyncset.done @!p2 $0x0;
	s8 =	rddreg [dreg:$0x3]  }
0x36: {  	[sflag:s9] =	ssyncadd.s32 @!p2 $0xFFFFF600;
	s9 =	smul.u32 $0xCD, s14;
	s8 =	simm.s32 @!p1 $0x0  }
0x37: {  	s11 =	sshll.u32 s12, $0x7;
	s12 =	sand.u32 $0xFE, s1;
	s14 =	sadd.s32 s0, s8  }
0x38: {  	s8 =	sadd.s32 $0x1800, s8;
	s28 =	sshrl.u32 s9, $0xB;
	s9 =	smul.u32 $0xCD, s12  }
0x39: {  	[tilespmem:s19], [sflag:$0x2] =	stream.indirect.gather [hbm4b:s6+s17], $0x80, s14, s17, $0xb8;
	[tilespmem:$0x1EC00] =	vst v63  }
0x3a: {  	p2 =	por $0x0, $0x0;
	s12 =	sand.u32 $0xFF, s29;
	s11 =	sadd.s32 s11, s8  }
0x3b: {  	s14 =	smul.u32 $0xCD, s12;
	_ =	swait.ge [sflag:s20], $0x3E80;
	s12 =	sshrl.u32 s9, $0xC  }
0x3c: {  	s9 =	sand.u32 $0xFF, s30;
	[sflag:s20] =	ssyncset.done $0x0;
	s10 =	smul.u32 $0x14, s12  }
.LBB2_2:
0x3d: {  	p1 =	seq.s32 s24, $0x27  }
0x3e: {  	[sflag:s20] =	ssyncadd.s32 $0xFFFFC180;
	s24 =	smov.u32 s25;
	s9 =	smul.u32 $0xCD, s9  }
0x3f: {  	s8 =	sadd.s32 s0, s8;
	s25 =	sadd.s32 $0x1, s25;
	s1 =	ssub.s32 s1, s10  }
0x40: {  	[spmem:s2] =	stream.indirect.scatter.add.f32 [tilespmem:s18], [sflag:$0x6], $0x80, s11, s17, $0xb8;
	[tilespmem:$0x1EC00] =	vst v63  }
0x41: {  	s12 =	sshrl.u32 s14, $0xC;
	s14 =	simm.s32 @!p1 $0xC00;
	s0 =	sand.u32 @!p2 $0xFF, s1  }
0x42: {  	s9 =	sshrl.u32 s9, $0xC;
	s12 =	smul.u32 $0x14, s12;
	_ =	swait.ge [sflag:s21], $0x3E80  }
0x43: {  	p4 =	sne.s32 @!p2 s0, $0x0;
	s10 =	sand.u32 @!p1 $0x1, s9;
	s9 =	smul.u32 $0x14, s9  }
0x44: {  	[sflag:s21] =	ssyncset.done $0x0;
	s0 =	sand.u32 $0x1, s28;
	p3 =	por p4, p2  }
0x45: {  	s12 =	ssub.s32 s29, s12;
	[sflag:s21] =	ssyncadd.s32 $0xFFFFC180;
	s11 =	sadd.s32 @!p3 $0x1, s28  }
0x46: {  	s9 =	ssub.s32 s30, s9;
	s12 =	sand.u32 $0xFF, s12;
	s30 =	simm.s32 @!p3 $0x0  }
0x47: {  	s29 =	sand.u32 @!p3 $0x1, s11;
	s28 =	sand.u32 $0xFF, s9;
	s9 =	sand.u32 @!p1 $0xFF, s9  }
0x48: {  	s11 =	smul.u32 @!p3 $0xC00, s11;
	p6 =	seq.s32 @!p3 s29, $0x1;
	s29 =	simm.s32 @!p0 $0x3000  }
0x49: {  	[tilespmem:s29], [sflag:$0x1] =	stream.indirect.gather @!p0 [hbm4b:s6+s31], $0x80, s26, s31, $0xb8;
	[tilespmem:$0x1EC00] =	vst v63  }
0x4a: {  	p5 =	sne.s32 @!p1 s9, $0x0;
	s9 =	sadd.s32 @!p3 s7, s11;
	p0 =	por @!p2 !p6, p4  }
0x4b: {  	s11 =	simm.s32 @!p3 $0xC00;
	_ =	swait.ge [sflag:s22], $0x3E80;
	p0 =	por !p0, p2  }
0x4c: {  	s9 =	sshrl.u32 @!p3 s9, $0x3;
	p2 =	por p5, p1;
	[sflag:s22] =	ssyncset.done $0x0  }
0x4d: {  	s26 =	sadd.s32 @!p3 s4, s9;
	s11 =	simm.s32 @!p0 $0x0;
	p0 =	seq.s32 @!p1 s10, $0x1  }
0x4e: {  	[sflag:s22] =	ssyncadd.s32 $0xFFFFC180;
	p0 =	por !p0, p1;
	s10 =	sadd.s32 @!p3 $0x1800, s11  }
0x4f: {  	[spmem:s2] =	stream.indirect.scatter.add.f32 [tilespmem:s19], [sflag:$0x5], $0x80, s8, s17, $0xb8;
	[tilespmem:$0x1EC00] =	vst v63  }
0x50: {  	s8 =	sadd.s32 @!p3 s5, s9;
	s9 =	sshll.u32 @!p1 s28, $0x7;
	_ =	swait.ge [sflag:s13], $0x3E80  }
0x51: {  	s14 =	simm.s32 @p0 $0x0;
	s28 =	sand.u32 $0xFE, s1;
	[sflag:s13] =	ssyncset.done $0x0  }
0x52: {  	p0 =	por p1, p1;
	s1 =	sshll.u32 s24, $0x1;
	[sflag:s13] =	ssyncadd.s32 $0xFFFFC180  }
0x53: {  	[tilespmem:s11], [sflag:$0x3] =	stream.linear.gather @!p3 [hbm4b:s26+s30], $0xA00, $0x38;
	[tilespmem:$0x1EC00] =	vst v63  }
0x54: {  	s31 =	simm.s32 @!p0 $0x7D;
	s29 =	sor.u32 $0x1, s1;
	s11 =	simm.s32 @!p2 $0x3  }
0x55: {  	s26 =	sadd.s32 @!p1 s9, s14;
	p1 =	seq.s32 s0, $0x1;
	s14 =	sand.u32 $0xFE, s1  }
0x56: {  	[tilespmem:s10], [sflag:$0x4] =	stream.linear.gather @!p3 [hbm4b:s8+s30], $0xA00, $0x38;
	[tilespmem:$0x1EC00] =	vst v63  }
0x57: {  	s9 =	smul.u32 $0xCD, s14;
	s14 =	sand.u32 $0xFF, s29;
	_ =	swait.ge @!p2 [sflag:s11], $0xA00  }
0x58: {  	p3 =	sne.s32 s25, $0x28;
	s8 =	simm.s32 @!p2 $0x4;
	[sflag:s11] =	ssyncset.done @!p2 $0x0  }
0x59: {  	s30 =	sadd.s32 $0x2, s1;
	s14 =	smul.u32 $0xCD, s14;
	[sflag:s11] =	ssyncadd.s32 @!p2 $0xFFFFF600  }
0x5a: {  	s11 =	sshll.u32 s12, $0x9;
	s12 =	sand.u32 $0xFF, s24;
	_ =	swait.ge @!p2 [sflag:s8], $0xA00  }
0x5b: {  	s0 =	sshrl.u32 s11, $0x2;
	[sflag:s8] =	ssyncset.done @!p2 $0x0;
	s10 =	rddreg [dreg:$0x3]  }
0x5c: {  	[sflag:s8] =	ssyncadd.s32 @!p2 $0xFFFFF600;
	s8 =	smul.u32 $0xCD, s12;
	s10 =	simm.s32 @!p1 $0x0  }
.Ltmp0:
0x5d: {  	s11 =	sshll.u32 s28, $0x7;
	s12 =	sadd.s32 s0, s10;
	(pc) =	sbr.rel @p3 .LBB2_2-.Ltmp0, $4  }
0x5e: {  	[tilespmem:s19], [sflag:$0x2] =	stream.indirect.gather [hbm4b:s6+s17], $0x80, s12, s17, $0xb8;
	[tilespmem:$0x1EC00] =	vst v63  }
0x5f: {  	p2 =	sgt.u32 s24, $0x1D;
	s28 =	sshrl.u32 s8, $0xB;
	s8 =	sadd.s32 $0x1800, s10  }
0x60: {  	s12 =	sshrl.u32 s9, $0xC;
	s9 =	sand.u32 $0xFF, s30;
	_ =	swait.ge [sflag:s20], $0x3E80  }
0x61: {  	s10 =	smul.u32 $0x14, s12;
	s11 =	sadd.s32 s11, s8;
	[sflag:s20] =	ssyncset.done $0x0  }
0x62: {  	[sflag:s20] =	ssyncadd.s32 $0xFFFFC180  }
0x63: {  	[spmem:s2] =	stream.indirect.scatter.add.f32 [tilespmem:s18], [sflag:$0x6], $0x80, s11, s17, $0xb8;
	[tilespmem:$0x1EC00] =	vst v63  }
0x64: {  	s1 =	ssub.s32 s1, s10;
	_ =	swait.ge [sflag:s21], $0x3E80  }
0x65: {  	s10 =	sand.u32 @!p2 $0xFF, s1;
	[sflag:s21] =	ssyncset.done $0x0  }
0x66: {  	s11 =	simm.s32 @!p0 $0x3000;
	p1 =	sne.s32 @!p2 s10, $0x0;
	[sflag:s21] =	ssyncadd.s32 $0xFFFFC180  }
0x67: {  	[tilespmem:s11], [sflag:$0x1] =	stream.indirect.gather @!p0 [hbm4b:s6+s31], $0x80, s26, s31, $0xb8;
	[tilespmem:$0x1EC00] =	vst v63  }
0x68: {  	s9 =	smul.u32 $0xCD, s9;
	p0 =	por p1, p2  }
0x69: {  	s0 =	sadd.s32 s0, s8;
	s8 =	sadd.s32 @!p0 $0x1, s28  }
0x6a: {  	s9 =	sshrl.u32 s9, $0xC;
	_ =	swait.ge [sflag:s22], $0x3E80;
	s10 =	sand.u32 @!p0 $0x1, s8  }
0x6b: {  	s8 =	smul.u32 @!p0 $0xC00, s8;
	[sflag:s22] =	ssyncset.done $0x0;
	p3 =	seq.s32 @!p0 s10, $0x1  }
0x6c: {  	s10 =	simm.s32 @!p0 $0x0;
	[sflag:s22] =	ssyncadd.s32 $0xFFFFC180;
	p1 =	por @!p2 !p3, p1  }
0x6d: {  	[spmem:s2] =	stream.indirect.scatter.add.f32 [tilespmem:s19], [sflag:$0x5], $0x80, s0, s17, $0xb8;
	[tilespmem:$0x1EC00] =	vst v63  }
0x6e: {  	s0 =	sadd.s32 @!p0 s7, s8;
	s8 =	simm.s32 @!p0 $0xC00;
	_ =	swait.ge [sflag:s13], $0x3E80  }
0x6f: {  	p1 =	por !p1, p2;
	s0 =	sshrl.u32 @!p0 s0, $0x3;
	[sflag:s13] =	ssyncset.done $0x0  }
0x70: {  	s11 =	sadd.s32 @!p0 s4, s0;
	s8 =	simm.s32 @!p1 $0x0;
	[sflag:s13] =	ssyncadd.s32 $0xFFFFC180  }
0x71: {  	[tilespmem:s8], [sflag:$0x3] =	stream.linear.gather @!p0 [hbm4b:s11+s10], $0xA00, $0x38;
	[tilespmem:$0x1EC00] =	vst v63  }
0x72: {  	s12 =	smul.u32 $0x14, s9;
	s0 =	sadd.s32 @!p0 s5, s0;
	s8 =	sadd.s32 @!p0 $0x1800, s8  }
0x73: {  	[tilespmem:s8], [sflag:$0x4] =	stream.linear.gather @!p0 [hbm4b:s0+s10], $0xA00, $0x38;
	[tilespmem:$0x1EC00] =	vst v63  }
0x74: {  	p0 =	seq.s32 s24, $0x27;
	s0 =	ssub.s32 s30, s12  }
0x75: {  	s8 =	sand.u32 @!p0 $0xFF, s0  }
0x76: {  	p1 =	sne.s32 @!p0 s8, $0x0  }
0x77: {  	p1 =	por p1, p0  }
0x78: {  	s25 =	sshrl.u32 s14, $0xC;
	s8 =	simm.s32 @!p1 $0x3  }
0x79: {  	s1 =	sand.u32 $0xFE, s1;
	s10 =	smul.u32 $0x14, s25;
	_ =	swait.ge @!p1 [sflag:s8], $0xA00  }
0x7a: {  	s1 =	sshll.u32 s1, $0x7;
	[sflag:s8] =	ssyncset.done @!p1 $0x0  }
0x7b: {  	s10 =	ssub.s32 s29, s10;
	[sflag:s8] =	ssyncadd.s32 @!p1 $0xFFFFF600;
	s8 =	simm.s32 @!p1 $0x4  }
0x7c: {  	s12 =	sand.u32 $0x1, s28;
	s10 =	sand.u32 $0xFF, s10;
	_ =	swait.ge @!p1 [sflag:s8], $0xA00  }
0x7d: {  	p2 =	seq.s32 s12, $0x1;
	s10 =	sshll.u32 s10, $0x9;
	s11 =	rddreg [dreg:$0x3]  }
0x7e: {  	s10 =	sshrl.u32 s10, $0x2;
	[sflag:s8] =	ssyncset.done @!p1 $0x0;
	s11 =	simm.s32 @!p2 $0x0  }
0x7f: {  	[sflag:s8] =	ssyncadd.s32 @!p1 $0xFFFFF600;
	s8 =	sand.u32 @!p0 $0x1, s9;
	s26 =	sadd.s32 s10, s11  }
0x80: {  	[tilespmem:s19], [sflag:$0x2] =	stream.indirect.gather [hbm4b:s6+s17], $0x80, s26, s17, $0xb8;
	[tilespmem:$0x1EC00] =	vst v63  }
0x81: {  	s0 =	sand.u32 $0xFF, s0;
	p1 =	seq.s32 @!p0 s8, $0x1;
	_ =	swait.ge [sflag:s20], $0x3E80  }
0x82: {  	s8 =	simm.s32 @!p0 $0xC00;
	s28 =	sadd.s32 $0x1800, s11;
	[sflag:s20] =	ssyncset.done $0x0  }
0x83: {  	p1 =	por !p1, p0;
	s1 =	sadd.s32 s1, s28;
	[sflag:s20] =	ssyncadd.s32 $0xFFFFC180  }
0x84: {  	[spmem:s2] =	stream.indirect.scatter.add.f32 [tilespmem:s18], [sflag:$0x6], $0x80, s1, s17, $0xb8;
	[tilespmem:$0x1EC00] =	vst v63  }
0x85: {  	s0 =	sshll.u32 @!p0 s0, $0x7;
	s8 =	simm.s32 @p1 $0x0;
	_ =	swait.ge [sflag:s21], $0x3E80  }
0x86: {  	s0 =	sadd.s32 @!p0 s0, s8;
	p0 =	por p0, p0;
	[sflag:s21] =	ssyncset.done $0x0  }
0x87: {  	s8 =	simm.s32 @!p0 $0x3000;
	s1 =	simm.s32 @!p0 $0x7D;
	[sflag:s21] =	ssyncadd.s32 $0xFFFFC180  }
0x88: {  	[tilespmem:s8], [sflag:$0x1] =	stream.indirect.gather @!p0 [hbm4b:s6+s1], $0x80, s0, s1, $0xb8;
	[tilespmem:$0x1EC00] =	vst v63  }
0x89: {  	_ =	swait.ge [sflag:s22], $0x3E80  }
0x8a: {  	[sflag:s22] =	ssyncset.done $0x0  }
0x8b: {  	s29 =	sadd.s32 s10, s28;
	[sflag:s22] =	ssyncadd.s32 $0xFFFFC180  }
0x8c: {  	[spmem:s2] =	stream.indirect.scatter.add.f32 [tilespmem:s19], [sflag:$0x5], $0x80, s29, s17, $0xb8;
	[tilespmem:$0x1EC00] =	vst v63  }
0x8d: {  	_ =	swait.ge [sflag:s13], $0x3E80  }
0x8e: {  	[sflag:s13] =	ssyncset.done $0x0  }
0x8f: {  	[sflag:s13] =	ssyncadd.s32 $0xFFFFC180  }
0x90: {  	[bflag:$0x0] =	sbarrier.arrive $0xFFFF  }
0x91: {  	s30 =	rddreg [dreg:$0x7]  }
0x92: {  	[hbm:s30], [sflag:s15] =	dma.local [spmem:s16], $0x2780  }
0x93: {  	_ =	swait.ge [sflag:s13], $0x2780  }
0x94: {  	s23 =	sadd.s32 $0x1, s23;
	s31 =	rddreg [dreg:$0x8]  }
0x95: {  	p0 =	sne.s32 s23, s31  }
.Ltmp1:
0x96: {  	_ = 	snop;
	(pc) =	sbr.rel @p0 .LBB2_1-.Ltmp1, $3  }
0x97: {  	_ =	sdelay $0x1  }
0x98: {  	[sflag:s13] =	ssyncset.done $0x0  }
0x99: {  	[sflag:s13] =	ssyncadd.s32 $0xFFFFD880  }
0x9a: {  	_ =	sfence.sel $0x180000  }
0x9b: {  	[bflag:$0x0] =	sbarrier.arrive $0xFFFF  }
0x9c: {  	_ =	strace $0x9000004D  }
0x9d: {  	s0 =	stileid.u32;
	[bflag:$0x2] =	sbarrier.arrive $0xFFFF  }
0x9e: {  	p0 =	sne.s32 s0, $0x0;
	s0 =	rddreg [dreg:$0x2]  }
0x9f: {  	s0 =	sadd.s32 @!p0 $0x100000, s0  }
0xa0: {  	[sflag:s0] =	ssyncadd.tile.s32 @!p0 $0x1;
	_ =	shalt  }
.Lfunc_end2:
_tile_overlayer_lowered:
.L_overlay_start_2:
0xa1: {  	(tag) =	ssettag $0x2  }
0xa2: {  	s0 =	rddreg [dreg:$0x0];
	s2 =	stileid.u32  }
0xa3: {  	s1 =	rddreg [dreg:$0x1];
	p0 =	sne.s32 s2, $0x0  }
0xa4: {  	s3 =	rddreg [dreg:$0x2];
	[bflag:$0x3] =	sbarrier.arrive $0xFFFF;
	s2 =	simm.s32 @!p0 $0x1C05  }
0xa5: {  	[timem:s3], [sflag:s2] =	dma.local @!p0 [hbm:s0], s1  }
0xa6: {  	s0 =	simm.s32 @!p0 $0x5  }
0xa7: {  	_ =	swait.ge @!p0 [sflag:s0], s1  }
0xa8: {  	s1 =	ssub.s32 @!p0 $0x0, s1;
	[sflag:s0] =	ssyncset.done @!p0 $0x0  }
0xa9: {  	[sflag:s0] =	ssyncadd.s32 @!p0 s1  }
0xaa: {  	[bflag:$0x3] =	sbarrier.arrive $0xFFFF  }
0xab: {  	_ =	shalt  }

// kernel: kernel.9.cloned.1.call-start
scs
__scs_entry_jumppad:
0x0: {  	(pc) =	sbr.rel $0x88, $3  }
0x1: {  	(tag) =	ssettag $0x0;
	lr =	simm.s32 $0x1  }
0x2: {  	[smem:$0x3F98] =	sst lr;
	_ =	strace $0xD0000000  }
0x3: {  	_ = 	snop  }
0x4: {  	_ = 	snop  }
0x5: {  	_ = 	snop  }
0x6: {  	_ = 	snop  }
0x7: {  	_ = 	snop  }
__scs_overlays_trampoline_lowered:
0x8: {  	[smem:$0x3FA7] =	sst s0  }
0x9: {  	[smem:$0x3FA8] =	sst s1  }
0xa: {  	[smem:$0x3FA9] =	sst s2  }
0xb: {  	[smem:$0x3FAA] =	sst s3  }
0xc: {  	[smem:$0x3FAB] =	sst s4  }
0xd: {  	[smem:$0x3FAC] =	sst s5  }
0xe: {  	[smem:$0x3FAD] =	sst s6  }
0xf: {  	[smem:$0x3FAE] =	sst s7  }
0x10: {  	[smem:$0x3FAF] =	sst s8  }
0x11: {  	[smem:$0x3FB0] =	sst s9;
	s0 =	simm.s32 @!p0 $0x0  }
0x12: {  	s1 =	sld [smem:$0x3F96];
	s0 =	simm.s32 @p0 $0x1  }
0x13: {  	[smem:$0x3FB1] =	sst s0;
	s0 =	simm.s32 @!p1 $0x0  }
0x14: {  	s2 =	sld [smem:$0x3F95];
	s0 =	simm.s32 @p1 $0x1  }
0x15: {  	[smem:$0x3FB2] =	sst s0;
	s0 =	simm.s32 @!p2 $0x0  }
0x16: {  	s3 =	sld [smem:$0x3FDB];
	s0 =	simm.s32 @p2 $0x1  }
0x17: {  	s4 =	simm.s32 $0x1BF5;
	[smem:$0x3FB4] =	sst s0  }
0x18: {  	s0 =	sld [smem:$0x3F97];
	_ =	swait.ge [sflag:s4], $0x0  }
0x19: {  	s7 =	sld [smem:$0x3F98]  }
0x1a: {  	s8 =	sadd.s32 $0xFFFFE003, lr  }
0x1b: {  	s9 =	sadd.s32 $0xFFFFFEF7, lr;
	s5 =	simm.s32 $0xFFFFFFFF;
	p2 =	slt.u32 s8, $0xFFFFF086  }
0x1c: {  	p1 =	slt.u32 s9, $0xF7A;
	s5 =	simm.s32 @!p2 $0x0  }
0x1d: {  	s5 =	simm.s32 @p1 $0x1;
	p0 =	seq.s32 s7, s2  }
0x1e: {  	s7 =	smul.u32 @!p0 $0xF7A, s2;
	p2 =	seq.s32 @!p0 s5, $0x0  }
0x1f: {  	s9 =	smul.u32 $0xF7A, s1;
	s8 =	simm.s32 @!p0 $0x1BF5;
	p2 =	por !p2, p0  }
0x20: {  	[sflag:s8] =	ssyncset.s32 @!p0 $0xFFFFF086;
	s6 =	sadd.s32 @!p0 s3, s7;
	s7 =	simm.s32 @!p0 $0x108  }
0x21: {  	s3 =	sadd.s32 s3, s9;
	s6 =	sadd.s32 @!p0 $0x88, s6;
	s7 =	simm.s32 @p2 $0x1082  }
0x22: {  	[simem:s7], [sflag:s8] =	dma.local @!p0 [hbm:s6], $0xF7A  }
0x23: {  	s9 =	sor.u32 $0xD0000000, s2;
	s6 =	simm.s32 $0x108;
	_ =	swait.ge @!p0 [sflag:s8], $0x0  }
0x24: {  	s3 =	sadd.s32 $0x88, s3;
	s6 =	simm.s32 @!p1 $0x1082;
	[sflag:s4] =	ssyncset.s32 $0xFFFFF086  }
0x25: {  	[simem:s6], [sflag:s4] =	dma.local [hbm:s3], $0xF7A  }
0x26: {  	[smem:$0x3F98] =	sst s1;
	(tag) =	ssettag s2;
	_ =	strace s9  }
0x27: {  	s1 =	sld [smem:$0x3FA8]  }
0x28: {  	s2 =	sld [smem:$0x3FA9]  }
0x29: {  	s4 =	sld [smem:$0x3FAB]  }
0x2a: {  	p0 =	seq.s32 s5, $0x0;
	s5 =	sld [smem:$0x3FAC]  }
0x2b: {  	s6 =	sld [smem:$0x3FAD]  }
0x2c: {  	s7 =	sld [smem:$0x3FAE]  }
0x2d: {  	s3 =	simm.s32 $0x108;
	s8 =	sld [smem:$0x3FAF]  }
0x2e: {  	s3 =	simm.s32 @!p0 $0x1082;
	s9 =	sld [smem:$0x3FB0]  }
0x2f: {  	lr =	sadd.s32 s0, s3;
	s0 =	sld [smem:$0x3FA7]  }
0x30: {  	s3 =	sld [smem:$0x3FAA]  }
0x31: {  	[smem:$0x3FB3] =	sst s10  }
0x32: {  	s10 =	sld [smem:$0x3FB1];
	_ =	sdelay $0x3  }
0x33: {  	p0 =	seq.s32 s10, $0x1;
	s10 =	sld [smem:$0x3FB3];
	_ =	sdelay $0x3  }
0x34: {  	[smem:$0x3FB3] =	sst s10  }
0x35: {  	s10 =	sld [smem:$0x3FB2];
	_ =	sdelay $0x3  }
0x36: {  	p1 =	seq.s32 s10, $0x1;
	s10 =	sld [smem:$0x3FB3];
	_ =	sdelay $0x3  }
0x37: {  	[smem:$0x3FB3] =	sst s10  }
0x38: {  	s10 =	sld [smem:$0x3FB4]  }
0x39: {  	_ = 	snop;
	(pc) =	sbr.ind lr, $3  }
0x3a: {  	_ = 	snop  }
0x3b: {  	_ = 	snop  }
0x3c: {  	p2 =	seq.s32 s10, $0x1;
	s10 =	sld [smem:$0x3FB3]  }
0x3d: {  	_ =	shalt  }
0x3e: {  	_ =	shalt  }
0x3f: {  	_ =	shalt  }
0x40: {  	_ =	shalt  }
0x41: {  	_ =	shalt  }
0x42: {  	_ =	shalt  }
0x43: {  	_ =	shalt  }
0x44: {  	_ =	shalt  }
0x45: {  	_ =	shalt  }
0x46: {  	_ =	shalt  }
0x47: {  	_ =	shalt  }
0x48: {  	_ =	shalt  }
0x49: {  	_ =	shalt  }
0x4a: {  	_ =	shalt  }
0x4b: {  	_ =	shalt  }
0x4c: {  	_ =	shalt  }
0x4d: {  	_ =	shalt  }
0x4e: {  	_ =	shalt  }
0x4f: {  	_ =	shalt  }
0x50: {  	_ =	shalt  }
0x51: {  	_ =	shalt  }
0x52: {  	_ =	shalt  }
0x53: {  	_ =	shalt  }
0x54: {  	_ =	shalt  }
0x55: {  	_ =	shalt  }
0x56: {  	_ =	shalt  }
0x57: {  	_ =	shalt  }
0x58: {  	_ =	shalt  }
0x59: {  	_ =	shalt  }
0x5a: {  	_ =	shalt  }
0x5b: {  	_ =	shalt  }
0x5c: {  	_ =	shalt  }
0x5d: {  	_ =	shalt  }
0x5e: {  	_ =	shalt  }
0x5f: {  	_ =	shalt  }
0x60: {  	_ =	shalt  }
0x61: {  	_ =	shalt  }
0x62: {  	_ =	shalt  }
0x63: {  	_ =	shalt  }
0x64: {  	_ =	shalt  }
0x65: {  	_ =	shalt  }
0x66: {  	_ =	shalt  }
0x67: {  	_ =	shalt  }
0x68: {  	_ =	shalt  }
0x69: {  	_ =	shalt  }
0x6a: {  	_ =	shalt  }
0x6b: {  	_ =	shalt  }
0x6c: {  	_ =	shalt  }
0x6d: {  	_ =	shalt  }
0x6e: {  	_ =	shalt  }
0x6f: {  	_ =	shalt  }
0x70: {  	_ =	shalt  }
0x71: {  	_ =	shalt  }
0x72: {  	_ =	shalt  }
0x73: {  	_ =	shalt  }
0x74: {  	_ =	shalt  }
0x75: {  	_ =	shalt  }
0x76: {  	_ =	shalt  }
0x77: {  	_ =	shalt  }
0x78: {  	_ =	shalt  }
0x79: {  	_ =	shalt  }
0x7a: {  	_ =	shalt  }
0x7b: {  	_ =	shalt  }
0x7c: {  	_ =	shalt  }
0x7d: {  	_ =	shalt  }
0x7e: {  	_ =	shalt  }
0x7f: {  	_ =	shalt  }
0x80: {  	_ =	shalt  }
0x81: {  	_ =	shalt  }
0x82: {  	_ =	shalt  }
0x83: {  	_ =	shalt  }
0x84: {  	_ =	shalt  }
0x85: {  	_ =	shalt  }
0x86: {  	_ =	shalt  }
0x87: {  	_ =	shalt  }
.Lfunc_end0:
.L_simem_size_0:
called_computation_lowered:
.L_overlay_start_0:
0x88: {  	s2 =	sld [smem:$0x3FD9]  }
0x89: {  	s3 =	sld [smem:$0x3FFE];
	_ =	sdelay $0x1  }
0x8a: {  	s1 =	srdreg.scid  }
0x8b: {  	s0 =	sand.u32 $0x1, s1  }
0x8c: {  	s16 =	sshll.u32 s0, $0xA;
	s2 =	sadd.s32 s3, s2  }
0x8d: {  	s2 =	sadd.s32 s2, s16  }
0x8e: {  	[smem:$0x3FBF] =	sst s2  }
0x8f: {  	_ = 	snop  }
0x90: {  	(tm) =	ssettm $0x1  }
0x91: {  	s17 =	sld [smem:$0x3FFB];
	_ =	sdelay $0x3  }
0x92: {  	_ =	strace s17  }
0x93: {  	s2 =	sld [smem:$0x3FFC];
	_ =	sdelay $0x3  }
0x94: {  	_ =	strace s2  }
0x95: {  	s2 =	sld [smem:$0x3FFD];
	_ =	sdelay $0x3  }
0x96: {  	_ =	strace s2  }
0x97: {  	_ =	strace $0x8FFFFFFF  }
0x98: {  	s18 =	sld [smem:$0x3FDB];
	_ =	sdelay $0x1  }
0x99: {  	s19 =	simm.s32 $_scs_section_size  }
0x9a: {  	s4 =	simm.s32 $_size__tile_overlayer_lowered;
	s5 =	simm.s32 $_tile_overlayer_lowered  }
0x9b: {  	s22 =	simm.s32 $0x1BFF;
	s21 =	sshll.u32 s5, $0x1;
	s2 =	sadd.s32 s19, s18  }
0x9c: {  	s6 =	simm.s32 $0x0;
	s20 =	sshll.u32 s4, $0x1;
	s4 =	sadd.s32 s21, s2  }
0x9d: {  	[timem:s6], [sflag:s22] =	dma.local [hbm:s4], s20  }
0x9e: {  	_ =	swait.ge [sflag:s22], s20  }
0x9f: {  	s3 =	ssub.s32 $0x0, s20;
	[sflag:s22] =	ssyncset.done $0x0  }
0xa0: {  	[sflag:s22] =	ssyncadd.s32 s3;
	_ =	sdelay $0x1  }
0xa1: {  	s23 =	simm.s32 $0x1B8B  }
0xa2: {  	_ =	swait.ge [sflag:s23], $0x1  }
0xa3: {  	[sflag:s23] =	ssyncset.done $0x0  }
0xa4: {  	s25 =	simm.s32 $0x1B8E;
	s24 =	sld [smem:$0x3FFE];
	[sflag:s23] =	ssyncadd.s32 $0xFFFFFFFF  }
0xa5: {  	s26 =	simm.s32 $execute0_lowered;
	[smem:$0x3FD2] =	sst s25  }
0xa6: {  	s4 =	sshll.u32 s26, $0x1;
	_ =	strace $0x80000046;
	[dreg:$0x1] =	wrdreg $0xFFFFFFFF  }
0xa7: {  	s28 =	simm.s32 $_size_execute0_lowered;
	s2 =	sadd.s32 s2, s4;
	[dreg:$0x0] =	wrdreg $0x0  }
0xa8: {  	s4 =	sshll.u32 s28, $0x1;
	[dreg:$0x2] =	wrdreg s2  }
0xa9: {  	[dreg:$0x3] =	wrdreg s4  }
0xaa: {  	[dreg:$0x4] =	wrdreg $0xC0  }
0xab: {  	_ =	task [dreg:s6], $0x5FFFF  }
0xac: {  	[dreg:$0x1] =	wrdreg $0xFFFFFFFF  }
0xad: {  	[dreg:$0x0] =	wrdreg $0x60  }
0xae: {  	[dreg:$0x2] =	wrdreg s24  }
0xaf: {  	[dreg:$0x3] =	wrdreg $0x68000  }
0xb0: {  	[dreg:$0x4] =	wrdreg $0x9  }
0xb1: {  	_ =	task.clear_ibuf [dreg:s6], $0x5FFFF;
	_ =	strace $0x90000046  }
0xb2: {  	s29 =	simm.s32 $0x9;
	_ =	strace $0x80000048  }
0xb3: {  	_ =	swait.ge [sflag:s29], $0x1  }
0xb4: {  	[sflag:s29] =	ssyncadd.s32 $0xFFFFFFFF  }
0xb5: {  	_ =	strace $0x90000048  }
0xb6: {  	_ =	sfence  }
0xb7: {  	s30 =	sld [smem:$0x0];
	_ =	sdelay $0x2  }
0xb8: {  	s31 =	sshll.u32 s1, $0xD;
	s1 =	sshrl.u32 s1, $0x2  }
0xb9: {  	s3 =	sand.u32 $0x4000, s31;
	s1 =	sadd.s32 s1, s30  }
0xba: {  	s0 =	sor.u32 s3, s0;
	s1 =	sshll.u32 s1, $0x11  }
0xbb: {  	s0 =	sor.u32 s1, s0  }
0xbc: {  	s0 =	sadd.s32 $0x8F2B, s0  }
0xbd: {  	[sflag:s0] =	ssyncadd.remote.s32 $0x1  }
0xbe: {  	_ =	sfence.sel $0xFFFF  }
0xbf: {  	[dreg:$0x0] =	wrdreg $0xFFFFFFFF;
	(pc) =	sbr.abs _section_cstart, $3  }
0xc0: {  	[dreg:$0x1] =	wrdreg $0xFFFFFFFF  }
0xc1: {  	_ =	task.clear_ibuf [dreg:s6], $0x2FFFF;
	_ =	strace $0x9FFFFFFF  }
0xc2: {  	(tm) =	ssettm $0x7FFFFFFF  }
0xc3: {  	_ =	shalt  }
tec
execute0_lowered:
.L_overlay_start_1:
0x0: {  	(tag) =	ssettag $0x1  }
0x1: {  	s1 =	srdreg.scid  }
0x2: {  	s0 =	stileid.u32;
	s5 =	rddreg [dreg:$0x0]  }
0x3: {  	s2 =	rddreg [dreg:$0x1];
	s3 =	simm.s32 $0x0;
	s12 =	simm.s32 $0x2800  }
0x4: {  	s4 =	sand.u32 $0x1, s1;
	s28 =	sshll.u32 s0, $0x1;
	s7 =	smul.u32 $0x13C00, s0  }
0x5: {  	[smem:$0x7FF] =	sst s3;
	s29 =	smul.u32 $0x4F000, s0;
	s31 =	sshll.u32 s0, $0x6  }
0x6: {  	s1 =	sor.u32 s4, s28;
	s8 =	smul.u32 $0x13C000, s4;
	s4 =	ssub.s32 $0x2, s4  }
0x7: {  	s6 =	smul.u32 $0x500, s1;
	s1 =	rddreg [dreg:$0x2];
	_ =	strace $0x80000047  }
0x8: {  	s9 =	sshrl.u32 s7, $0x3;
	s30 =	sshrl.u32 s4, $0x1;
	s7 =	sadd.s32 s7, s8  }
0x9: {  	s9 =	sadd.s32 s9, s5;
	s8 =	sshrl.u32 s29, $0x2;
	s10 =	ssub.s32 s4, s30  }
0xa: {  	s6 =	sadd.s32 s6, s5;
	s7 =	sshrl.u32 s7, $0x3;
	s11 =	sadd.s32 s8, s2  }
0xb: {  	s8 =	simm.s32 $0x1;
	s7 =	sadd.s32 s7, s5;
	s4 =	sadd.s32 $0x3400, s6  }
0xc: {  	s5 =	sadd.s32 $0xD400, s9;
	s9 =	sor.u32 $0x1C01, s31;
	s6 =	sadd.s32 $0x34C00, s7  }
0xd: {  	v0 =	vimm.f32 $1.000000000e+00;
	s7 =	smax.u32 s10, $0x1;
	s10 =	sshrl.u32 s11, $0x3;
	s11 =	simm.s32 $0x7D  }
.LBB2_1:
0xe: {  	s13 =	simm.s32 $0x200;
	s14 =	simm.s32 $0x0  }
.LBB2_2:
0xf: {  	p0 =	sne.s32 s13, $0xF800;
	[tilespmem:s14+$0x2800] =	vst v0;
	s14 =	smov.u32 s13;
	s13 =	sadd.s32 $0x200, s13  }
.Ltmp0:
0x10: {  	(pc) =	sbr.rel @p0 .LBB2_2-.Ltmp0, $2  }
0x11: {  	_ =	sdelay $0x2  }
0x12: {  	s14 =	sshra.s32 s14, $0x2  }
0x13: {  	[tilespmem:s14+$0x2800] =	vst v0;
	s13 =	simm.s32 $0x0  }
0x14: {  	[tilespmem:s13], [sflag:$0x1] =	stream.linear.gather [hbm4b:s4+s13], $0x2800, $0x38;
	[tilespmem:$0x8F80] =	vst v63  }
0x15: {  	_ =	swait.ge [sflag:s8], $0x2800  }
0x16: {  	[sflag:s8] =	ssyncset.done $0x0  }
0x17: {  	[sflag:s8] =	ssyncadd.s32 $0xFFFFD800  }
0x18: {  	[spmem:s10], [sflag:s9] =	dma.local [hbm:s5], $0x2780  }
0x19: {  	_ =	swait.ge [sflag:s8], $0x2780  }
0x1a: {  	[sflag:s8] =	ssyncset.done $0x0  }
0x1b: {  	[sflag:s8] =	ssyncadd.s32 $0xFFFFD880  }
0x1c: {  	s31 =	simm.s32 $0x0;
	[bflag:$0x0] =	sbarrier.arrive $0xFFFF  }
0x1d: {  	[spmem:s2] =	stream.indirect.scatter.add.f32 [tilespmem:s12], [sflag:$0x1], $0x10, s31, s11, $0xb8;
	[tilespmem:$0x8F80] =	vst v63  }
0x1e: {  	_ =	swait.ge [sflag:s8], $0x7D0  }
0x1f: {  	s13 =	simm.s32 $0x200;
	[sflag:s8] =	ssyncset.done $0x0  }
.LBB2_4:
0x20: {  	s14 =	sshra.s32 s13, $0x2;
	[sflag:s8] =	ssyncadd.s32 $0xFFFFF830;
	p0 =	sne.s32 s13, $0x9E00  }
0x21: {  	[spmem:s2] =	stream.indirect.scatter.add.f32 [tilespmem:s12], [sflag:$0x1], $0x10, s14, s11, $0xb8;
	[tilespmem:$0x8F80] =	vst v63  }
.Ltmp1:
0x22: {  	_ = 	snop;
	(pc) =	sbr.rel @p0 .LBB2_4-.Ltmp1, $4  }
0x23: {  	_ = 	snop  }
0x24: {  	s13 =	sadd.s32 $0x200, s13  }
0x25: {  	_ =	swait.ge [sflag:s8], $0x7D0  }
0x26: {  	[sflag:s8] =	ssyncset.done $0x0  }
0x27: {  	s3 =	sadd.s32 $0x1, s3  }
0x28: {  	[sflag:s8] =	ssyncadd.s32 $0xFFFFF830;
	p0 =	sne.s32 s3, s7  }
.Ltmp2:
0x29: {  	[bflag:$0x0] =	sbarrier.arrive $0xFFFF;
	(pc) =	sbr.rel @p0 .LBB2_1-.Ltmp2, $4  }
0x2a: {  	[hbm:s6], [sflag:s9] =	dma.local [spmem:s10], $0x2780  }
0x2b: {  	_ =	swait.ge [sflag:s8], $0x2780  }
0x2c: {  	[sflag:s8] =	ssyncset.done $0x0  }
0x2d: {  	[sflag:s8] =	ssyncadd.s32 $0xFFFFD880  }
0x2e: {  	_ =	sfence.sel $0x180000  }
0x2f: {  	[bflag:$0x0] =	sbarrier.arrive $0xFFFF  }
0x30: {  	p0 =	sne.s32 s0, $0x0;
	_ =	strace $0x90000047  }
0x31: {  	s0 =	sadd.s32 @!p0 $0x100000, s1;
	[bflag:$0x2] =	sbarrier.arrive $0xFFFF  }
0x32: {  	[sflag:s0] =	ssyncadd.tile.s32 @!p0 $0x1;
	_ =	shalt  }
.Lfunc_end2:
_tile_overlayer_lowered:
.L_overlay_start_2:
0x33: {  	(tag) =	ssettag $0x2  }
0x34: {  	s0 =	rddreg [dreg:$0x0];
	s2 =	stileid.u32  }
0x35: {  	s1 =	rddreg [dreg:$0x1];
	p0 =	sne.s32 s2, $0x0  }
0x36: {  	s3 =	rddreg [dreg:$0x2];
	[bflag:$0x3] =	sbarrier.arrive $0xFFFF;
	s2 =	simm.s32 @!p0 $0x1C01  }
0x37: {  	[timem:s3], [sflag:s2] =	dma.local @!p0 [hbm:s0], s1  }
0x38: {  	s0 =	simm.s32 @!p0 $0x1  }
0x39: {  	_ =	swait.ge @!p0 [sflag:s0], s1  }
0x3a: {  	s1 =	ssub.s32 @!p0 $0x0, s1;
	[sflag:s0] =	ssyncset.done @!p0 $0x0  }
0x3b: {  	[sflag:s0] =	ssyncadd.s32 @!p0 s1  }
0x3c: {  	[bflag:$0x3] =	sbarrier.arrive $0xFFFF  }
0x3d: {  	_ =	shalt  }

</sc_bundles>
